<compile_context>
chip_gen: v7x
topology: tpu7x:2x2x1
jax: 0.10.2.dev20260603
libtpu: 0.0.44.dev20260713+nightly
codegen_flags: <defaults>
</compile_context>

<pallas_src>
import jax
import jax.numpy as jnp
from jax import lax
from jax.experimental import pallas as pl
from jax.experimental.pallas import tpu as pltpu
from jax.experimental.pallas import tpu_sc as plsc

VOCAB = 1000000
MAXLEN = 200
DIM = 64
BATCH = 4096

NC, NS = 2, 16
NW = NC * NS
TB = 128
NBLK = BATCH // TB
NTILE = MAXLEN * NBLK
TPW = NTILE // NW
NBUF = 4
TSTRIDE = TB + 5
VPR = DIM // 16


def _body(xt_hbm, tab_hbm, pos_hbm, out_hbm, idx_v, pos_v, rowbufs, tbufs,
          gsems, ssems):
    wid = lax.axis_index("s") * NC + lax.axis_index("c")
    t0 = wid * TPW

    pltpu.sync_copy(xt_hbm.at[pl.ds(t0, TPW)], idx_v)
    pltpu.sync_copy(pos_hbm, pos_v)

    iotav = lax.iota(jnp.int32, 16)

    def start_gather(g, b):
        pltpu.async_copy(tab_hbm.at[idx_v.at[g]], rowbufs.at[b], gsems[b])

    def wait_gather(g, b):
        pltpu.make_async_copy(tab_hbm.at[idx_v.at[g]], rowbufs.at[b],
                              gsems[b]).wait()

    def out_slice(g):
        t = t0 + g
        return out_hbm.at[t // NBLK, :, t % NBLK]

    def start_scatter(g, b):
        pltpu.async_copy(tbufs.at[b, :, :, pl.ds(0, TB)], out_slice(g), ssems[b])

    def wait_scatter(g, b):
        pltpu.make_async_copy(tbufs.at[b, :, :, pl.ds(0, TB)], out_slice(g),
                              ssems[b]).wait()

    for b in range(NBUF - 1):
        start_gather(b, b)

    @pl.loop(0, TPW // NBUF)
    def _outer(o):
        g0 = o * NBUF
        for k in range(NBUF):
            g = g0 + k

            @pl.when(g >= 1)
            def _flush():
                start_scatter(g - 1, (k + NBUF - 1) % NBUF)

            @pl.when(g + NBUF - 1 < TPW)
            def _issue():
                start_gather(g + NBUF - 1, (k + NBUF - 1) % NBUF)

            wait_gather(g, k)

            @pl.when(g >= NBUF)
            def _recycle():
                wait_scatter(g - NBUF, k)

            p = (t0 + g) // NBLK
            pvecs = [pos_v[p, pl.ds(j * 16, 16)] for j in range(VPR)]
            rows = [iotav + j * 16 for j in range(VPR)]
            rows_cg = [r // 8 for r in rows]
            rows_cr = [r % 8 for r in rows]

            @plsc.parallel_loop(0, TB, unroll=4)
            def _transpose(r):
                rb = jnp.full((16,), r, jnp.int32)
                for j in range(VPR):
                    v = rowbufs[k, r, pl.ds(j * 16, 16)] + pvecs[j]
                    plsc.store_scatter(tbufs.at[k],
                                       [rows_cg[j], rows_cr[j], rb], v)

    start_scatter(TPW - 1, (TPW - 1) % NBUF)
    for k in range(NBUF):
        g = TPW - NBUF + k
        wait_scatter(g, g % NBUF)


@jax.jit
def kernel(x, token_table, pos_table):
    xt = x.T.reshape(NTILE, TB).astype(jnp.int32)
    mesh = plsc.VectorSubcoreMesh(core_axis_name="c", subcore_axis_name="s")
    fn = pl.kernel(
        _body,
        out_type=jax.ShapeDtypeStruct((MAXLEN, DIM // 8, BATCH // TB, 8, TB),
                                      jnp.float32),
        mesh=mesh,
        compiler_params=pltpu.CompilerParams(use_tc_tiling_on_sc=False,
                                             needs_layout_passes=False),
        scratch_types=[
            pltpu.VMEM((TPW, TB), jnp.int32),
            pltpu.VMEM((MAXLEN, DIM), jnp.float32),
            pltpu.VMEM((NBUF, TB, DIM), jnp.float32),
            pltpu.VMEM((NBUF, DIM // 8, 8, TSTRIDE), jnp.float32),
            [pltpu.SemaphoreType.DMA] * NBUF,
            [pltpu.SemaphoreType.DMA] * NBUF,
        ],
    )
    out = fn(xt, token_table, pos_table)
    return out.transpose(2, 4, 0, 1, 3).reshape(BATCH, MAXLEN, DIM)

# --- scband reference (transcript-rebuilt; emitter-appended) ---
"""Pipeline reference for scband-token-and-position-embedding-84387517432559 (READ-ONLY COPY).

The authoritative reference and input builder live on the scoring server;
editing this copy changes nothing except your own understanding.
"""

import jax, jax.numpy as jnp
import numpy as np

VOCAB_SIZE = 1000000
MAXLEN = 200
EMBED_DIM = 64
BATCH = 4096

def setup_inputs(seed: int = 0) -> dict:
    key = jax.random.key(seed)
    k1, k2, k3 = jax.random.split(key, 3)
    x = jax.random.randint(k1, (BATCH, MAXLEN), 0, VOCAB_SIZE, dtype=jnp.int64 if jax.config.jax_enable_x64 else jnp.int32)
    token_table = jax.random.normal(k2, (VOCAB_SIZE, EMBED_DIM), dtype=jnp.float32) * 0.02
    pos_table = jax.random.normal(k3, (MAXLEN, EMBED_DIM), dtype=jnp.float32) * 0.02
    return {"x": x, "token_table": token_table, "pos_table": pos_table}

def reference(x, token_table, pos_table):
    maxlen = x.shape[-1]
    positions = jnp.arange(maxlen)
    pos_embed = jnp.take(pos_table, positions, axis=0)  # [maxlen, embed_dim]
    tok_embed = jnp.take(token_table, x, axis=0)        # [batch, maxlen, embed_dim]
    return tok_embed + pos_embed

if __name__ == "__main__":
    import jax
    _d = setup_inputs()
    print(jax.jit(kernel)(*tuple(_d.values())))

</pallas_src>

<mosaic_0001>
#map = affine_map<(d0, d1) -> (0, 0)>
#map1 = affine_map<(d0, d1) -> (0, 0, 0, 0, 0)>
module attributes {stable_mosaic.version = 14 : i64} {
  func.func @_body(%arg0: i32, %arg1: i32, %arg2: memref<6400x128xi32, #tpu.memory_space<hbm>>, %arg3: memref<1000000x64xf32, #tpu.memory_space<hbm>>, %arg4: memref<200x64xf32, #tpu.memory_space<hbm>>, %arg5: memref<200x8x32x8x128xf32, #tpu.memory_space<hbm>>, %arg6: memref<200x128xi32, #tpu.memory_space<vmem>>, %arg7: memref<200x64xf32, #tpu.memory_space<vmem>>, %arg8: memref<4x128x64xf32, #tpu.memory_space<vmem>>, %arg9: memref<4x8x8x133xf32, #tpu.memory_space<vmem>>, %arg10: memref<!tpu.dma_semaphore, #tpu.memory_space<semaphore_mem>>, %arg11: memref<!tpu.dma_semaphore, #tpu.memory_space<semaphore_mem>>, %arg12: memref<!tpu.dma_semaphore, #tpu.memory_space<semaphore_mem>>, %arg13: memref<!tpu.dma_semaphore, #tpu.memory_space<semaphore_mem>>, %arg14: memref<!tpu.dma_semaphore, #tpu.memory_space<semaphore_mem>>, %arg15: memref<!tpu.dma_semaphore, #tpu.memory_space<semaphore_mem>>, %arg16: memref<!tpu.dma_semaphore, #tpu.memory_space<semaphore_mem>>, %arg17: memref<!tpu.dma_semaphore, #tpu.memory_space<semaphore_mem>>) attributes {dimension_semantics = [#tpu.dimension_semantics<core_parallel>, #tpu.dimension_semantics<subcore_parallel>], iteration_bounds = array<i64: 2, 16>, scalar_prefetch = 0 : i64, scratch_operands = 12 : i64, tpu.core_type = #tpu.core_type<sc_vector_subcore>, window_params = [{transform_indices = #map}, {transform_indices = #map}, {transform_indices = #map}, {transform_indices = #map1}]} {
    %mul3A = arith.constant 2 : i32
    %mul3A_0 = arith.muli %arg1, %mul3A : i32
    %add3A = arith.addi %mul3A_0, %arg0 : i32
    %mul3A_1 = arith.constant 200 : i32
    %mul3A_2 = arith.muli %add3A, %mul3A_1 : i32
    "tpu.region"() ({
      %run_scoped3A = tpu.sem_alloc : memref<!tpu.dma_semaphore, #tpu.memory_space<semaphore_mem>>
      %dma_start3A_346 = arith.constant 0 : i32
      %dma_start3A_347 = tpu.memref_slice %arg2[%mul3A_2, %dma_start3A_346] : memref<6400x128xi32, #tpu.memory_space<hbm>> -> memref<200x128xi32, #tpu.memory_space<hbm>>
      %dma_start3A_348 = arith.constant 0 : i32
      %dma_start3A_349 = tpu.memref_slice %arg2[%mul3A_2, %dma_start3A_348] : memref<6400x128xi32, #tpu.memory_space<hbm>> -> memref<200x128xi32, #tpu.memory_space<hbm>>
      tpu.enqueue_dma source(%dma_start3A_349 : memref<200x128xi32, #tpu.memory_space<hbm>>) target(%arg6 : memref<200x128xi32, #tpu.memory_space<vmem>>) target_semaphore(%run_scoped3A : memref<!tpu.dma_semaphore, #tpu.memory_space<semaphore_mem>>)
      %dma_wait3A_350 = arith.constant 0 : i32
      %dma_wait3A_351 = tpu.memref_slice %arg2[%mul3A_2, %dma_wait3A_350] : memref<6400x128xi32, #tpu.memory_space<hbm>> -> memref<200x128xi32, #tpu.memory_space<hbm>>
      %dma_wait3A_352 = arith.constant 0 : i32
      %dma_wait3A_353 = tpu.memref_slice %arg2[%mul3A_2, %dma_wait3A_352] : memref<6400x128xi32, #tpu.memory_space<hbm>> -> memref<200x128xi32, #tpu.memory_space<hbm>>
      tpu.wait_dma2 semaphore(%run_scoped3A : memref<!tpu.dma_semaphore, #tpu.memory_space<semaphore_mem>>) src(%dma_wait3A_353 : memref<200x128xi32, #tpu.memory_space<hbm>>) dst(%arg6 : memref<200x128xi32, #tpu.memory_space<vmem>>)
      tpu.yield
    }) : () -> ()
    "tpu.region"() ({
      %run_scoped3A = tpu.sem_alloc : memref<!tpu.dma_semaphore, #tpu.memory_space<semaphore_mem>>
      tpu.enqueue_dma source(%arg4 : memref<200x64xf32, #tpu.memory_space<hbm>>) target(%arg7 : memref<200x64xf32, #tpu.memory_space<vmem>>) target_semaphore(%run_scoped3A : memref<!tpu.dma_semaphore, #tpu.memory_space<semaphore_mem>>)
      tpu.wait_dma2 semaphore(%run_scoped3A : memref<!tpu.dma_semaphore, #tpu.memory_space<semaphore_mem>>) src(%arg4 : memref<200x64xf32, #tpu.memory_space<hbm>>) dst(%arg7 : memref<200x64xf32, #tpu.memory_space<vmem>>)
      tpu.yield
    }) : () -> ()
    %iota3A = tpu.iota {dimensions = array<i32: 0>} : vector<16xi32>
    %dma_start3A = arith.constant 0 : i32
    %dma_start3A_3 = arith.constant 0 : i32
    %dma_start3A_4 = arith.constant 0 : i32
    %dma_start3A_5 = arith.constant 0 : i32
    %dma_start3A_6 = tpu.memref_slice %arg8[%dma_start3A_3, %dma_start3A_4, %dma_start3A_5] : memref<4x128x64xf32, #tpu.memory_space<vmem>> -> memref<1x128x64xf32, #tpu.memory_space<vmem>>
    %dma_start3A_7 = tpu.memref_squeeze %dma_start3A_6 : memref<1x128x64xf32, #tpu.memory_space<vmem>> -> memref<128x64xf32, #tpu.memory_space<vmem>>
    %dma_start3A_8 = arith.constant 0 : i32
    %dma_start3A_9 = tpu.memref_slice %arg6[%dma_start3A, %dma_start3A_8] : memref<200x128xi32, #tpu.memory_space<vmem>> -> memref<1x128xi32, #tpu.memory_space<vmem>>
    %dma_start3A_10 = tpu.memref_squeeze %dma_start3A_9 : memref<1x128xi32, #tpu.memory_space<vmem>> -> memref<128xi32, #tpu.memory_space<vmem>>
    %dma_start3A_11 = arith.constant 0 : i32
    %dma_start3A_12 = arith.constant 0 : i32
    %dma_start3A_13 = tpu.memref_slice %arg3[%dma_start3A_11, %dma_start3A_12] : memref<1000000x64xf32, #tpu.memory_space<hbm>> -> memref<1000000x64xf32, #tpu.memory_space<hbm>>
    tpu.enqueue_indirect_dma source(%dma_start3A_13 : memref<1000000x64xf32, #tpu.memory_space<hbm>>) target(%dma_start3A_7 : memref<128x64xf32, #tpu.memory_space<vmem>>) offsets(%dma_start3A_10 : memref<128xi32, #tpu.memory_space<vmem>>) semaphore(%arg10 : memref<!tpu.dma_semaphore, #tpu.memory_space<semaphore_mem>>)
    %dma_start3A_14 = arith.constant 1 : i32
    %dma_start3A_15 = arith.constant 1 : i32
    %dma_start3A_16 = arith.constant 0 : i32
    %dma_start3A_17 = arith.constant 0 : i32
    %dma_start3A_18 = tpu.memref_slice %arg8[%dma_start3A_15, %dma_start3A_16, %dma_start3A_17] : memref<4x128x64xf32, #tpu.memory_space<vmem>> -> memref<1x128x64xf32, #tpu.memory_space<vmem>>
    %dma_start3A_19 = tpu.memref_squeeze %dma_start3A_18 : memref<1x128x64xf32, #tpu.memory_space<vmem>> -> memref<128x64xf32, #tpu.memory_space<vmem>>
    %dma_start3A_20 = arith.constant 0 : i32
    %dma_start3A_21 = tpu.memref_slice %arg6[%dma_start3A_14, %dma_start3A_20] : memref<200x128xi32, #tpu.memory_space<vmem>> -> memref<1x128xi32, #tpu.memory_space<vmem>>
    %dma_start3A_22 = tpu.memref_squeeze %dma_start3A_21 : memref<1x128xi32, #tpu.memory_space<vmem>> -> memref<128xi32, #tpu.memory_space<vmem>>
    %dma_start3A_23 = arith.constant 0 : i32
    %dma_start3A_24 = arith.constant 0 : i32
    %dma_start3A_25 = tpu.memref_slice %arg3[%dma_start3A_23, %dma_start3A_24] : memref<1000000x64xf32, #tpu.memory_space<hbm>> -> memref<1000000x64xf32, #tpu.memory_space<hbm>>
    tpu.enqueue_indirect_dma source(%dma_start3A_25 : memref<1000000x64xf32, #tpu.memory_space<hbm>>) target(%dma_start3A_19 : memref<128x64xf32, #tpu.memory_space<vmem>>) offsets(%dma_start3A_22 : memref<128xi32, #tpu.memory_space<vmem>>) semaphore(%arg11 : memref<!tpu.dma_semaphore, #tpu.memory_space<semaphore_mem>>)
    %dma_start3A_26 = arith.constant 2 : i32
    %dma_start3A_27 = arith.constant 2 : i32
    %dma_start3A_28 = arith.constant 0 : i32
    %dma_start3A_29 = arith.constant 0 : i32
    %dma_start3A_30 = tpu.memref_slice %arg8[%dma_start3A_27, %dma_start3A_28, %dma_start3A_29] : memref<4x128x64xf32, #tpu.memory_space<vmem>> -> memref<1x128x64xf32, #tpu.memory_space<vmem>>
    %dma_start3A_31 = tpu.memref_squeeze %dma_start3A_30 : memref<1x128x64xf32, #tpu.memory_space<vmem>> -> memref<128x64xf32, #tpu.memory_space<vmem>>
    %dma_start3A_32 = arith.constant 0 : i32
    %dma_start3A_33 = tpu.memref_slice %arg6[%dma_start3A_26, %dma_start3A_32] : memref<200x128xi32, #tpu.memory_space<vmem>> -> memref<1x128xi32, #tpu.memory_space<vmem>>
    %dma_start3A_34 = tpu.memref_squeeze %dma_start3A_33 : memref<1x128xi32, #tpu.memory_space<vmem>> -> memref<128xi32, #tpu.memory_space<vmem>>
    %dma_start3A_35 = arith.constant 0 : i32
    %dma_start3A_36 = arith.constant 0 : i32
    %dma_start3A_37 = tpu.memref_slice %arg3[%dma_start3A_35, %dma_start3A_36] : memref<1000000x64xf32, #tpu.memory_space<hbm>> -> memref<1000000x64xf32, #tpu.memory_space<hbm>>
    tpu.enqueue_indirect_dma source(%dma_start3A_37 : memref<1000000x64xf32, #tpu.memory_space<hbm>>) target(%dma_start3A_31 : memref<128x64xf32, #tpu.memory_space<vmem>>) offsets(%dma_start3A_34 : memref<128xi32, #tpu.memory_space<vmem>>) semaphore(%arg12 : memref<!tpu.dma_semaphore, #tpu.memory_space<semaphore_mem>>)
    %scan3A = arith.constant 0 : i32
    %scan3A_38 = arith.constant 50 : i32
    %scan3A_39 = arith.addi %scan3A, %scan3A_38 : i32
    %scan3A_40 = arith.constant 1 : i32
    scf.for %scan3A_346 = %scan3A to %scan3A_39 step %scan3A_40  : i32 {
      %mul3A_347 = arith.constant 1 : i32
      %mul3A_348 = arith.muli %scan3A_346, %mul3A_347 : i32
      %add3A_349 = arith.constant 0 : i32
      %add3A_350 = arith.addi %add3A_349, %mul3A_348 : i32
      %mul3A_351 = arith.constant 4 : i32
      %mul3A_352 = arith.muli %add3A_350, %mul3A_351 : i32
      %add3A_353 = arith.constant 0 : i32
      %add3A_354 = arith.addi %mul3A_352, %add3A_353 : i32
      %ge3A = arith.constant 1 : i32
      %ge3A_355 = arith.cmpi sge, %add3A_354, %ge3A : i32
      %convert_element_type3A = arith.extui %ge3A_355 : i1 to i32
      %cond3A = arith.constant 0 : i32
      %cond3A_356 = arith.cmpi ne, %convert_element_type3A, %cond3A : i32
      scf.if %cond3A_356 {
        %sub3A_1532 = arith.constant 1 : i32
        %sub3A_1533 = arith.subi %add3A_354, %sub3A_1532 : i32
        %add3A_1534 = arith.addi %mul3A_2, %sub3A_1533 : i32
        %jit3A_1535 = arith.constant 32 : i32
        %div3A_1536 = arith.divsi %add3A_1534, %jit3A_1535 : i32
        %sign3A_1537 = arith.constant 0 : i32
        %sign3A_1538 = arith.cmpi sgt, %add3A_1534, %sign3A_1537 : i32
        %sign3A_1539 = arith.extui %sign3A_1538 : i1 to i32
        %sign3A_1540 = arith.constant 0 : i32
        %sign3A_1541 = arith.cmpi slt, %add3A_1534, %sign3A_1540 : i32
        %sign3A_1542 = arith.extui %sign3A_1541 : i1 to i32
        %sign3A_1543 = arith.subi %sign3A_1539, %sign3A_1542 : i32
        %sign3A_1544 = arith.constant 0 : i32
        %sign3A_1545 = arith.cmpi sgt, %jit3A_1535, %sign3A_1544 : i32
        %sign3A_1546 = arith.extui %sign3A_1545 : i1 to i32
        %sign3A_1547 = arith.constant 0 : i32
        %sign3A_1548 = arith.cmpi slt, %jit3A_1535, %sign3A_1547 : i32
        %sign3A_1549 = arith.extui %sign3A_1548 : i1 to i32
        %sign3A_1550 = arith.subi %sign3A_1546, %sign3A_1549 : i32
        %ne3A_1551 = arith.cmpi ne, %sign3A_1543, %sign3A_1550 : i32
        %rem3A_1552 = arith.remsi %add3A_1534, %jit3A_1535 : i32
        %ne3A_1553 = arith.constant 0 : i32
        %ne3A_1554 = arith.cmpi ne, %rem3A_1552, %ne3A_1553 : i32
        %and3A_1555 = arith.andi %ne3A_1551, %ne3A_1554 : i1
        %sub3A_1556 = arith.constant 1 : i32
        %sub3A_1557 = arith.subi %div3A_1536, %sub3A_1556 : i32
        %select_n3A_1558 = arith.select %and3A_1555, %sub3A_1557, %div3A_1536 : i32
        %jit3A_1559 = arith.constant 32 : i32
        %eq3A_1560 = arith.constant 0 : i32
        %eq3A_1561 = arith.cmpi eq, %jit3A_1559, %eq3A_1560 : i32
        %jit3A_1562 = arith.constant 1 : i32
        %select_n3A_1563 = arith.select %eq3A_1561, %jit3A_1562, %jit3A_1559 : i32
        %rem3A_1564 = arith.remsi %add3A_1534, %select_n3A_1563 : i32
        %ne3A_1565 = arith.constant 0 : i32
        %ne3A_1566 = arith.cmpi ne, %rem3A_1564, %ne3A_1565 : i32
        %lt3A_1567 = arith.constant 0 : i32
        %lt3A_1568 = arith.cmpi slt, %rem3A_1564, %lt3A_1567 : i32
        %lt3A_1569 = arith.constant 0 : i32
        %lt3A_1570 = arith.cmpi slt, %select_n3A_1563, %lt3A_1569 : i32
        %ne3A_1571 = arith.xori %lt3A_1568, %lt3A_1570 : i1
        %and3A_1572 = arith.andi %ne3A_1571, %ne3A_1566 : i1
        %add3A_1573 = arith.addi %rem3A_1564, %select_n3A_1563 : i32
        %select_n3A_1574 = arith.select %and3A_1572, %add3A_1573, %rem3A_1564 : i32
        %dma_start3A_1575 = arith.constant 3 : i32
        %dma_start3A_1576 = arith.constant 0 : i32
        %dma_start3A_1577 = arith.constant 0 : i32
        %dma_start3A_1578 = arith.constant 0 : i32
        %dma_start3A_1579 = tpu.memref_slice %arg9[%dma_start3A_1575, %dma_start3A_1576, %dma_start3A_1577, %dma_start3A_1578] : memref<4x8x8x133xf32, #tpu.memory_space<vmem>> -> memref<1x8x8x128xf32, #tpu.memory_space<vmem>>
        %dma_start3A_1580 = tpu.memref_squeeze %dma_start3A_1579 : memref<1x8x8x128xf32, #tpu.memory_space<vmem>> -> memref<8x8x128xf32, #tpu.memory_space<vmem>>
        %dma_start3A_1581 = arith.constant 0 : i32
        %dma_start3A_1582 = arith.constant 0 : i32
        %dma_start3A_1583 = arith.constant 0 : i32
        %dma_start3A_1584 = tpu.memref_slice %arg5[%select_n3A_1558, %dma_start3A_1581, %select_n3A_1574, %dma_start3A_1582, %dma_start3A_1583] : memref<200x8x32x8x128xf32, #tpu.memory_space<hbm>> -> memref<1x8x1x8x128xf32, #tpu.memory_space<hbm>>
        %dma_start3A_1585 = tpu.memref_squeeze %dma_start3A_1584 : memref<1x8x1x8x128xf32, #tpu.memory_space<hbm>> -> memref<8x8x128xf32, #tpu.memory_space<hbm>>
        %dma_start3A_1586 = arith.constant 0 : i32
        %dma_start3A_1587 = arith.constant 0 : i32
        %dma_start3A_1588 = arith.constant 0 : i32
        %dma_start3A_1589 = tpu.memref_slice %arg5[%select_n3A_1558, %dma_start3A_1586, %select_n3A_1574, %dma_start3A_1587, %dma_start3A_1588] : memref<200x8x32x8x128xf32, #tpu.memory_space<hbm>> -> memref<1x8x1x8x128xf32, #tpu.memory_space<hbm>>
        %dma_start3A_1590 = tpu.memref_squeeze %dma_start3A_1589 : memref<1x8x1x8x128xf32, #tpu.memory_space<hbm>> -> memref<8x8x128xf32, #tpu.memory_space<hbm>>
        %dma_start3A_1591 = arith.constant 0 : i32
        %dma_start3A_1592 = arith.constant 0 : i32
        %dma_start3A_1593 = arith.constant 0 : i32
        %dma_start3A_1594 = tpu.memref_slice %arg9[%dma_start3A_1575, %dma_start3A_1591, %dma_start3A_1592, %dma_start3A_1593] : memref<4x8x8x133xf32, #tpu.memory_space<vmem>> -> memref<1x8x8x128xf32, #tpu.memory_space<vmem>>
        %dma_start3A_1595 = tpu.memref_squeeze %dma_start3A_1594 : memref<1x8x8x128xf32, #tpu.memory_space<vmem>> -> memref<8x8x128xf32, #tpu.memory_space<vmem>>
        tpu.enqueue_dma source(%dma_start3A_1595 : memref<8x8x128xf32, #tpu.memory_space<vmem>>) target(%dma_start3A_1590 : memref<8x8x128xf32, #tpu.memory_space<hbm>>) target_semaphore(%arg17 : memref<!tpu.dma_semaphore, #tpu.memory_space<semaphore_mem>>)
      } else {
      }
      %add3A_357 = arith.constant 4 : i32
      %add3A_358 = arith.addi %add3A_354, %add3A_357 : i32
      %sub3A_359 = arith.constant 1 : i32
      %sub3A_360 = arith.subi %add3A_358, %sub3A_359 : i32
      %lt3A_361 = arith.constant 200 : i32
      %lt3A_362 = arith.cmpi slt, %sub3A_360, %lt3A_361 : i32
      %convert_element_type3A_363 = arith.extui %lt3A_362 : i1 to i32
      %cond3A_364 = arith.constant 0 : i32
      %cond3A_365 = arith.cmpi ne, %convert_element_type3A_363, %cond3A_364 : i32
      scf.if %cond3A_365 {
        %add3A_1532 = arith.constant 4 : i32
        %add3A_1533 = arith.addi %add3A_354, %add3A_1532 : i32
        %sub3A_1534 = arith.constant 1 : i32
        %sub3A_1535 = arith.subi %add3A_1533, %sub3A_1534 : i32
        %dma_start3A_1536 = arith.constant 3 : i32
        %dma_start3A_1537 = arith.constant 0 : i32
        %dma_start3A_1538 = arith.constant 0 : i32
        %dma_start3A_1539 = tpu.memref_slice %arg8[%dma_start3A_1536, %dma_start3A_1537, %dma_start3A_1538] : memref<4x128x64xf32, #tpu.memory_space<vmem>> -> memref<1x128x64xf32, #tpu.memory_space<vmem>>
        %dma_start3A_1540 = tpu.memref_squeeze %dma_start3A_1539 : memref<1x128x64xf32, #tpu.memory_space<vmem>> -> memref<128x64xf32, #tpu.memory_space<vmem>>
        %dma_start3A_1541 = arith.constant 0 : i32
        %dma_start3A_1542 = tpu.memref_slice %arg6[%sub3A_1535, %dma_start3A_1541] : memref<200x128xi32, #tpu.memory_space<vmem>> -> memref<1x128xi32, #tpu.memory_space<vmem>>
        %dma_start3A_1543 = tpu.memref_squeeze %dma_start3A_1542 : memref<1x128xi32, #tpu.memory_space<vmem>> -> memref<128xi32, #tpu.memory_space<vmem>>
        %dma_start3A_1544 = arith.constant 0 : i32
        %dma_start3A_1545 = arith.constant 0 : i32
        %dma_start3A_1546 = tpu.memref_slice %arg3[%dma_start3A_1544, %dma_start3A_1545] : memref<1000000x64xf32, #tpu.memory_space<hbm>> -> memref<1000000x64xf32, #tpu.memory_space<hbm>>
        tpu.enqueue_indirect_dma source(%dma_start3A_1546 : memref<1000000x64xf32, #tpu.memory_space<hbm>>) target(%dma_start3A_1540 : memref<128x64xf32, #tpu.memory_space<vmem>>) offsets(%dma_start3A_1543 : memref<128xi32, #tpu.memory_space<vmem>>) semaphore(%arg13 : memref<!tpu.dma_semaphore, #tpu.memory_space<semaphore_mem>>)
      } else {
      }
      %dma_wait3A_366 = arith.constant 0 : i32
      %dma_wait3A_367 = arith.constant 0 : i32
      %dma_wait3A_368 = arith.constant 0 : i32
      %dma_wait3A_369 = tpu.memref_slice %arg8[%dma_wait3A_366, %dma_wait3A_367, %dma_wait3A_368] : memref<4x128x64xf32, #tpu.memory_space<vmem>> -> memref<1x128x64xf32, #tpu.memory_space<vmem>>
      %dma_wait3A_370 = tpu.memref_squeeze %dma_wait3A_369 : memref<1x128x64xf32, #tpu.memory_space<vmem>> -> memref<128x64xf32, #tpu.memory_space<vmem>>
      %dma_wait3A_371 = arith.constant 0 : i32
      %dma_wait3A_372 = tpu.memref_slice %arg6[%add3A_354, %dma_wait3A_371] : memref<200x128xi32, #tpu.memory_space<vmem>> -> memref<1x128xi32, #tpu.memory_space<vmem>>
      %dma_wait3A_373 = tpu.memref_squeeze %dma_wait3A_372 : memref<1x128xi32, #tpu.memory_space<vmem>> -> memref<128xi32, #tpu.memory_space<vmem>>
      %dma_wait3A_374 = arith.constant 0 : i32
      %dma_wait3A_375 = arith.constant 0 : i32
      %dma_wait3A_376 = tpu.memref_slice %arg3[%dma_wait3A_374, %dma_wait3A_375] : memref<1000000x64xf32, #tpu.memory_space<hbm>> -> memref<1000000x64xf32, #tpu.memory_space<hbm>>
      tpu.wait_indirect_dma semaphore(%arg10 : memref<!tpu.dma_semaphore, #tpu.memory_space<semaphore_mem>>) src(%dma_wait3A_376 : memref<1000000x64xf32, #tpu.memory_space<hbm>>) dst(%dma_wait3A_370 : memref<128x64xf32, #tpu.memory_space<vmem>>)
      %ge3A_377 = arith.constant 4 : i32
      %ge3A_378 = arith.cmpi sge, %add3A_354, %ge3A_377 : i32
      %convert_element_type3A_379 = arith.extui %ge3A_378 : i1 to i32
      %cond3A_380 = arith.constant 0 : i32
      %cond3A_381 = arith.cmpi ne, %convert_element_type3A_379, %cond3A_380 : i32
      scf.if %cond3A_381 {
        %sub3A_1532 = arith.constant 4 : i32
        %sub3A_1533 = arith.subi %add3A_354, %sub3A_1532 : i32
        %add3A_1534 = arith.addi %mul3A_2, %sub3A_1533 : i32
        %jit3A_1535 = arith.constant 32 : i32
        %div3A_1536 = arith.divsi %add3A_1534, %jit3A_1535 : i32
        %sign3A_1537 = arith.constant 0 : i32
        %sign3A_1538 = arith.cmpi sgt, %add3A_1534, %sign3A_1537 : i32
        %sign3A_1539 = arith.extui %sign3A_1538 : i1 to i32
        %sign3A_1540 = arith.constant 0 : i32
        %sign3A_1541 = arith.cmpi slt, %add3A_1534, %sign3A_1540 : i32
        %sign3A_1542 = arith.extui %sign3A_1541 : i1 to i32
        %sign3A_1543 = arith.subi %sign3A_1539, %sign3A_1542 : i32
        %sign3A_1544 = arith.constant 0 : i32
        %sign3A_1545 = arith.cmpi sgt, %jit3A_1535, %sign3A_1544 : i32
        %sign3A_1546 = arith.extui %sign3A_1545 : i1 to i32
        %sign3A_1547 = arith.constant 0 : i32
        %sign3A_1548 = arith.cmpi slt, %jit3A_1535, %sign3A_1547 : i32
        %sign3A_1549 = arith.extui %sign3A_1548 : i1 to i32
        %sign3A_1550 = arith.subi %sign3A_1546, %sign3A_1549 : i32
        %ne3A_1551 = arith.cmpi ne, %sign3A_1543, %sign3A_1550 : i32
        %rem3A_1552 = arith.remsi %add3A_1534, %jit3A_1535 : i32
        %ne3A_1553 = arith.constant 0 : i32
        %ne3A_1554 = arith.cmpi ne, %rem3A_1552, %ne3A_1553 : i32
        %and3A_1555 = arith.andi %ne3A_1551, %ne3A_1554 : i1
        %sub3A_1556 = arith.constant 1 : i32
        %sub3A_1557 = arith.subi %div3A_1536, %sub3A_1556 : i32
        %select_n3A_1558 = arith.select %and3A_1555, %sub3A_1557, %div3A_1536 : i32
        %jit3A_1559 = arith.constant 32 : i32
        %eq3A_1560 = arith.constant 0 : i32
        %eq3A_1561 = arith.cmpi eq, %jit3A_1559, %eq3A_1560 : i32
        %jit3A_1562 = arith.constant 1 : i32
        %select_n3A_1563 = arith.select %eq3A_1561, %jit3A_1562, %jit3A_1559 : i32
        %rem3A_1564 = arith.remsi %add3A_1534, %select_n3A_1563 : i32
        %ne3A_1565 = arith.constant 0 : i32
        %ne3A_1566 = arith.cmpi ne, %rem3A_1564, %ne3A_1565 : i32
        %lt3A_1567 = arith.constant 0 : i32
        %lt3A_1568 = arith.cmpi slt, %rem3A_1564, %lt3A_1567 : i32
        %lt3A_1569 = arith.constant 0 : i32
        %lt3A_1570 = arith.cmpi slt, %select_n3A_1563, %lt3A_1569 : i32
        %ne3A_1571 = arith.xori %lt3A_1568, %lt3A_1570 : i1
        %and3A_1572 = arith.andi %ne3A_1571, %ne3A_1566 : i1
        %add3A_1573 = arith.addi %rem3A_1564, %select_n3A_1563 : i32
        %select_n3A_1574 = arith.select %and3A_1572, %add3A_1573, %rem3A_1564 : i32
        %dma_wait3A_1575 = arith.constant 0 : i32
        %dma_wait3A_1576 = arith.constant 0 : i32
        %dma_wait3A_1577 = arith.constant 0 : i32
        %dma_wait3A_1578 = arith.constant 0 : i32
        %dma_wait3A_1579 = tpu.memref_slice %arg9[%dma_wait3A_1575, %dma_wait3A_1576, %dma_wait3A_1577, %dma_wait3A_1578] : memref<4x8x8x133xf32, #tpu.memory_space<vmem>> -> memref<1x8x8x128xf32, #tpu.memory_space<vmem>>
        %dma_wait3A_1580 = tpu.memref_squeeze %dma_wait3A_1579 : memref<1x8x8x128xf32, #tpu.memory_space<vmem>> -> memref<8x8x128xf32, #tpu.memory_space<vmem>>
        %dma_wait3A_1581 = arith.constant 0 : i32
        %dma_wait3A_1582 = arith.constant 0 : i32
        %dma_wait3A_1583 = arith.constant 0 : i32
        %dma_wait3A_1584 = tpu.memref_slice %arg5[%select_n3A_1558, %dma_wait3A_1581, %select_n3A_1574, %dma_wait3A_1582, %dma_wait3A_1583] : memref<200x8x32x8x128xf32, #tpu.memory_space<hbm>> -> memref<1x8x1x8x128xf32, #tpu.memory_space<hbm>>
        %dma_wait3A_1585 = tpu.memref_squeeze %dma_wait3A_1584 : memref<1x8x1x8x128xf32, #tpu.memory_space<hbm>> -> memref<8x8x128xf32, #tpu.memory_space<hbm>>
        %dma_wait3A_1586 = arith.constant 0 : i32
        %dma_wait3A_1587 = arith.constant 0 : i32
        %dma_wait3A_1588 = arith.constant 0 : i32
        %dma_wait3A_1589 = tpu.memref_slice %arg5[%select_n3A_1558, %dma_wait3A_1586, %select_n3A_1574, %dma_wait3A_1587, %dma_wait3A_1588] : memref<200x8x32x8x128xf32, #tpu.memory_space<hbm>> -> memref<1x8x1x8x128xf32, #tpu.memory_space<hbm>>
        %dma_wait3A_1590 = tpu.memref_squeeze %dma_wait3A_1589 : memref<1x8x1x8x128xf32, #tpu.memory_space<hbm>> -> memref<8x8x128xf32, #tpu.memory_space<hbm>>
        %dma_wait3A_1591 = arith.constant 0 : i32
        %dma_wait3A_1592 = arith.constant 0 : i32
        %dma_wait3A_1593 = arith.constant 0 : i32
        %dma_wait3A_1594 = tpu.memref_slice %arg9[%dma_wait3A_1575, %dma_wait3A_1591, %dma_wait3A_1592, %dma_wait3A_1593] : memref<4x8x8x133xf32, #tpu.memory_space<vmem>> -> memref<1x8x8x128xf32, #tpu.memory_space<vmem>>
        %dma_wait3A_1595 = tpu.memref_squeeze %dma_wait3A_1594 : memref<1x8x8x128xf32, #tpu.memory_space<vmem>> -> memref<8x8x128xf32, #tpu.memory_space<vmem>>
        tpu.wait_dma2 semaphore(%arg14 : memref<!tpu.dma_semaphore, #tpu.memory_space<semaphore_mem>>) src(%dma_wait3A_1595 : memref<8x8x128xf32, #tpu.memory_space<vmem>>) dst(%dma_wait3A_1590 : memref<8x8x128xf32, #tpu.memory_space<hbm>>)
      } else {
      }
      %add3A_382 = arith.addi %mul3A_2, %add3A_354 : i32
      %jit3A_383 = arith.constant 32 : i32
      %div3A_384 = arith.divsi %add3A_382, %jit3A_383 : i32
      %sign3A_385 = arith.constant 0 : i32
      %sign3A_386 = arith.cmpi sgt, %add3A_382, %sign3A_385 : i32
      %sign3A_387 = arith.extui %sign3A_386 : i1 to i32
      %sign3A_388 = arith.constant 0 : i32
      %sign3A_389 = arith.cmpi slt, %add3A_382, %sign3A_388 : i32
      %sign3A_390 = arith.extui %sign3A_389 : i1 to i32
      %sign3A_391 = arith.subi %sign3A_387, %sign3A_390 : i32
      %sign3A_392 = arith.constant 0 : i32
      %sign3A_393 = arith.cmpi sgt, %jit3A_383, %sign3A_392 : i32
      %sign3A_394 = arith.extui %sign3A_393 : i1 to i32
      %sign3A_395 = arith.constant 0 : i32
      %sign3A_396 = arith.cmpi slt, %jit3A_383, %sign3A_395 : i32
      %sign3A_397 = arith.extui %sign3A_396 : i1 to i32
      %sign3A_398 = arith.subi %sign3A_394, %sign3A_397 : i32
      %ne3A_399 = arith.cmpi ne, %sign3A_391, %sign3A_398 : i32
      %rem3A_400 = arith.remsi %add3A_382, %jit3A_383 : i32
      %ne3A_401 = arith.constant 0 : i32
      %ne3A_402 = arith.cmpi ne, %rem3A_400, %ne3A_401 : i32
      %and3A_403 = arith.andi %ne3A_399, %ne3A_402 : i1
      %sub3A_404 = arith.constant 1 : i32
      %sub3A_405 = arith.subi %div3A_384, %sub3A_404 : i32
      %select_n3A_406 = arith.select %and3A_403, %sub3A_405, %div3A_384 : i32
      %get3A = arith.index_cast %select_n3A_406 : i32 to index
      %get3A_407 = arith.constant 0 : index
      %get3A_408 = tpu.vector_load %arg7[%get3A, %get3A_407] {strides = array<i32>} : memref<200x64xf32, #tpu.memory_space<vmem>>, vector<16xf32>,
      %get3A_409 = arith.index_cast %select_n3A_406 : i32 to index
      %get3A_410 = arith.constant 16 : index
      %get3A_411 = tpu.vector_load %arg7[%get3A_409, %get3A_410] {strides = array<i32>} : memref<200x64xf32, #tpu.memory_space<vmem>>, vector<16xf32>,
      %get3A_412 = arith.index_cast %select_n3A_406 : i32 to index
      %get3A_413 = arith.constant 32 : index
      %get3A_414 = tpu.vector_load %arg7[%get3A_412, %get3A_413] {strides = array<i32>} : memref<200x64xf32, #tpu.memory_space<vmem>>, vector<16xf32>,
      %get3A_415 = arith.index_cast %select_n3A_406 : i32 to index
      %get3A_416 = arith.constant 48 : index
      %get3A_417 = tpu.vector_load %arg7[%get3A_415, %get3A_416] {strides = array<i32>} : memref<200x64xf32, #tpu.memory_space<vmem>>, vector<16xf32>,
      %add3A_418 = arith.constant 0 : i32
      %add3A_419 = vector.broadcast %add3A_418 : i32 to vector<16xi32>
      %add3A_420 = arith.addi %iota3A, %add3A_419 : vector<16xi32>
      %add3A_421 = arith.constant 16 : i32
      %add3A_422 = vector.broadcast %add3A_421 : i32 to vector<16xi32>
      %add3A_423 = arith.addi %iota3A, %add3A_422 : vector<16xi32>
      %add3A_424 = arith.constant 32 : i32
      %add3A_425 = vector.broadcast %add3A_424 : i32 to vector<16xi32>
      %add3A_426 = arith.addi %iota3A, %add3A_425 : vector<16xi32>
      %add3A_427 = arith.constant 48 : i32
      %add3A_428 = vector.broadcast %add3A_427 : i32 to vector<16xi32>
      %add3A_429 = arith.addi %iota3A, %add3A_428 : vector<16xi32>
      %jit3A_430 = arith.constant 8 : i32
      %div3A_431 = vector.broadcast %jit3A_430 : i32 to vector<16xi32>
      %div3A_432 = arith.divsi %add3A_420, %div3A_431 : vector<16xi32>
      %sign3A_433 = arith.constant 0 : i32
      %sign3A_434 = vector.broadcast %sign3A_433 : i32 to vector<16xi32>
      %sign3A_435 = arith.cmpi sgt, %add3A_420, %sign3A_434 : vector<16xi32>
      %sign3A_436 = arith.extui %sign3A_435 : vector<16xi1> to vector<16xi32>
      %sign3A_437 = arith.constant 0 : i32
      %sign3A_438 = vector.broadcast %sign3A_437 : i32 to vector<16xi32>
      %sign3A_439 = arith.cmpi slt, %add3A_420, %sign3A_438 : vector<16xi32>
      %sign3A_440 = arith.extui %sign3A_439 : vector<16xi1> to vector<16xi32>
      %sign3A_441 = arith.subi %sign3A_436, %sign3A_440 : vector<16xi32>
      %sign3A_442 = arith.constant 0 : i32
      %sign3A_443 = arith.cmpi sgt, %jit3A_430, %sign3A_442 : i32
      %sign3A_444 = arith.extui %sign3A_443 : i1 to i32
      %sign3A_445 = arith.constant 0 : i32
      %sign3A_446 = arith.cmpi slt, %jit3A_430, %sign3A_445 : i32
      %sign3A_447 = arith.extui %sign3A_446 : i1 to i32
      %sign3A_448 = arith.subi %sign3A_444, %sign3A_447 : i32
      %ne3A_449 = vector.broadcast %sign3A_448 : i32 to vector<16xi32>
      %ne3A_450 = arith.cmpi ne, %sign3A_441, %ne3A_449 : vector<16xi32>
      %rem3A_451 = vector.broadcast %jit3A_430 : i32 to vector<16xi32>
      %rem3A_452 = arith.remsi %add3A_420, %rem3A_451 : vector<16xi32>
      %ne3A_453 = arith.constant 0 : i32
      %ne3A_454 = vector.broadcast %ne3A_453 : i32 to vector<16xi32>
      %ne3A_455 = arith.cmpi ne, %rem3A_452, %ne3A_454 : vector<16xi32>
      %and3A_456 = arith.andi %ne3A_450, %ne3A_455 : vector<16xi1>
      %sub3A_457 = arith.constant 1 : i32
      %sub3A_458 = vector.broadcast %sub3A_457 : i32 to vector<16xi32>
      %sub3A_459 = arith.subi %div3A_432, %sub3A_458 : vector<16xi32>
      %select_n3A_460 = arith.select %and3A_456, %sub3A_459, %div3A_432 : vector<16xi1>, vector<16xi32>
      %jit3A_461 = arith.constant 8 : i32
      %div3A_462 = vector.broadcast %jit3A_461 : i32 to vector<16xi32>
      %div3A_463 = arith.divsi %add3A_423, %div3A_462 : vector<16xi32>
      %sign3A_464 = arith.constant 0 : i32
      %sign3A_465 = vector.broadcast %sign3A_464 : i32 to vector<16xi32>
      %sign3A_466 = arith.cmpi sgt, %add3A_423, %sign3A_465 : vector<16xi32>
      %sign3A_467 = arith.extui %sign3A_466 : vector<16xi1> to vector<16xi32>
      %sign3A_468 = arith.constant 0 : i32
      %sign3A_469 = vector.broadcast %sign3A_468 : i32 to vector<16xi32>
      %sign3A_470 = arith.cmpi slt, %add3A_423, %sign3A_469 : vector<16xi32>
      %sign3A_471 = arith.extui %sign3A_470 : vector<16xi1> to vector<16xi32>
      %sign3A_472 = arith.subi %sign3A_467, %sign3A_471 : vector<16xi32>
      %sign3A_473 = arith.constant 0 : i32
      %sign3A_474 = arith.cmpi sgt, %jit3A_461, %sign3A_473 : i32
      %sign3A_475 = arith.extui %sign3A_474 : i1 to i32
      %sign3A_476 = arith.constant 0 : i32
      %sign3A_477 = arith.cmpi slt, %jit3A_461, %sign3A_476 : i32
      %sign3A_478 = arith.extui %sign3A_477 : i1 to i32
      %sign3A_479 = arith.subi %sign3A_475, %sign3A_478 : i32
      %ne3A_480 = vector.broadcast %sign3A_479 : i32 to vector<16xi32>
      %ne3A_481 = arith.cmpi ne, %sign3A_472, %ne3A_480 : vector<16xi32>
      %rem3A_482 = vector.broadcast %jit3A_461 : i32 to vector<16xi32>
      %rem3A_483 = arith.remsi %add3A_423, %rem3A_482 : vector<16xi32>
      %ne3A_484 = arith.constant 0 : i32
      %ne3A_485 = vector.broadcast %ne3A_484 : i32 to vector<16xi32>
      %ne3A_486 = arith.cmpi ne, %rem3A_483, %ne3A_485 : vector<16xi32>
      %and3A_487 = arith.andi %ne3A_481, %ne3A_486 : vector<16xi1>
      %sub3A_488 = arith.constant 1 : i32
      %sub3A_489 = vector.broadcast %sub3A_488 : i32 to vector<16xi32>
      %sub3A_490 = arith.subi %div3A_463, %sub3A_489 : vector<16xi32>
      %select_n3A_491 = arith.select %and3A_487, %sub3A_490, %div3A_463 : vector<16xi1>, vector<16xi32>
      %jit3A_492 = arith.constant 8 : i32
      %div3A_493 = vector.broadcast %jit3A_492 : i32 to vector<16xi32>
      %div3A_494 = arith.divsi %add3A_426, %div3A_493 : vector<16xi32>
      %sign3A_495 = arith.constant 0 : i32
      %sign3A_496 = vector.broadcast %sign3A_495 : i32 to vector<16xi32>
      %sign3A_497 = arith.cmpi sgt, %add3A_426, %sign3A_496 : vector<16xi32>
      %sign3A_498 = arith.extui %sign3A_497 : vector<16xi1> to vector<16xi32>
      %sign3A_499 = arith.constant 0 : i32
      %sign3A_500 = vector.broadcast %sign3A_499 : i32 to vector<16xi32>
      %sign3A_501 = arith.cmpi slt, %add3A_426, %sign3A_500 : vector<16xi32>
      %sign3A_502 = arith.extui %sign3A_501 : vector<16xi1> to vector<16xi32>
      %sign3A_503 = arith.subi %sign3A_498, %sign3A_502 : vector<16xi32>
      %sign3A_504 = arith.constant 0 : i32
      %sign3A_505 = arith.cmpi sgt, %jit3A_492, %sign3A_504 : i32
      %sign3A_506 = arith.extui %sign3A_505 : i1 to i32
      %sign3A_507 = arith.constant 0 : i32
      %sign3A_508 = arith.cmpi slt, %jit3A_492, %sign3A_507 : i32
      %sign3A_509 = arith.extui %sign3A_508 : i1 to i32
      %sign3A_510 = arith.subi %sign3A_506, %sign3A_509 : i32
      %ne3A_511 = vector.broadcast %sign3A_510 : i32 to vector<16xi32>
      %ne3A_512 = arith.cmpi ne, %sign3A_503, %ne3A_511 : vector<16xi32>
      %rem3A_513 = vector.broadcast %jit3A_492 : i32 to vector<16xi32>
      %rem3A_514 = arith.remsi %add3A_426, %rem3A_513 : vector<16xi32>
      %ne3A_515 = arith.constant 0 : i32
      %ne3A_516 = vector.broadcast %ne3A_515 : i32 to vector<16xi32>
      %ne3A_517 = arith.cmpi ne, %rem3A_514, %ne3A_516 : vector<16xi32>
      %and3A_518 = arith.andi %ne3A_512, %ne3A_517 : vector<16xi1>
      %sub3A_519 = arith.constant 1 : i32
      %sub3A_520 = vector.broadcast %sub3A_519 : i32 to vector<16xi32>
      %sub3A_521 = arith.subi %div3A_494, %sub3A_520 : vector<16xi32>
      %select_n3A_522 = arith.select %and3A_518, %sub3A_521, %div3A_494 : vector<16xi1>, vector<16xi32>
      %jit3A_523 = arith.constant 8 : i32
      %div3A_524 = vector.broadcast %jit3A_523 : i32 to vector<16xi32>
      %div3A_525 = arith.divsi %add3A_429, %div3A_524 : vector<16xi32>
      %sign3A_526 = arith.constant 0 : i32
      %sign3A_527 = vector.broadcast %sign3A_526 : i32 to vector<16xi32>
      %sign3A_528 = arith.cmpi sgt, %add3A_429, %sign3A_527 : vector<16xi32>
      %sign3A_529 = arith.extui %sign3A_528 : vector<16xi1> to vector<16xi32>
      %sign3A_530 = arith.constant 0 : i32
      %sign3A_531 = vector.broadcast %sign3A_530 : i32 to vector<16xi32>
      %sign3A_532 = arith.cmpi slt, %add3A_429, %sign3A_531 : vector<16xi32>
      %sign3A_533 = arith.extui %sign3A_532 : vector<16xi1> to vector<16xi32>
      %sign3A_534 = arith.subi %sign3A_529, %sign3A_533 : vector<16xi32>
      %sign3A_535 = arith.constant 0 : i32
      %sign3A_536 = arith.cmpi sgt, %jit3A_523, %sign3A_535 : i32
      %sign3A_537 = arith.extui %sign3A_536 : i1 to i32
      %sign3A_538 = arith.constant 0 : i32
      %sign3A_539 = arith.cmpi slt, %jit3A_523, %sign3A_538 : i32
      %sign3A_540 = arith.extui %sign3A_539 : i1 to i32
      %sign3A_541 = arith.subi %sign3A_537, %sign3A_540 : i32
      %ne3A_542 = vector.broadcast %sign3A_541 : i32 to vector<16xi32>
      %ne3A_543 = arith.cmpi ne, %sign3A_534, %ne3A_542 : vector<16xi32>
      %rem3A_544 = vector.broadcast %jit3A_523 : i32 to vector<16xi32>
      %rem3A_545 = arith.remsi %add3A_429, %rem3A_544 : vector<16xi32>
      %ne3A_546 = arith.constant 0 : i32
      %ne3A_547 = vector.broadcast %ne3A_546 : i32 to vector<16xi32>
      %ne3A_548 = arith.cmpi ne, %rem3A_545, %ne3A_547 : vector<16xi32>
      %and3A_549 = arith.andi %ne3A_543, %ne3A_548 : vector<16xi1>
      %sub3A_550 = arith.constant 1 : i32
      %sub3A_551 = vector.broadcast %sub3A_550 : i32 to vector<16xi32>
      %sub3A_552 = arith.subi %div3A_525, %sub3A_551 : vector<16xi32>
      %select_n3A_553 = arith.select %and3A_549, %sub3A_552, %div3A_525 : vector<16xi1>, vector<16xi32>
      %jit3A_554 = arith.constant 8 : i32
      %eq3A_555 = arith.constant 0 : i32
      %eq3A_556 = arith.cmpi eq, %jit3A_554, %eq3A_555 : i32
      %jit3A_557 = arith.constant 1 : i32
      %select_n3A_558 = arith.select %eq3A_556, %jit3A_557, %jit3A_554 : i32
      %rem3A_559 = vector.broadcast %select_n3A_558 : i32 to vector<16xi32>
      %rem3A_560 = arith.remsi %add3A_420, %rem3A_559 : vector<16xi32>
      %ne3A_561 = arith.constant 0 : i32
      %ne3A_562 = vector.broadcast %ne3A_561 : i32 to vector<16xi32>
      %ne3A_563 = arith.cmpi ne, %rem3A_560, %ne3A_562 : vector<16xi32>
      %lt3A_564 = arith.constant 0 : i32
      %lt3A_565 = vector.broadcast %lt3A_564 : i32 to vector<16xi32>
      %lt3A_566 = arith.cmpi slt, %rem3A_560, %lt3A_565 : vector<16xi32>
      %lt3A_567 = arith.constant 0 : i32
      %lt3A_568 = arith.cmpi slt, %select_n3A_558, %lt3A_567 : i32
      %ne3A_569 = vector.broadcast %lt3A_568 : i1 to vector<16xi1>
      %ne3A_570 = vector.broadcast %ne3A_569 : vector<16xi1> to vector<16xi1>
      %ne3A_571 = arith.xori %lt3A_566, %ne3A_570 : vector<16xi1>
      %and3A_572 = arith.andi %ne3A_571, %ne3A_563 : vector<16xi1>
      %add3A_573 = vector.broadcast %select_n3A_558 : i32 to vector<16xi32>
      %add3A_574 = arith.addi %rem3A_560, %add3A_573 : vector<16xi32>
      %select_n3A_575 = arith.select %and3A_572, %add3A_574, %rem3A_560 : vector<16xi1>, vector<16xi32>
      %jit3A_576 = arith.constant 8 : i32
      %eq3A_577 = arith.constant 0 : i32
      %eq3A_578 = arith.cmpi eq, %jit3A_576, %eq3A_577 : i32
      %jit3A_579 = arith.constant 1 : i32
      %select_n3A_580 = arith.select %eq3A_578, %jit3A_579, %jit3A_576 : i32
      %rem3A_581 = vector.broadcast %select_n3A_580 : i32 to vector<16xi32>
      %rem3A_582 = arith.remsi %add3A_423, %rem3A_581 : vector<16xi32>
      %ne3A_583 = arith.constant 0 : i32
      %ne3A_584 = vector.broadcast %ne3A_583 : i32 to vector<16xi32>
      %ne3A_585 = arith.cmpi ne, %rem3A_582, %ne3A_584 : vector<16xi32>
      %lt3A_586 = arith.constant 0 : i32
      %lt3A_587 = vector.broadcast %lt3A_586 : i32 to vector<16xi32>
      %lt3A_588 = arith.cmpi slt, %rem3A_582, %lt3A_587 : vector<16xi32>
      %lt3A_589 = arith.constant 0 : i32
      %lt3A_590 = arith.cmpi slt, %select_n3A_580, %lt3A_589 : i32
      %ne3A_591 = vector.broadcast %lt3A_590 : i1 to vector<16xi1>
      %ne3A_592 = vector.broadcast %ne3A_591 : vector<16xi1> to vector<16xi1>
      %ne3A_593 = arith.xori %lt3A_588, %ne3A_592 : vector<16xi1>
      %and3A_594 = arith.andi %ne3A_593, %ne3A_585 : vector<16xi1>
      %add3A_595 = vector.broadcast %select_n3A_580 : i32 to vector<16xi32>
      %add3A_596 = arith.addi %rem3A_582, %add3A_595 : vector<16xi32>
      %select_n3A_597 = arith.select %and3A_594, %add3A_596, %rem3A_582 : vector<16xi1>, vector<16xi32>
      %jit3A_598 = arith.constant 8 : i32
      %eq3A_599 = arith.constant 0 : i32
      %eq3A_600 = arith.cmpi eq, %jit3A_598, %eq3A_599 : i32
      %jit3A_601 = arith.constant 1 : i32
      %select_n3A_602 = arith.select %eq3A_600, %jit3A_601, %jit3A_598 : i32
      %rem3A_603 = vector.broadcast %select_n3A_602 : i32 to vector<16xi32>
      %rem3A_604 = arith.remsi %add3A_426, %rem3A_603 : vector<16xi32>
      %ne3A_605 = arith.constant 0 : i32
      %ne3A_606 = vector.broadcast %ne3A_605 : i32 to vector<16xi32>
      %ne3A_607 = arith.cmpi ne, %rem3A_604, %ne3A_606 : vector<16xi32>
      %lt3A_608 = arith.constant 0 : i32
      %lt3A_609 = vector.broadcast %lt3A_608 : i32 to vector<16xi32>
      %lt3A_610 = arith.cmpi slt, %rem3A_604, %lt3A_609 : vector<16xi32>
      %lt3A_611 = arith.constant 0 : i32
      %lt3A_612 = arith.cmpi slt, %select_n3A_602, %lt3A_611 : i32
      %ne3A_613 = vector.broadcast %lt3A_612 : i1 to vector<16xi1>
      %ne3A_614 = vector.broadcast %ne3A_613 : vector<16xi1> to vector<16xi1>
      %ne3A_615 = arith.xori %lt3A_610, %ne3A_614 : vector<16xi1>
      %and3A_616 = arith.andi %ne3A_615, %ne3A_607 : vector<16xi1>
      %add3A_617 = vector.broadcast %select_n3A_602 : i32 to vector<16xi32>
      %add3A_618 = arith.addi %rem3A_604, %add3A_617 : vector<16xi32>
      %select_n3A_619 = arith.select %and3A_616, %add3A_618, %rem3A_604 : vector<16xi1>, vector<16xi32>
      %jit3A_620 = arith.constant 8 : i32
      %eq3A_621 = arith.constant 0 : i32
      %eq3A_622 = arith.cmpi eq, %jit3A_620, %eq3A_621 : i32
      %jit3A_623 = arith.constant 1 : i32
      %select_n3A_624 = arith.select %eq3A_622, %jit3A_623, %jit3A_620 : i32
      %rem3A_625 = vector.broadcast %select_n3A_624 : i32 to vector<16xi32>
      %rem3A_626 = arith.remsi %add3A_429, %rem3A_625 : vector<16xi32>
      %ne3A_627 = arith.constant 0 : i32
      %ne3A_628 = vector.broadcast %ne3A_627 : i32 to vector<16xi32>
      %ne3A_629 = arith.cmpi ne, %rem3A_626, %ne3A_628 : vector<16xi32>
      %lt3A_630 = arith.constant 0 : i32
      %lt3A_631 = vector.broadcast %lt3A_630 : i32 to vector<16xi32>
      %lt3A_632 = arith.cmpi slt, %rem3A_626, %lt3A_631 : vector<16xi32>
      %lt3A_633 = arith.constant 0 : i32
      %lt3A_634 = arith.cmpi slt, %select_n3A_624, %lt3A_633 : i32
      %ne3A_635 = vector.broadcast %lt3A_634 : i1 to vector<16xi1>
      %ne3A_636 = vector.broadcast %ne3A_635 : vector<16xi1> to vector<16xi1>
      %ne3A_637 = arith.xori %lt3A_632, %ne3A_636 : vector<16xi1>
      %and3A_638 = arith.andi %ne3A_637, %ne3A_629 : vector<16xi1>
      %add3A_639 = vector.broadcast %select_n3A_624 : i32 to vector<16xi32>
      %add3A_640 = arith.addi %rem3A_626, %add3A_639 : vector<16xi32>
      %select_n3A_641 = arith.select %and3A_638, %add3A_640, %rem3A_626 : vector<16xi1>, vector<16xi32>
      %parallel_loop3A = arith.constant 0 : i32
      %parallel_loop3A_642 = arith.constant 128 : i32
      %parallel_loop3A_643 = arith.constant 1 : i32
      scf.for %parallel_loop3A_1532 = %parallel_loop3A to %parallel_loop3A_642 step %parallel_loop3A_643  : i32 {
        %parallel_loop3A_1533 = vector.broadcast %parallel_loop3A_1532 : i32 to vector<16xi32>
        %parallel_loop3A_1534 = arith.constant 0 : i32
        %parallel_loop3A_1535 = arith.index_cast %parallel_loop3A_1534 : i32 to index
        %parallel_loop3A_1536 = arith.index_cast %parallel_loop3A_1532 : i32 to index
        %parallel_loop3A_1537 = arith.constant 0 : index
        %parallel_loop3A_1538 = tpu.vector_load %arg8[%parallel_loop3A_1535, %parallel_loop3A_1536, %parallel_loop3A_1537] {strides = array<i32>} : memref<4x128x64xf32, #tpu.memory_space<vmem>>, vector<16xf32>,
        %parallel_loop3A_1539 = arith.addf %parallel_loop3A_1538, %get3A_408 : vector<16xf32>
        %parallel_loop3A_1540 = arith.constant 0 : i32
        %parallel_loop3A_1541 = arith.constant 0 : i32
        %parallel_loop3A_1542 = arith.constant 0 : i32
        %parallel_loop3A_1543 = arith.constant 0 : i32
        %parallel_loop3A_1544 = tpu.memref_slice %arg9[%parallel_loop3A_1540, %parallel_loop3A_1541, %parallel_loop3A_1542, %parallel_loop3A_1543] : memref<4x8x8x133xf32, #tpu.memory_space<vmem>> -> memref<1x8x8x133xf32, #tpu.memory_space<vmem>>
        %parallel_loop3A_1545 = tpu.memref_squeeze %parallel_loop3A_1544 : memref<1x8x8x133xf32, #tpu.memory_space<vmem>> -> memref<8x8x133xf32, #tpu.memory_space<vmem>>
        tpu.vector_store_idx %parallel_loop3A_1545[%select_n3A_460, %select_n3A_575, %parallel_loop3A_1533], %parallel_loop3A_1539 : memref<8x8x133xf32, #tpu.memory_space<vmem>>[vector<16xi32>, vector<16xi32>, vector<16xi32>], vector<16xf32>,
        %parallel_loop3A_1546 = arith.constant 0 : i32
        %parallel_loop3A_1547 = arith.index_cast %parallel_loop3A_1546 : i32 to index
        %parallel_loop3A_1548 = arith.index_cast %parallel_loop3A_1532 : i32 to index
        %parallel_loop3A_1549 = arith.constant 16 : index
        %parallel_loop3A_1550 = tpu.vector_load %arg8[%parallel_loop3A_1547, %parallel_loop3A_1548, %parallel_loop3A_1549] {strides = array<i32>} : memref<4x128x64xf32, #tpu.memory_space<vmem>>, vector<16xf32>,
        %parallel_loop3A_1551 = arith.addf %parallel_loop3A_1550, %get3A_411 : vector<16xf32>
        %parallel_loop3A_1552 = arith.constant 0 : i32
        %parallel_loop3A_1553 = arith.constant 0 : i32
        %parallel_loop3A_1554 = arith.constant 0 : i32
        %parallel_loop3A_1555 = arith.constant 0 : i32
        %parallel_loop3A_1556 = tpu.memref_slice %arg9[%parallel_loop3A_1552, %parallel_loop3A_1553, %parallel_loop3A_1554, %parallel_loop3A_1555] : memref<4x8x8x133xf32, #tpu.memory_space<vmem>> -> memref<1x8x8x133xf32, #tpu.memory_space<vmem>>
        %parallel_loop3A_1557 = tpu.memref_squeeze %parallel_loop3A_1556 : memref<1x8x8x133xf32, #tpu.memory_space<vmem>> -> memref<8x8x133xf32, #tpu.memory_space<vmem>>
        tpu.vector_store_idx %parallel_loop3A_1557[%select_n3A_491, %select_n3A_597, %parallel_loop3A_1533], %parallel_loop3A_1551 : memref<8x8x133xf32, #tpu.memory_space<vmem>>[vector<16xi32>, vector<16xi32>, vector<16xi32>], vector<16xf32>,
        %parallel_loop3A_1558 = arith.constant 0 : i32
        %parallel_loop3A_1559 = arith.index_cast %parallel_loop3A_1558 : i32 to index
        %parallel_loop3A_1560 = arith.index_cast %parallel_loop3A_1532 : i32 to index
        %parallel_loop3A_1561 = arith.constant 32 : index
        %parallel_loop3A_1562 = tpu.vector_load %arg8[%parallel_loop3A_1559, %parallel_loop3A_1560, %parallel_loop3A_1561] {strides = array<i32>} : memref<4x128x64xf32, #tpu.memory_space<vmem>>, vector<16xf32>,
        %parallel_loop3A_1563 = arith.addf %parallel_loop3A_1562, %get3A_414 : vector<16xf32>
        %parallel_loop3A_1564 = arith.constant 0 : i32
        %parallel_loop3A_1565 = arith.constant 0 : i32
        %parallel_loop3A_1566 = arith.constant 0 : i32
        %parallel_loop3A_1567 = arith.constant 0 : i32
        %parallel_loop3A_1568 = tpu.memref_slice %arg9[%parallel_loop3A_1564, %parallel_loop3A_1565, %parallel_loop3A_1566, %parallel_loop3A_1567] : memref<4x8x8x133xf32, #tpu.memory_space<vmem>> -> memref<1x8x8x133xf32, #tpu.memory_space<vmem>>
        %parallel_loop3A_1569 = tpu.memref_squeeze %parallel_loop3A_1568 : memref<1x8x8x133xf32, #tpu.memory_space<vmem>> -> memref<8x8x133xf32, #tpu.memory_space<vmem>>
        tpu.vector_store_idx %parallel_loop3A_1569[%select_n3A_522, %select_n3A_619, %parallel_loop3A_1533], %parallel_loop3A_1563 : memref<8x8x133xf32, #tpu.memory_space<vmem>>[vector<16xi32>, vector<16xi32>, vector<16xi32>], vector<16xf32>,
        %parallel_loop3A_1570 = arith.constant 0 : i32
        %parallel_loop3A_1571 = arith.index_cast %parallel_loop3A_1570 : i32 to index
        %parallel_loop3A_1572 = arith.index_cast %parallel_loop3A_1532 : i32 to index
        %parallel_loop3A_1573 = arith.constant 48 : index
        %parallel_loop3A_1574 = tpu.vector_load %arg8[%parallel_loop3A_1571, %parallel_loop3A_1572, %parallel_loop3A_1573] {strides = array<i32>} : memref<4x128x64xf32, #tpu.memory_space<vmem>>, vector<16xf32>,
        %parallel_loop3A_1575 = arith.addf %parallel_loop3A_1574, %get3A_417 : vector<16xf32>
        %parallel_loop3A_1576 = arith.constant 0 : i32
        %parallel_loop3A_1577 = arith.constant 0 : i32
        %parallel_loop3A_1578 = arith.constant 0 : i32
        %parallel_loop3A_1579 = arith.constant 0 : i32
        %parallel_loop3A_1580 = tpu.memref_slice %arg9[%parallel_loop3A_1576, %parallel_loop3A_1577, %parallel_loop3A_1578, %parallel_loop3A_1579] : memref<4x8x8x133xf32, #tpu.memory_space<vmem>> -> memref<1x8x8x133xf32, #tpu.memory_space<vmem>>
        %parallel_loop3A_1581 = tpu.memref_squeeze %parallel_loop3A_1580 : memref<1x8x8x133xf32, #tpu.memory_space<vmem>> -> memref<8x8x133xf32, #tpu.memory_space<vmem>>
        tpu.vector_store_idx %parallel_loop3A_1581[%select_n3A_553, %select_n3A_641, %parallel_loop3A_1533], %parallel_loop3A_1575 : memref<8x8x133xf32, #tpu.memory_space<vmem>>[vector<16xi32>, vector<16xi32>, vector<16xi32>], vector<16xf32>,
      } {sc.loop_unroll_factor = 4 : i64, sc.parallel_access}
      %add3A_644 = arith.constant 1 : i32
      %add3A_645 = arith.addi %mul3A_352, %add3A_644 : i32
      %ge3A_646 = arith.constant 1 : i32
      %ge3A_647 = arith.cmpi sge, %add3A_645, %ge3A_646 : i32
      %convert_element_type3A_648 = arith.extui %ge3A_647 : i1 to i32
      %cond3A_649 = arith.constant 0 : i32
      %cond3A_650 = arith.cmpi ne, %convert_element_type3A_648, %cond3A_649 : i32
      scf.if %cond3A_650 {
        %sub3A_1532 = arith.constant 1 : i32
        %sub3A_1533 = arith.subi %add3A_645, %sub3A_1532 : i32
        %add3A_1534 = arith.addi %mul3A_2, %sub3A_1533 : i32
        %jit3A_1535 = arith.constant 32 : i32
        %div3A_1536 = arith.divsi %add3A_1534, %jit3A_1535 : i32
        %sign3A_1537 = arith.constant 0 : i32
        %sign3A_1538 = arith.cmpi sgt, %add3A_1534, %sign3A_1537 : i32
        %sign3A_1539 = arith.extui %sign3A_1538 : i1 to i32
        %sign3A_1540 = arith.constant 0 : i32
        %sign3A_1541 = arith.cmpi slt, %add3A_1534, %sign3A_1540 : i32
        %sign3A_1542 = arith.extui %sign3A_1541 : i1 to i32
        %sign3A_1543 = arith.subi %sign3A_1539, %sign3A_1542 : i32
        %sign3A_1544 = arith.constant 0 : i32
        %sign3A_1545 = arith.cmpi sgt, %jit3A_1535, %sign3A_1544 : i32
        %sign3A_1546 = arith.extui %sign3A_1545 : i1 to i32
        %sign3A_1547 = arith.constant 0 : i32
        %sign3A_1548 = arith.cmpi slt, %jit3A_1535, %sign3A_1547 : i32
        %sign3A_1549 = arith.extui %sign3A_1548 : i1 to i32
        %sign3A_1550 = arith.subi %sign3A_1546, %sign3A_1549 : i32
        %ne3A_1551 = arith.cmpi ne, %sign3A_1543, %sign3A_1550 : i32
        %rem3A_1552 = arith.remsi %add3A_1534, %jit3A_1535 : i32
        %ne3A_1553 = arith.constant 0 : i32
        %ne3A_1554 = arith.cmpi ne, %rem3A_1552, %ne3A_1553 : i32
        %and3A_1555 = arith.andi %ne3A_1551, %ne3A_1554 : i1
        %sub3A_1556 = arith.constant 1 : i32
        %sub3A_1557 = arith.subi %div3A_1536, %sub3A_1556 : i32
        %select_n3A_1558 = arith.select %and3A_1555, %sub3A_1557, %div3A_1536 : i32
        %jit3A_1559 = arith.constant 32 : i32
        %eq3A_1560 = arith.constant 0 : i32
        %eq3A_1561 = arith.cmpi eq, %jit3A_1559, %eq3A_1560 : i32
        %jit3A_1562 = arith.constant 1 : i32
        %select_n3A_1563 = arith.select %eq3A_1561, %jit3A_1562, %jit3A_1559 : i32
        %rem3A_1564 = arith.remsi %add3A_1534, %select_n3A_1563 : i32
        %ne3A_1565 = arith.constant 0 : i32
        %ne3A_1566 = arith.cmpi ne, %rem3A_1564, %ne3A_1565 : i32
        %lt3A_1567 = arith.constant 0 : i32
        %lt3A_1568 = arith.cmpi slt, %rem3A_1564, %lt3A_1567 : i32
        %lt3A_1569 = arith.constant 0 : i32
        %lt3A_1570 = arith.cmpi slt, %select_n3A_1563, %lt3A_1569 : i32
        %ne3A_1571 = arith.xori %lt3A_1568, %lt3A_1570 : i1
        %and3A_1572 = arith.andi %ne3A_1571, %ne3A_1566 : i1
        %add3A_1573 = arith.addi %rem3A_1564, %select_n3A_1563 : i32
        %select_n3A_1574 = arith.select %and3A_1572, %add3A_1573, %rem3A_1564 : i32
        %dma_start3A_1575 = arith.constant 0 : i32
        %dma_start3A_1576 = arith.constant 0 : i32
        %dma_start3A_1577 = arith.constant 0 : i32
        %dma_start3A_1578 = arith.constant 0 : i32
        %dma_start3A_1579 = tpu.memref_slice %arg9[%dma_start3A_1575, %dma_start3A_1576, %dma_start3A_1577, %dma_start3A_1578] : memref<4x8x8x133xf32, #tpu.memory_space<vmem>> -> memref<1x8x8x128xf32, #tpu.memory_space<vmem>>
        %dma_start3A_1580 = tpu.memref_squeeze %dma_start3A_1579 : memref<1x8x8x128xf32, #tpu.memory_space<vmem>> -> memref<8x8x128xf32, #tpu.memory_space<vmem>>
        %dma_start3A_1581 = arith.constant 0 : i32
        %dma_start3A_1582 = arith.constant 0 : i32
        %dma_start3A_1583 = arith.constant 0 : i32
        %dma_start3A_1584 = tpu.memref_slice %arg5[%select_n3A_1558, %dma_start3A_1581, %select_n3A_1574, %dma_start3A_1582, %dma_start3A_1583] : memref<200x8x32x8x128xf32, #tpu.memory_space<hbm>> -> memref<1x8x1x8x128xf32, #tpu.memory_space<hbm>>
        %dma_start3A_1585 = tpu.memref_squeeze %dma_start3A_1584 : memref<1x8x1x8x128xf32, #tpu.memory_space<hbm>> -> memref<8x8x128xf32, #tpu.memory_space<hbm>>
        %dma_start3A_1586 = arith.constant 0 : i32
        %dma_start3A_1587 = arith.constant 0 : i32
        %dma_start3A_1588 = arith.constant 0 : i32
        %dma_start3A_1589 = tpu.memref_slice %arg5[%select_n3A_1558, %dma_start3A_1586, %select_n3A_1574, %dma_start3A_1587, %dma_start3A_1588] : memref<200x8x32x8x128xf32, #tpu.memory_space<hbm>> -> memref<1x8x1x8x128xf32, #tpu.memory_space<hbm>>
        %dma_start3A_1590 = tpu.memref_squeeze %dma_start3A_1589 : memref<1x8x1x8x128xf32, #tpu.memory_space<hbm>> -> memref<8x8x128xf32, #tpu.memory_space<hbm>>
        %dma_start3A_1591 = arith.constant 0 : i32
        %dma_start3A_1592 = arith.constant 0 : i32
        %dma_start3A_1593 = arith.constant 0 : i32
        %dma_start3A_1594 = tpu.memref_slice %arg9[%dma_start3A_1575, %dma_start3A_1591, %dma_start3A_1592, %dma_start3A_1593] : memref<4x8x8x133xf32, #tpu.memory_space<vmem>> -> memref<1x8x8x128xf32, #tpu.memory_space<vmem>>
        %dma_start3A_1595 = tpu.memref_squeeze %dma_start3A_1594 : memref<1x8x8x128xf32, #tpu.memory_space<vmem>> -> memref<8x8x128xf32, #tpu.memory_space<vmem>>
        tpu.enqueue_dma source(%dma_start3A_1595 : memref<8x8x128xf32, #tpu.memory_space<vmem>>) target(%dma_start3A_1590 : memref<8x8x128xf32, #tpu.memory_space<hbm>>) target_semaphore(%arg14 : memref<!tpu.dma_semaphore, #tpu.memory_space<semaphore_mem>>)
      } else {
      }
      %add3A_651 = arith.constant 4 : i32
      %add3A_652 = arith.addi %add3A_645, %add3A_651 : i32
      %sub3A_653 = arith.constant 1 : i32
      %sub3A_654 = arith.subi %add3A_652, %sub3A_653 : i32
      %lt3A_655 = arith.constant 200 : i32
      %lt3A_656 = arith.cmpi slt, %sub3A_654, %lt3A_655 : i32
      %convert_element_type3A_657 = arith.extui %lt3A_656 : i1 to i32
      %cond3A_658 = arith.constant 0 : i32
      %cond3A_659 = arith.cmpi ne, %convert_element_type3A_657, %cond3A_658 : i32
      scf.if %cond3A_659 {
        %add3A_1532 = arith.constant 4 : i32
        %add3A_1533 = arith.addi %add3A_645, %add3A_1532 : i32
        %sub3A_1534 = arith.constant 1 : i32
        %sub3A_1535 = arith.subi %add3A_1533, %sub3A_1534 : i32
        %dma_start3A_1536 = arith.constant 0 : i32
        %dma_start3A_1537 = arith.constant 0 : i32
        %dma_start3A_1538 = arith.constant 0 : i32
        %dma_start3A_1539 = tpu.memref_slice %arg8[%dma_start3A_1536, %dma_start3A_1537, %dma_start3A_1538] : memref<4x128x64xf32, #tpu.memory_space<vmem>> -> memref<1x128x64xf32, #tpu.memory_space<vmem>>
        %dma_start3A_1540 = tpu.memref_squeeze %dma_start3A_1539 : memref<1x128x64xf32, #tpu.memory_space<vmem>> -> memref<128x64xf32, #tpu.memory_space<vmem>>
        %dma_start3A_1541 = arith.constant 0 : i32
        %dma_start3A_1542 = tpu.memref_slice %arg6[%sub3A_1535, %dma_start3A_1541] : memref<200x128xi32, #tpu.memory_space<vmem>> -> memref<1x128xi32, #tpu.memory_space<vmem>>
        %dma_start3A_1543 = tpu.memref_squeeze %dma_start3A_1542 : memref<1x128xi32, #tpu.memory_space<vmem>> -> memref<128xi32, #tpu.memory_space<vmem>>
        %dma_start3A_1544 = arith.constant 0 : i32
        %dma_start3A_1545 = arith.constant 0 : i32
        %dma_start3A_1546 = tpu.memref_slice %arg3[%dma_start3A_1544, %dma_start3A_1545] : memref<1000000x64xf32, #tpu.memory_space<hbm>> -> memref<1000000x64xf32, #tpu.memory_space<hbm>>
        tpu.enqueue_indirect_dma source(%dma_start3A_1546 : memref<1000000x64xf32, #tpu.memory_space<hbm>>) target(%dma_start3A_1540 : memref<128x64xf32, #tpu.memory_space<vmem>>) offsets(%dma_start3A_1543 : memref<128xi32, #tpu.memory_space<vmem>>) semaphore(%arg10 : memref<!tpu.dma_semaphore, #tpu.memory_space<semaphore_mem>>)
      } else {
      }
      %dma_wait3A_660 = arith.constant 1 : i32
      %dma_wait3A_661 = arith.constant 0 : i32
      %dma_wait3A_662 = arith.constant 0 : i32
      %dma_wait3A_663 = tpu.memref_slice %arg8[%dma_wait3A_660, %dma_wait3A_661, %dma_wait3A_662] : memref<4x128x64xf32, #tpu.memory_space<vmem>> -> memref<1x128x64xf32, #tpu.memory_space<vmem>>
      %dma_wait3A_664 = tpu.memref_squeeze %dma_wait3A_663 : memref<1x128x64xf32, #tpu.memory_space<vmem>> -> memref<128x64xf32, #tpu.memory_space<vmem>>
      %dma_wait3A_665 = arith.constant 0 : i32
      %dma_wait3A_666 = tpu.memref_slice %arg6[%add3A_645, %dma_wait3A_665] : memref<200x128xi32, #tpu.memory_space<vmem>> -> memref<1x128xi32, #tpu.memory_space<vmem>>
      %dma_wait3A_667 = tpu.memref_squeeze %dma_wait3A_666 : memref<1x128xi32, #tpu.memory_space<vmem>> -> memref<128xi32, #tpu.memory_space<vmem>>
      %dma_wait3A_668 = arith.constant 0 : i32
      %dma_wait3A_669 = arith.constant 0 : i32
      %dma_wait3A_670 = tpu.memref_slice %arg3[%dma_wait3A_668, %dma_wait3A_669] : memref<1000000x64xf32, #tpu.memory_space<hbm>> -> memref<1000000x64xf32, #tpu.memory_space<hbm>>
      tpu.wait_indirect_dma semaphore(%arg11 : memref<!tpu.dma_semaphore, #tpu.memory_space<semaphore_mem>>) src(%dma_wait3A_670 : memref<1000000x64xf32, #tpu.memory_space<hbm>>) dst(%dma_wait3A_664 : memref<128x64xf32, #tpu.memory_space<vmem>>)
      %ge3A_671 = arith.constant 4 : i32
      %ge3A_672 = arith.cmpi sge, %add3A_645, %ge3A_671 : i32
      %convert_element_type3A_673 = arith.extui %ge3A_672 : i1 to i32
      %cond3A_674 = arith.constant 0 : i32
      %cond3A_675 = arith.cmpi ne, %convert_element_type3A_673, %cond3A_674 : i32
      scf.if %cond3A_675 {
        %sub3A_1532 = arith.constant 4 : i32
        %sub3A_1533 = arith.subi %add3A_645, %sub3A_1532 : i32
        %add3A_1534 = arith.addi %mul3A_2, %sub3A_1533 : i32
        %jit3A_1535 = arith.constant 32 : i32
        %div3A_1536 = arith.divsi %add3A_1534, %jit3A_1535 : i32
        %sign3A_1537 = arith.constant 0 : i32
        %sign3A_1538 = arith.cmpi sgt, %add3A_1534, %sign3A_1537 : i32
        %sign3A_1539 = arith.extui %sign3A_1538 : i1 to i32
        %sign3A_1540 = arith.constant 0 : i32
        %sign3A_1541 = arith.cmpi slt, %add3A_1534, %sign3A_1540 : i32
        %sign3A_1542 = arith.extui %sign3A_1541 : i1 to i32
        %sign3A_1543 = arith.subi %sign3A_1539, %sign3A_1542 : i32
        %sign3A_1544 = arith.constant 0 : i32
        %sign3A_1545 = arith.cmpi sgt, %jit3A_1535, %sign3A_1544 : i32
        %sign3A_1546 = arith.extui %sign3A_1545 : i1 to i32
        %sign3A_1547 = arith.constant 0 : i32
        %sign3A_1548 = arith.cmpi slt, %jit3A_1535, %sign3A_1547 : i32
        %sign3A_1549 = arith.extui %sign3A_1548 : i1 to i32
        %sign3A_1550 = arith.subi %sign3A_1546, %sign3A_1549 : i32
        %ne3A_1551 = arith.cmpi ne, %sign3A_1543, %sign3A_1550 : i32
        %rem3A_1552 = arith.remsi %add3A_1534, %jit3A_1535 : i32
        %ne3A_1553 = arith.constant 0 : i32
        %ne3A_1554 = arith.cmpi ne, %rem3A_1552, %ne3A_1553 : i32
        %and3A_1555 = arith.andi %ne3A_1551, %ne3A_1554 : i1
        %sub3A_1556 = arith.constant 1 : i32
        %sub3A_1557 = arith.subi %div3A_1536, %sub3A_1556 : i32
        %select_n3A_1558 = arith.select %and3A_1555, %sub3A_1557, %div3A_1536 : i32
        %jit3A_1559 = arith.constant 32 : i32
        %eq3A_1560 = arith.constant 0 : i32
        %eq3A_1561 = arith.cmpi eq, %jit3A_1559, %eq3A_1560 : i32
        %jit3A_1562 = arith.constant 1 : i32
        %select_n3A_1563 = arith.select %eq3A_1561, %jit3A_1562, %jit3A_1559 : i32
        %rem3A_1564 = arith.remsi %add3A_1534, %select_n3A_1563 : i32
        %ne3A_1565 = arith.constant 0 : i32
        %ne3A_1566 = arith.cmpi ne, %rem3A_1564, %ne3A_1565 : i32
        %lt3A_1567 = arith.constant 0 : i32
        %lt3A_1568 = arith.cmpi slt, %rem3A_1564, %lt3A_1567 : i32
        %lt3A_1569 = arith.constant 0 : i32
        %lt3A_1570 = arith.cmpi slt, %select_n3A_1563, %lt3A_1569 : i32
        %ne3A_1571 = arith.xori %lt3A_1568, %lt3A_1570 : i1
        %and3A_1572 = arith.andi %ne3A_1571, %ne3A_1566 : i1
        %add3A_1573 = arith.addi %rem3A_1564, %select_n3A_1563 : i32
        %select_n3A_1574 = arith.select %and3A_1572, %add3A_1573, %rem3A_1564 : i32
        %dma_wait3A_1575 = arith.constant 1 : i32
        %dma_wait3A_1576 = arith.constant 0 : i32
        %dma_wait3A_1577 = arith.constant 0 : i32
        %dma_wait3A_1578 = arith.constant 0 : i32
        %dma_wait3A_1579 = tpu.memref_slice %arg9[%dma_wait3A_1575, %dma_wait3A_1576, %dma_wait3A_1577, %dma_wait3A_1578] : memref<4x8x8x133xf32, #tpu.memory_space<vmem>> -> memref<1x8x8x128xf32, #tpu.memory_space<vmem>>
        %dma_wait3A_1580 = tpu.memref_squeeze %dma_wait3A_1579 : memref<1x8x8x128xf32, #tpu.memory_space<vmem>> -> memref<8x8x128xf32, #tpu.memory_space<vmem>>
        %dma_wait3A_1581 = arith.constant 0 : i32
        %dma_wait3A_1582 = arith.constant 0 : i32
        %dma_wait3A_1583 = arith.constant 0 : i32
        %dma_wait3A_1584 = tpu.memref_slice %arg5[%select_n3A_1558, %dma_wait3A_1581, %select_n3A_1574, %dma_wait3A_1582, %dma_wait3A_1583] : memref<200x8x32x8x128xf32, #tpu.memory_space<hbm>> -> memref<1x8x1x8x128xf32, #tpu.memory_space<hbm>>
        %dma_wait3A_1585 = tpu.memref_squeeze %dma_wait3A_1584 : memref<1x8x1x8x128xf32, #tpu.memory_space<hbm>> -> memref<8x8x128xf32, #tpu.memory_space<hbm>>
        %dma_wait3A_1586 = arith.constant 0 : i32
        %dma_wait3A_1587 = arith.constant 0 : i32
        %dma_wait3A_1588 = arith.constant 0 : i32
        %dma_wait3A_1589 = tpu.memref_slice %arg5[%select_n3A_1558, %dma_wait3A_1586, %select_n3A_1574, %dma_wait3A_1587, %dma_wait3A_1588] : memref<200x8x32x8x128xf32, #tpu.memory_space<hbm>> -> memref<1x8x1x8x128xf32, #tpu.memory_space<hbm>>
        %dma_wait3A_1590 = tpu.memref_squeeze %dma_wait3A_1589 : memref<1x8x1x8x128xf32, #tpu.memory_space<hbm>> -> memref<8x8x128xf32, #tpu.memory_space<hbm>>
        %dma_wait3A_1591 = arith.constant 0 : i32
        %dma_wait3A_1592 = arith.constant 0 : i32
        %dma_wait3A_1593 = arith.constant 0 : i32
        %dma_wait3A_1594 = tpu.memref_slice %arg9[%dma_wait3A_1575, %dma_wait3A_1591, %dma_wait3A_1592, %dma_wait3A_1593] : memref<4x8x8x133xf32, #tpu.memory_space<vmem>> -> memref<1x8x8x128xf32, #tpu.memory_space<vmem>>
        %dma_wait3A_1595 = tpu.memref_squeeze %dma_wait3A_1594 : memref<1x8x8x128xf32, #tpu.memory_space<vmem>> -> memref<8x8x128xf32, #tpu.memory_space<vmem>>
        tpu.wait_dma2 semaphore(%arg15 : memref<!tpu.dma_semaphore, #tpu.memory_space<semaphore_mem>>) src(%dma_wait3A_1595 : memref<8x8x128xf32, #tpu.memory_space<vmem>>) dst(%dma_wait3A_1590 : memref<8x8x128xf32, #tpu.memory_space<hbm>>)
      } else {
      }
      %add3A_676 = arith.addi %mul3A_2, %add3A_645 : i32
      %jit3A_677 = arith.constant 32 : i32
      %div3A_678 = arith.divsi %add3A_676, %jit3A_677 : i32
      %sign3A_679 = arith.constant 0 : i32
      %sign3A_680 = arith.cmpi sgt, %add3A_676, %sign3A_679 : i32
      %sign3A_681 = arith.extui %sign3A_680 : i1 to i32
      %sign3A_682 = arith.constant 0 : i32
      %sign3A_683 = arith.cmpi slt, %add3A_676, %sign3A_682 : i32
      %sign3A_684 = arith.extui %sign3A_683 : i1 to i32
      %sign3A_685 = arith.subi %sign3A_681, %sign3A_684 : i32
      %sign3A_686 = arith.constant 0 : i32
      %sign3A_687 = arith.cmpi sgt, %jit3A_677, %sign3A_686 : i32
      %sign3A_688 = arith.extui %sign3A_687 : i1 to i32
      %sign3A_689 = arith.constant 0 : i32
      %sign3A_690 = arith.cmpi slt, %jit3A_677, %sign3A_689 : i32
      %sign3A_691 = arith.extui %sign3A_690 : i1 to i32
      %sign3A_692 = arith.subi %sign3A_688, %sign3A_691 : i32
      %ne3A_693 = arith.cmpi ne, %sign3A_685, %sign3A_692 : i32
      %rem3A_694 = arith.remsi %add3A_676, %jit3A_677 : i32
      %ne3A_695 = arith.constant 0 : i32
      %ne3A_696 = arith.cmpi ne, %rem3A_694, %ne3A_695 : i32
      %and3A_697 = arith.andi %ne3A_693, %ne3A_696 : i1
      %sub3A_698 = arith.constant 1 : i32
      %sub3A_699 = arith.subi %div3A_678, %sub3A_698 : i32
      %select_n3A_700 = arith.select %and3A_697, %sub3A_699, %div3A_678 : i32
      %get3A_701 = arith.index_cast %select_n3A_700 : i32 to index
      %get3A_702 = arith.constant 0 : index
      %get3A_703 = tpu.vector_load %arg7[%get3A_701, %get3A_702] {strides = array<i32>} : memref<200x64xf32, #tpu.memory_space<vmem>>, vector<16xf32>,
      %get3A_704 = arith.index_cast %select_n3A_700 : i32 to index
      %get3A_705 = arith.constant 16 : index
      %get3A_706 = tpu.vector_load %arg7[%get3A_704, %get3A_705] {strides = array<i32>} : memref<200x64xf32, #tpu.memory_space<vmem>>, vector<16xf32>,
      %get3A_707 = arith.index_cast %select_n3A_700 : i32 to index
      %get3A_708 = arith.constant 32 : index
      %get3A_709 = tpu.vector_load %arg7[%get3A_707, %get3A_708] {strides = array<i32>} : memref<200x64xf32, #tpu.memory_space<vmem>>, vector<16xf32>,
      %get3A_710 = arith.index_cast %select_n3A_700 : i32 to index
      %get3A_711 = arith.constant 48 : index
      %get3A_712 = tpu.vector_load %arg7[%get3A_710, %get3A_711] {strides = array<i32>} : memref<200x64xf32, #tpu.memory_space<vmem>>, vector<16xf32>,
      %add3A_713 = arith.constant 0 : i32
      %add3A_714 = vector.broadcast %add3A_713 : i32 to vector<16xi32>
      %add3A_715 = arith.addi %iota3A, %add3A_714 : vector<16xi32>
      %add3A_716 = arith.constant 16 : i32
      %add3A_717 = vector.broadcast %add3A_716 : i32 to vector<16xi32>
      %add3A_718 = arith.addi %iota3A, %add3A_717 : vector<16xi32>
      %add3A_719 = arith.constant 32 : i32
      %add3A_720 = vector.broadcast %add3A_719 : i32 to vector<16xi32>
      %add3A_721 = arith.addi %iota3A, %add3A_720 : vector<16xi32>
      %add3A_722 = arith.constant 48 : i32
      %add3A_723 = vector.broadcast %add3A_722 : i32 to vector<16xi32>
      %add3A_724 = arith.addi %iota3A, %add3A_723 : vector<16xi32>
      %jit3A_725 = arith.constant 8 : i32
      %div3A_726 = vector.broadcast %jit3A_725 : i32 to vector<16xi32>
      %div3A_727 = arith.divsi %add3A_715, %div3A_726 : vector<16xi32>
      %sign3A_728 = arith.constant 0 : i32
      %sign3A_729 = vector.broadcast %sign3A_728 : i32 to vector<16xi32>
      %sign3A_730 = arith.cmpi sgt, %add3A_715, %sign3A_729 : vector<16xi32>
      %sign3A_731 = arith.extui %sign3A_730 : vector<16xi1> to vector<16xi32>
      %sign3A_732 = arith.constant 0 : i32
      %sign3A_733 = vector.broadcast %sign3A_732 : i32 to vector<16xi32>
      %sign3A_734 = arith.cmpi slt, %add3A_715, %sign3A_733 : vector<16xi32>
      %sign3A_735 = arith.extui %sign3A_734 : vector<16xi1> to vector<16xi32>
      %sign3A_736 = arith.subi %sign3A_731, %sign3A_735 : vector<16xi32>
      %sign3A_737 = arith.constant 0 : i32
      %sign3A_738 = arith.cmpi sgt, %jit3A_725, %sign3A_737 : i32
      %sign3A_739 = arith.extui %sign3A_738 : i1 to i32
      %sign3A_740 = arith.constant 0 : i32
      %sign3A_741 = arith.cmpi slt, %jit3A_725, %sign3A_740 : i32
      %sign3A_742 = arith.extui %sign3A_741 : i1 to i32
      %sign3A_743 = arith.subi %sign3A_739, %sign3A_742 : i32
      %ne3A_744 = vector.broadcast %sign3A_743 : i32 to vector<16xi32>
      %ne3A_745 = arith.cmpi ne, %sign3A_736, %ne3A_744 : vector<16xi32>
      %rem3A_746 = vector.broadcast %jit3A_725 : i32 to vector<16xi32>
      %rem3A_747 = arith.remsi %add3A_715, %rem3A_746 : vector<16xi32>
      %ne3A_748 = arith.constant 0 : i32
      %ne3A_749 = vector.broadcast %ne3A_748 : i32 to vector<16xi32>
      %ne3A_750 = arith.cmpi ne, %rem3A_747, %ne3A_749 : vector<16xi32>
      %and3A_751 = arith.andi %ne3A_745, %ne3A_750 : vector<16xi1>
      %sub3A_752 = arith.constant 1 : i32
      %sub3A_753 = vector.broadcast %sub3A_752 : i32 to vector<16xi32>
      %sub3A_754 = arith.subi %div3A_727, %sub3A_753 : vector<16xi32>
      %select_n3A_755 = arith.select %and3A_751, %sub3A_754, %div3A_727 : vector<16xi1>, vector<16xi32>
      %jit3A_756 = arith.constant 8 : i32
      %div3A_757 = vector.broadcast %jit3A_756 : i32 to vector<16xi32>
      %div3A_758 = arith.divsi %add3A_718, %div3A_757 : vector<16xi32>
      %sign3A_759 = arith.constant 0 : i32
      %sign3A_760 = vector.broadcast %sign3A_759 : i32 to vector<16xi32>
      %sign3A_761 = arith.cmpi sgt, %add3A_718, %sign3A_760 : vector<16xi32>
      %sign3A_762 = arith.extui %sign3A_761 : vector<16xi1> to vector<16xi32>
      %sign3A_763 = arith.constant 0 : i32
      %sign3A_764 = vector.broadcast %sign3A_763 : i32 to vector<16xi32>
      %sign3A_765 = arith.cmpi slt, %add3A_718, %sign3A_764 : vector<16xi32>
      %sign3A_766 = arith.extui %sign3A_765 : vector<16xi1> to vector<16xi32>
      %sign3A_767 = arith.subi %sign3A_762, %sign3A_766 : vector<16xi32>
      %sign3A_768 = arith.constant 0 : i32
      %sign3A_769 = arith.cmpi sgt, %jit3A_756, %sign3A_768 : i32
      %sign3A_770 = arith.extui %sign3A_769 : i1 to i32
      %sign3A_771 = arith.constant 0 : i32
      %sign3A_772 = arith.cmpi slt, %jit3A_756, %sign3A_771 : i32
      %sign3A_773 = arith.extui %sign3A_772 : i1 to i32
      %sign3A_774 = arith.subi %sign3A_770, %sign3A_773 : i32
      %ne3A_775 = vector.broadcast %sign3A_774 : i32 to vector<16xi32>
      %ne3A_776 = arith.cmpi ne, %sign3A_767, %ne3A_775 : vector<16xi32>
      %rem3A_777 = vector.broadcast %jit3A_756 : i32 to vector<16xi32>
      %rem3A_778 = arith.remsi %add3A_718, %rem3A_777 : vector<16xi32>
      %ne3A_779 = arith.constant 0 : i32
      %ne3A_780 = vector.broadcast %ne3A_779 : i32 to vector<16xi32>
      %ne3A_781 = arith.cmpi ne, %rem3A_778, %ne3A_780 : vector<16xi32>
      %and3A_782 = arith.andi %ne3A_776, %ne3A_781 : vector<16xi1>
      %sub3A_783 = arith.constant 1 : i32
      %sub3A_784 = vector.broadcast %sub3A_783 : i32 to vector<16xi32>
      %sub3A_785 = arith.subi %div3A_758, %sub3A_784 : vector<16xi32>
      %select_n3A_786 = arith.select %and3A_782, %sub3A_785, %div3A_758 : vector<16xi1>, vector<16xi32>
      %jit3A_787 = arith.constant 8 : i32
      %div3A_788 = vector.broadcast %jit3A_787 : i32 to vector<16xi32>
      %div3A_789 = arith.divsi %add3A_721, %div3A_788 : vector<16xi32>
      %sign3A_790 = arith.constant 0 : i32
      %sign3A_791 = vector.broadcast %sign3A_790 : i32 to vector<16xi32>
      %sign3A_792 = arith.cmpi sgt, %add3A_721, %sign3A_791 : vector<16xi32>
      %sign3A_793 = arith.extui %sign3A_792 : vector<16xi1> to vector<16xi32>
      %sign3A_794 = arith.constant 0 : i32
      %sign3A_795 = vector.broadcast %sign3A_794 : i32 to vector<16xi32>
      %sign3A_796 = arith.cmpi slt, %add3A_721, %sign3A_795 : vector<16xi32>
      %sign3A_797 = arith.extui %sign3A_796 : vector<16xi1> to vector<16xi32>
      %sign3A_798 = arith.subi %sign3A_793, %sign3A_797 : vector<16xi32>
      %sign3A_799 = arith.constant 0 : i32
      %sign3A_800 = arith.cmpi sgt, %jit3A_787, %sign3A_799 : i32
      %sign3A_801 = arith.extui %sign3A_800 : i1 to i32
      %sign3A_802 = arith.constant 0 : i32
      %sign3A_803 = arith.cmpi slt, %jit3A_787, %sign3A_802 : i32
      %sign3A_804 = arith.extui %sign3A_803 : i1 to i32
      %sign3A_805 = arith.subi %sign3A_801, %sign3A_804 : i32
      %ne3A_806 = vector.broadcast %sign3A_805 : i32 to vector<16xi32>
      %ne3A_807 = arith.cmpi ne, %sign3A_798, %ne3A_806 : vector<16xi32>
      %rem3A_808 = vector.broadcast %jit3A_787 : i32 to vector<16xi32>
      %rem3A_809 = arith.remsi %add3A_721, %rem3A_808 : vector<16xi32>
      %ne3A_810 = arith.constant 0 : i32
      %ne3A_811 = vector.broadcast %ne3A_810 : i32 to vector<16xi32>
      %ne3A_812 = arith.cmpi ne, %rem3A_809, %ne3A_811 : vector<16xi32>
      %and3A_813 = arith.andi %ne3A_807, %ne3A_812 : vector<16xi1>
      %sub3A_814 = arith.constant 1 : i32
      %sub3A_815 = vector.broadcast %sub3A_814 : i32 to vector<16xi32>
      %sub3A_816 = arith.subi %div3A_789, %sub3A_815 : vector<16xi32>
      %select_n3A_817 = arith.select %and3A_813, %sub3A_816, %div3A_789 : vector<16xi1>, vector<16xi32>
      %jit3A_818 = arith.constant 8 : i32
      %div3A_819 = vector.broadcast %jit3A_818 : i32 to vector<16xi32>
      %div3A_820 = arith.divsi %add3A_724, %div3A_819 : vector<16xi32>
      %sign3A_821 = arith.constant 0 : i32
      %sign3A_822 = vector.broadcast %sign3A_821 : i32 to vector<16xi32>
      %sign3A_823 = arith.cmpi sgt, %add3A_724, %sign3A_822 : vector<16xi32>
      %sign3A_824 = arith.extui %sign3A_823 : vector<16xi1> to vector<16xi32>
      %sign3A_825 = arith.constant 0 : i32
      %sign3A_826 = vector.broadcast %sign3A_825 : i32 to vector<16xi32>
      %sign3A_827 = arith.cmpi slt, %add3A_724, %sign3A_826 : vector<16xi32>
      %sign3A_828 = arith.extui %sign3A_827 : vector<16xi1> to vector<16xi32>
      %sign3A_829 = arith.subi %sign3A_824, %sign3A_828 : vector<16xi32>
      %sign3A_830 = arith.constant 0 : i32
      %sign3A_831 = arith.cmpi sgt, %jit3A_818, %sign3A_830 : i32
      %sign3A_832 = arith.extui %sign3A_831 : i1 to i32
      %sign3A_833 = arith.constant 0 : i32
      %sign3A_834 = arith.cmpi slt, %jit3A_818, %sign3A_833 : i32
      %sign3A_835 = arith.extui %sign3A_834 : i1 to i32
      %sign3A_836 = arith.subi %sign3A_832, %sign3A_835 : i32
      %ne3A_837 = vector.broadcast %sign3A_836 : i32 to vector<16xi32>
      %ne3A_838 = arith.cmpi ne, %sign3A_829, %ne3A_837 : vector<16xi32>
      %rem3A_839 = vector.broadcast %jit3A_818 : i32 to vector<16xi32>
      %rem3A_840 = arith.remsi %add3A_724, %rem3A_839 : vector<16xi32>
      %ne3A_841 = arith.constant 0 : i32
      %ne3A_842 = vector.broadcast %ne3A_841 : i32 to vector<16xi32>
      %ne3A_843 = arith.cmpi ne, %rem3A_840, %ne3A_842 : vector<16xi32>
      %and3A_844 = arith.andi %ne3A_838, %ne3A_843 : vector<16xi1>
      %sub3A_845 = arith.constant 1 : i32
      %sub3A_846 = vector.broadcast %sub3A_845 : i32 to vector<16xi32>
      %sub3A_847 = arith.subi %div3A_820, %sub3A_846 : vector<16xi32>
      %select_n3A_848 = arith.select %and3A_844, %sub3A_847, %div3A_820 : vector<16xi1>, vector<16xi32>
      %jit3A_849 = arith.constant 8 : i32
      %eq3A_850 = arith.constant 0 : i32
      %eq3A_851 = arith.cmpi eq, %jit3A_849, %eq3A_850 : i32
      %jit3A_852 = arith.constant 1 : i32
      %select_n3A_853 = arith.select %eq3A_851, %jit3A_852, %jit3A_849 : i32
      %rem3A_854 = vector.broadcast %select_n3A_853 : i32 to vector<16xi32>
      %rem3A_855 = arith.remsi %add3A_715, %rem3A_854 : vector<16xi32>
      %ne3A_856 = arith.constant 0 : i32
      %ne3A_857 = vector.broadcast %ne3A_856 : i32 to vector<16xi32>
      %ne3A_858 = arith.cmpi ne, %rem3A_855, %ne3A_857 : vector<16xi32>
      %lt3A_859 = arith.constant 0 : i32
      %lt3A_860 = vector.broadcast %lt3A_859 : i32 to vector<16xi32>
      %lt3A_861 = arith.cmpi slt, %rem3A_855, %lt3A_860 : vector<16xi32>
      %lt3A_862 = arith.constant 0 : i32
      %lt3A_863 = arith.cmpi slt, %select_n3A_853, %lt3A_862 : i32
      %ne3A_864 = vector.broadcast %lt3A_863 : i1 to vector<16xi1>
      %ne3A_865 = vector.broadcast %ne3A_864 : vector<16xi1> to vector<16xi1>
      %ne3A_866 = arith.xori %lt3A_861, %ne3A_865 : vector<16xi1>
      %and3A_867 = arith.andi %ne3A_866, %ne3A_858 : vector<16xi1>
      %add3A_868 = vector.broadcast %select_n3A_853 : i32 to vector<16xi32>
      %add3A_869 = arith.addi %rem3A_855, %add3A_868 : vector<16xi32>
      %select_n3A_870 = arith.select %and3A_867, %add3A_869, %rem3A_855 : vector<16xi1>, vector<16xi32>
      %jit3A_871 = arith.constant 8 : i32
      %eq3A_872 = arith.constant 0 : i32
      %eq3A_873 = arith.cmpi eq, %jit3A_871, %eq3A_872 : i32
      %jit3A_874 = arith.constant 1 : i32
      %select_n3A_875 = arith.select %eq3A_873, %jit3A_874, %jit3A_871 : i32
      %rem3A_876 = vector.broadcast %select_n3A_875 : i32 to vector<16xi32>
      %rem3A_877 = arith.remsi %add3A_718, %rem3A_876 : vector<16xi32>
      %ne3A_878 = arith.constant 0 : i32
      %ne3A_879 = vector.broadcast %ne3A_878 : i32 to vector<16xi32>
      %ne3A_880 = arith.cmpi ne, %rem3A_877, %ne3A_879 : vector<16xi32>
      %lt3A_881 = arith.constant 0 : i32
      %lt3A_882 = vector.broadcast %lt3A_881 : i32 to vector<16xi32>
      %lt3A_883 = arith.cmpi slt, %rem3A_877, %lt3A_882 : vector<16xi32>
      %lt3A_884 = arith.constant 0 : i32
      %lt3A_885 = arith.cmpi slt, %select_n3A_875, %lt3A_884 : i32
      %ne3A_886 = vector.broadcast %lt3A_885 : i1 to vector<16xi1>
      %ne3A_887 = vector.broadcast %ne3A_886 : vector<16xi1> to vector<16xi1>
      %ne3A_888 = arith.xori %lt3A_883, %ne3A_887 : vector<16xi1>
      %and3A_889 = arith.andi %ne3A_888, %ne3A_880 : vector<16xi1>
      %add3A_890 = vector.broadcast %select_n3A_875 : i32 to vector<16xi32>
      %add3A_891 = arith.addi %rem3A_877, %add3A_890 : vector<16xi32>
      %select_n3A_892 = arith.select %and3A_889, %add3A_891, %rem3A_877 : vector<16xi1>, vector<16xi32>
      %jit3A_893 = arith.constant 8 : i32
      %eq3A_894 = arith.constant 0 : i32
      %eq3A_895 = arith.cmpi eq, %jit3A_893, %eq3A_894 : i32
      %jit3A_896 = arith.constant 1 : i32
      %select_n3A_897 = arith.select %eq3A_895, %jit3A_896, %jit3A_893 : i32
      %rem3A_898 = vector.broadcast %select_n3A_897 : i32 to vector<16xi32>
      %rem3A_899 = arith.remsi %add3A_721, %rem3A_898 : vector<16xi32>
      %ne3A_900 = arith.constant 0 : i32
      %ne3A_901 = vector.broadcast %ne3A_900 : i32 to vector<16xi32>
      %ne3A_902 = arith.cmpi ne, %rem3A_899, %ne3A_901 : vector<16xi32>
      %lt3A_903 = arith.constant 0 : i32
      %lt3A_904 = vector.broadcast %lt3A_903 : i32 to vector<16xi32>
      %lt3A_905 = arith.cmpi slt, %rem3A_899, %lt3A_904 : vector<16xi32>
      %lt3A_906 = arith.constant 0 : i32
      %lt3A_907 = arith.cmpi slt, %select_n3A_897, %lt3A_906 : i32
      %ne3A_908 = vector.broadcast %lt3A_907 : i1 to vector<16xi1>
      %ne3A_909 = vector.broadcast %ne3A_908 : vector<16xi1> to vector<16xi1>
      %ne3A_910 = arith.xori %lt3A_905, %ne3A_909 : vector<16xi1>
      %and3A_911 = arith.andi %ne3A_910, %ne3A_902 : vector<16xi1>
      %add3A_912 = vector.broadcast %select_n3A_897 : i32 to vector<16xi32>
      %add3A_913 = arith.addi %rem3A_899, %add3A_912 : vector<16xi32>
      %select_n3A_914 = arith.select %and3A_911, %add3A_913, %rem3A_899 : vector<16xi1>, vector<16xi32>
      %jit3A_915 = arith.constant 8 : i32
      %eq3A_916 = arith.constant 0 : i32
      %eq3A_917 = arith.cmpi eq, %jit3A_915, %eq3A_916 : i32
      %jit3A_918 = arith.constant 1 : i32
      %select_n3A_919 = arith.select %eq3A_917, %jit3A_918, %jit3A_915 : i32
      %rem3A_920 = vector.broadcast %select_n3A_919 : i32 to vector<16xi32>
      %rem3A_921 = arith.remsi %add3A_724, %rem3A_920 : vector<16xi32>
      %ne3A_922 = arith.constant 0 : i32
      %ne3A_923 = vector.broadcast %ne3A_922 : i32 to vector<16xi32>
      %ne3A_924 = arith.cmpi ne, %rem3A_921, %ne3A_923 : vector<16xi32>
      %lt3A_925 = arith.constant 0 : i32
      %lt3A_926 = vector.broadcast %lt3A_925 : i32 to vector<16xi32>
      %lt3A_927 = arith.cmpi slt, %rem3A_921, %lt3A_926 : vector<16xi32>
      %lt3A_928 = arith.constant 0 : i32
      %lt3A_929 = arith.cmpi slt, %select_n3A_919, %lt3A_928 : i32
      %ne3A_930 = vector.broadcast %lt3A_929 : i1 to vector<16xi1>
      %ne3A_931 = vector.broadcast %ne3A_930 : vector<16xi1> to vector<16xi1>
      %ne3A_932 = arith.xori %lt3A_927, %ne3A_931 : vector<16xi1>
      %and3A_933 = arith.andi %ne3A_932, %ne3A_924 : vector<16xi1>
      %add3A_934 = vector.broadcast %select_n3A_919 : i32 to vector<16xi32>
      %add3A_935 = arith.addi %rem3A_921, %add3A_934 : vector<16xi32>
      %select_n3A_936 = arith.select %and3A_933, %add3A_935, %rem3A_921 : vector<16xi1>, vector<16xi32>
      %parallel_loop3A_937 = arith.constant 0 : i32
      %parallel_loop3A_938 = arith.constant 128 : i32
      %parallel_loop3A_939 = arith.constant 1 : i32
      scf.for %parallel_loop3A_1532 = %parallel_loop3A_937 to %parallel_loop3A_938 step %parallel_loop3A_939  : i32 {
        %parallel_loop3A_1533 = vector.broadcast %parallel_loop3A_1532 : i32 to vector<16xi32>
        %parallel_loop3A_1534 = arith.constant 1 : i32
        %parallel_loop3A_1535 = arith.index_cast %parallel_loop3A_1534 : i32 to index
        %parallel_loop3A_1536 = arith.index_cast %parallel_loop3A_1532 : i32 to index
        %parallel_loop3A_1537 = arith.constant 0 : index
        %parallel_loop3A_1538 = tpu.vector_load %arg8[%parallel_loop3A_1535, %parallel_loop3A_1536, %parallel_loop3A_1537] {strides = array<i32>} : memref<4x128x64xf32, #tpu.memory_space<vmem>>, vector<16xf32>,
        %parallel_loop3A_1539 = arith.addf %parallel_loop3A_1538, %get3A_703 : vector<16xf32>
        %parallel_loop3A_1540 = arith.constant 1 : i32
        %parallel_loop3A_1541 = arith.constant 0 : i32
        %parallel_loop3A_1542 = arith.constant 0 : i32
        %parallel_loop3A_1543 = arith.constant 0 : i32
        %parallel_loop3A_1544 = tpu.memref_slice %arg9[%parallel_loop3A_1540, %parallel_loop3A_1541, %parallel_loop3A_1542, %parallel_loop3A_1543] : memref<4x8x8x133xf32, #tpu.memory_space<vmem>> -> memref<1x8x8x133xf32, #tpu.memory_space<vmem>>
        %parallel_loop3A_1545 = tpu.memref_squeeze %parallel_loop3A_1544 : memref<1x8x8x133xf32, #tpu.memory_space<vmem>> -> memref<8x8x133xf32, #tpu.memory_space<vmem>>
        tpu.vector_store_idx %parallel_loop3A_1545[%select_n3A_755, %select_n3A_870, %parallel_loop3A_1533], %parallel_loop3A_1539 : memref<8x8x133xf32, #tpu.memory_space<vmem>>[vector<16xi32>, vector<16xi32>, vector<16xi32>], vector<16xf32>,
        %parallel_loop3A_1546 = arith.constant 1 : i32
        %parallel_loop3A_1547 = arith.index_cast %parallel_loop3A_1546 : i32 to index
        %parallel_loop3A_1548 = arith.index_cast %parallel_loop3A_1532 : i32 to index
        %parallel_loop3A_1549 = arith.constant 16 : index
        %parallel_loop3A_1550 = tpu.vector_load %arg8[%parallel_loop3A_1547, %parallel_loop3A_1548, %parallel_loop3A_1549] {strides = array<i32>} : memref<4x128x64xf32, #tpu.memory_space<vmem>>, vector<16xf32>,
        %parallel_loop3A_1551 = arith.addf %parallel_loop3A_1550, %get3A_706 : vector<16xf32>
        %parallel_loop3A_1552 = arith.constant 1 : i32
        %parallel_loop3A_1553 = arith.constant 0 : i32
        %parallel_loop3A_1554 = arith.constant 0 : i32
        %parallel_loop3A_1555 = arith.constant 0 : i32
        %parallel_loop3A_1556 = tpu.memref_slice %arg9[%parallel_loop3A_1552, %parallel_loop3A_1553, %parallel_loop3A_1554, %parallel_loop3A_1555] : memref<4x8x8x133xf32, #tpu.memory_space<vmem>> -> memref<1x8x8x133xf32, #tpu.memory_space<vmem>>
        %parallel_loop3A_1557 = tpu.memref_squeeze %parallel_loop3A_1556 : memref<1x8x8x133xf32, #tpu.memory_space<vmem>> -> memref<8x8x133xf32, #tpu.memory_space<vmem>>
        tpu.vector_store_idx %parallel_loop3A_1557[%select_n3A_786, %select_n3A_892, %parallel_loop3A_1533], %parallel_loop3A_1551 : memref<8x8x133xf32, #tpu.memory_space<vmem>>[vector<16xi32>, vector<16xi32>, vector<16xi32>], vector<16xf32>,
        %parallel_loop3A_1558 = arith.constant 1 : i32
        %parallel_loop3A_1559 = arith.index_cast %parallel_loop3A_1558 : i32 to index
        %parallel_loop3A_1560 = arith.index_cast %parallel_loop3A_1532 : i32 to index
        %parallel_loop3A_1561 = arith.constant 32 : index
        %parallel_loop3A_1562 = tpu.vector_load %arg8[%parallel_loop3A_1559, %parallel_loop3A_1560, %parallel_loop3A_1561] {strides = array<i32>} : memref<4x128x64xf32, #tpu.memory_space<vmem>>, vector<16xf32>,
        %parallel_loop3A_1563 = arith.addf %parallel_loop3A_1562, %get3A_709 : vector<16xf32>
        %parallel_loop3A_1564 = arith.constant 1 : i32
        %parallel_loop3A_1565 = arith.constant 0 : i32
        %parallel_loop3A_1566 = arith.constant 0 : i32
        %parallel_loop3A_1567 = arith.constant 0 : i32
        %parallel_loop3A_1568 = tpu.memref_slice %arg9[%parallel_loop3A_1564, %parallel_loop3A_1565, %parallel_loop3A_1566, %parallel_loop3A_1567] : memref<4x8x8x133xf32, #tpu.memory_space<vmem>> -> memref<1x8x8x133xf32, #tpu.memory_space<vmem>>
        %parallel_loop3A_1569 = tpu.memref_squeeze %parallel_loop3A_1568 : memref<1x8x8x133xf32, #tpu.memory_space<vmem>> -> memref<8x8x133xf32, #tpu.memory_space<vmem>>
        tpu.vector_store_idx %parallel_loop3A_1569[%select_n3A_817, %select_n3A_914, %parallel_loop3A_1533], %parallel_loop3A_1563 : memref<8x8x133xf32, #tpu.memory_space<vmem>>[vector<16xi32>, vector<16xi32>, vector<16xi32>], vector<16xf32>,
        %parallel_loop3A_1570 = arith.constant 1 : i32
        %parallel_loop3A_1571 = arith.index_cast %parallel_loop3A_1570 : i32 to index
        %parallel_loop3A_1572 = arith.index_cast %parallel_loop3A_1532 : i32 to index
        %parallel_loop3A_1573 = arith.constant 48 : index
        %parallel_loop3A_1574 = tpu.vector_load %arg8[%parallel_loop3A_1571, %parallel_loop3A_1572, %parallel_loop3A_1573] {strides = array<i32>} : memref<4x128x64xf32, #tpu.memory_space<vmem>>, vector<16xf32>,
        %parallel_loop3A_1575 = arith.addf %parallel_loop3A_1574, %get3A_712 : vector<16xf32>
        %parallel_loop3A_1576 = arith.constant 1 : i32
        %parallel_loop3A_1577 = arith.constant 0 : i32
        %parallel_loop3A_1578 = arith.constant 0 : i32
        %parallel_loop3A_1579 = arith.constant 0 : i32
        %parallel_loop3A_1580 = tpu.memref_slice %arg9[%parallel_loop3A_1576, %parallel_loop3A_1577, %parallel_loop3A_1578, %parallel_loop3A_1579] : memref<4x8x8x133xf32, #tpu.memory_space<vmem>> -> memref<1x8x8x133xf32, #tpu.memory_space<vmem>>
        %parallel_loop3A_1581 = tpu.memref_squeeze %parallel_loop3A_1580 : memref<1x8x8x133xf32, #tpu.memory_space<vmem>> -> memref<8x8x133xf32, #tpu.memory_space<vmem>>
        tpu.vector_store_idx %parallel_loop3A_1581[%select_n3A_848, %select_n3A_936, %parallel_loop3A_1533], %parallel_loop3A_1575 : memref<8x8x133xf32, #tpu.memory_space<vmem>>[vector<16xi32>, vector<16xi32>, vector<16xi32>], vector<16xf32>,
      } {sc.loop_unroll_factor = 4 : i64, sc.parallel_access}
      %add3A_940 = arith.constant 2 : i32
      %add3A_941 = arith.addi %mul3A_352, %add3A_940 : i32
      %ge3A_942 = arith.constant 1 : i32
      %ge3A_943 = arith.cmpi sge, %add3A_941, %ge3A_942 : i32
      %convert_element_type3A_944 = arith.extui %ge3A_943 : i1 to i32
      %cond3A_945 = arith.constant 0 : i32
      %cond3A_946 = arith.cmpi ne, %convert_element_type3A_944, %cond3A_945 : i32
      scf.if %cond3A_946 {
        %sub3A_1532 = arith.constant 1 : i32
        %sub3A_1533 = arith.subi %add3A_941, %sub3A_1532 : i32
        %add3A_1534 = arith.addi %mul3A_2, %sub3A_1533 : i32
        %jit3A_1535 = arith.constant 32 : i32
        %div3A_1536 = arith.divsi %add3A_1534, %jit3A_1535 : i32
        %sign3A_1537 = arith.constant 0 : i32
        %sign3A_1538 = arith.cmpi sgt, %add3A_1534, %sign3A_1537 : i32
        %sign3A_1539 = arith.extui %sign3A_1538 : i1 to i32
        %sign3A_1540 = arith.constant 0 : i32
        %sign3A_1541 = arith.cmpi slt, %add3A_1534, %sign3A_1540 : i32
        %sign3A_1542 = arith.extui %sign3A_1541 : i1 to i32
        %sign3A_1543 = arith.subi %sign3A_1539, %sign3A_1542 : i32
        %sign3A_1544 = arith.constant 0 : i32
        %sign3A_1545 = arith.cmpi sgt, %jit3A_1535, %sign3A_1544 : i32
        %sign3A_1546 = arith.extui %sign3A_1545 : i1 to i32
        %sign3A_1547 = arith.constant 0 : i32
        %sign3A_1548 = arith.cmpi slt, %jit3A_1535, %sign3A_1547 : i32
        %sign3A_1549 = arith.extui %sign3A_1548 : i1 to i32
        %sign3A_1550 = arith.subi %sign3A_1546, %sign3A_1549 : i32
        %ne3A_1551 = arith.cmpi ne, %sign3A_1543, %sign3A_1550 : i32
        %rem3A_1552 = arith.remsi %add3A_1534, %jit3A_1535 : i32
        %ne3A_1553 = arith.constant 0 : i32
        %ne3A_1554 = arith.cmpi ne, %rem3A_1552, %ne3A_1553 : i32
        %and3A_1555 = arith.andi %ne3A_1551, %ne3A_1554 : i1
        %sub3A_1556 = arith.constant 1 : i32
        %sub3A_1557 = arith.subi %div3A_1536, %sub3A_1556 : i32
        %select_n3A_1558 = arith.select %and3A_1555, %sub3A_1557, %div3A_1536 : i32
        %jit3A_1559 = arith.constant 32 : i32
        %eq3A_1560 = arith.constant 0 : i32
        %eq3A_1561 = arith.cmpi eq, %jit3A_1559, %eq3A_1560 : i32
        %jit3A_1562 = arith.constant 1 : i32
        %select_n3A_1563 = arith.select %eq3A_1561, %jit3A_1562, %jit3A_1559 : i32
        %rem3A_1564 = arith.remsi %add3A_1534, %select_n3A_1563 : i32
        %ne3A_1565 = arith.constant 0 : i32
        %ne3A_1566 = arith.cmpi ne, %rem3A_1564, %ne3A_1565 : i32
        %lt3A_1567 = arith.constant 0 : i32
        %lt3A_1568 = arith.cmpi slt, %rem3A_1564, %lt3A_1567 : i32
        %lt3A_1569 = arith.constant 0 : i32
        %lt3A_1570 = arith.cmpi slt, %select_n3A_1563, %lt3A_1569 : i32
        %ne3A_1571 = arith.xori %lt3A_1568, %lt3A_1570 : i1
        %and3A_1572 = arith.andi %ne3A_1571, %ne3A_1566 : i1
        %add3A_1573 = arith.addi %rem3A_1564, %select_n3A_1563 : i32
        %select_n3A_1574 = arith.select %and3A_1572, %add3A_1573, %rem3A_1564 : i32
        %dma_start3A_1575 = arith.constant 1 : i32
        %dma_start3A_1576 = arith.constant 0 : i32
        %dma_start3A_1577 = arith.constant 0 : i32
        %dma_start3A_1578 = arith.constant 0 : i32
        %dma_start3A_1579 = tpu.memref_slice %arg9[%dma_start3A_1575, %dma_start3A_1576, %dma_start3A_1577, %dma_start3A_1578] : memref<4x8x8x133xf32, #tpu.memory_space<vmem>> -> memref<1x8x8x128xf32, #tpu.memory_space<vmem>>
        %dma_start3A_1580 = tpu.memref_squeeze %dma_start3A_1579 : memref<1x8x8x128xf32, #tpu.memory_space<vmem>> -> memref<8x8x128xf32, #tpu.memory_space<vmem>>
        %dma_start3A_1581 = arith.constant 0 : i32
        %dma_start3A_1582 = arith.constant 0 : i32
        %dma_start3A_1583 = arith.constant 0 : i32
        %dma_start3A_1584 = tpu.memref_slice %arg5[%select_n3A_1558, %dma_start3A_1581, %select_n3A_1574, %dma_start3A_1582, %dma_start3A_1583] : memref<200x8x32x8x128xf32, #tpu.memory_space<hbm>> -> memref<1x8x1x8x128xf32, #tpu.memory_space<hbm>>
        %dma_start3A_1585 = tpu.memref_squeeze %dma_start3A_1584 : memref<1x8x1x8x128xf32, #tpu.memory_space<hbm>> -> memref<8x8x128xf32, #tpu.memory_space<hbm>>
        %dma_start3A_1586 = arith.constant 0 : i32
        %dma_start3A_1587 = arith.constant 0 : i32
        %dma_start3A_1588 = arith.constant 0 : i32
        %dma_start3A_1589 = tpu.memref_slice %arg5[%select_n3A_1558, %dma_start3A_1586, %select_n3A_1574, %dma_start3A_1587, %dma_start3A_1588] : memref<200x8x32x8x128xf32, #tpu.memory_space<hbm>> -> memref<1x8x1x8x128xf32, #tpu.memory_space<hbm>>
        %dma_start3A_1590 = tpu.memref_squeeze %dma_start3A_1589 : memref<1x8x1x8x128xf32, #tpu.memory_space<hbm>> -> memref<8x8x128xf32, #tpu.memory_space<hbm>>
        %dma_start3A_1591 = arith.constant 0 : i32
        %dma_start3A_1592 = arith.constant 0 : i32
        %dma_start3A_1593 = arith.constant 0 : i32
        %dma_start3A_1594 = tpu.memref_slice %arg9[%dma_start3A_1575, %dma_start3A_1591, %dma_start3A_1592, %dma_start3A_1593] : memref<4x8x8x133xf32, #tpu.memory_space<vmem>> -> memref<1x8x8x128xf32, #tpu.memory_space<vmem>>
        %dma_start3A_1595 = tpu.memref_squeeze %dma_start3A_1594 : memref<1x8x8x128xf32, #tpu.memory_space<vmem>> -> memref<8x8x128xf32, #tpu.memory_space<vmem>>
        tpu.enqueue_dma source(%dma_start3A_1595 : memref<8x8x128xf32, #tpu.memory_space<vmem>>) target(%dma_start3A_1590 : memref<8x8x128xf32, #tpu.memory_space<hbm>>) target_semaphore(%arg15 : memref<!tpu.dma_semaphore, #tpu.memory_space<semaphore_mem>>)
      } else {
      }
      %add3A_947 = arith.constant 4 : i32
      %add3A_948 = arith.addi %add3A_941, %add3A_947 : i32
      %sub3A_949 = arith.constant 1 : i32
      %sub3A_950 = arith.subi %add3A_948, %sub3A_949 : i32
      %lt3A_951 = arith.constant 200 : i32
      %lt3A_952 = arith.cmpi slt, %sub3A_950, %lt3A_951 : i32
      %convert_element_type3A_953 = arith.extui %lt3A_952 : i1 to i32
      %cond3A_954 = arith.constant 0 : i32
      %cond3A_955 = arith.cmpi ne, %convert_element_type3A_953, %cond3A_954 : i32
      scf.if %cond3A_955 {
        %add3A_1532 = arith.constant 4 : i32
        %add3A_1533 = arith.addi %add3A_941, %add3A_1532 : i32
        %sub3A_1534 = arith.constant 1 : i32
        %sub3A_1535 = arith.subi %add3A_1533, %sub3A_1534 : i32
        %dma_start3A_1536 = arith.constant 1 : i32
        %dma_start3A_1537 = arith.constant 0 : i32
        %dma_start3A_1538 = arith.constant 0 : i32
        %dma_start3A_1539 = tpu.memref_slice %arg8[%dma_start3A_1536, %dma_start3A_1537, %dma_start3A_1538] : memref<4x128x64xf32, #tpu.memory_space<vmem>> -> memref<1x128x64xf32, #tpu.memory_space<vmem>>
        %dma_start3A_1540 = tpu.memref_squeeze %dma_start3A_1539 : memref<1x128x64xf32, #tpu.memory_space<vmem>> -> memref<128x64xf32, #tpu.memory_space<vmem>>
        %dma_start3A_1541 = arith.constant 0 : i32
        %dma_start3A_1542 = tpu.memref_slice %arg6[%sub3A_1535, %dma_start3A_1541] : memref<200x128xi32, #tpu.memory_space<vmem>> -> memref<1x128xi32, #tpu.memory_space<vmem>>
        %dma_start3A_1543 = tpu.memref_squeeze %dma_start3A_1542 : memref<1x128xi32, #tpu.memory_space<vmem>> -> memref<128xi32, #tpu.memory_space<vmem>>
        %dma_start3A_1544 = arith.constant 0 : i32
        %dma_start3A_1545 = arith.constant 0 : i32
        %dma_start3A_1546 = tpu.memref_slice %arg3[%dma_start3A_1544, %dma_start3A_1545] : memref<1000000x64xf32, #tpu.memory_space<hbm>> -> memref<1000000x64xf32, #tpu.memory_space<hbm>>
        tpu.enqueue_indirect_dma source(%dma_start3A_1546 : memref<1000000x64xf32, #tpu.memory_space<hbm>>) target(%dma_start3A_1540 : memref<128x64xf32, #tpu.memory_space<vmem>>) offsets(%dma_start3A_1543 : memref<128xi32, #tpu.memory_space<vmem>>) semaphore(%arg11 : memref<!tpu.dma_semaphore, #tpu.memory_space<semaphore_mem>>)
      } else {
      }
      %dma_wait3A_956 = arith.constant 2 : i32
      %dma_wait3A_957 = arith.constant 0 : i32
      %dma_wait3A_958 = arith.constant 0 : i32
      %dma_wait3A_959 = tpu.memref_slice %arg8[%dma_wait3A_956, %dma_wait3A_957, %dma_wait3A_958] : memref<4x128x64xf32, #tpu.memory_space<vmem>> -> memref<1x128x64xf32, #tpu.memory_space<vmem>>
      %dma_wait3A_960 = tpu.memref_squeeze %dma_wait3A_959 : memref<1x128x64xf32, #tpu.memory_space<vmem>> -> memref<128x64xf32, #tpu.memory_space<vmem>>
      %dma_wait3A_961 = arith.constant 0 : i32
      %dma_wait3A_962 = tpu.memref_slice %arg6[%add3A_941, %dma_wait3A_961] : memref<200x128xi32, #tpu.memory_space<vmem>> -> memref<1x128xi32, #tpu.memory_space<vmem>>
      %dma_wait3A_963 = tpu.memref_squeeze %dma_wait3A_962 : memref<1x128xi32, #tpu.memory_space<vmem>> -> memref<128xi32, #tpu.memory_space<vmem>>
      %dma_wait3A_964 = arith.constant 0 : i32
      %dma_wait3A_965 = arith.constant 0 : i32
      %dma_wait3A_966 = tpu.memref_slice %arg3[%dma_wait3A_964, %dma_wait3A_965] : memref<1000000x64xf32, #tpu.memory_space<hbm>> -> memref<1000000x64xf32, #tpu.memory_space<hbm>>
      tpu.wait_indirect_dma semaphore(%arg12 : memref<!tpu.dma_semaphore, #tpu.memory_space<semaphore_mem>>) src(%dma_wait3A_966 : memref<1000000x64xf32, #tpu.memory_space<hbm>>) dst(%dma_wait3A_960 : memref<128x64xf32, #tpu.memory_space<vmem>>)
      %ge3A_967 = arith.constant 4 : i32
      %ge3A_968 = arith.cmpi sge, %add3A_941, %ge3A_967 : i32
      %convert_element_type3A_969 = arith.extui %ge3A_968 : i1 to i32
      %cond3A_970 = arith.constant 0 : i32
      %cond3A_971 = arith.cmpi ne, %convert_element_type3A_969, %cond3A_970 : i32
      scf.if %cond3A_971 {
        %sub3A_1532 = arith.constant 4 : i32
        %sub3A_1533 = arith.subi %add3A_941, %sub3A_1532 : i32
        %add3A_1534 = arith.addi %mul3A_2, %sub3A_1533 : i32
        %jit3A_1535 = arith.constant 32 : i32
        %div3A_1536 = arith.divsi %add3A_1534, %jit3A_1535 : i32
        %sign3A_1537 = arith.constant 0 : i32
        %sign3A_1538 = arith.cmpi sgt, %add3A_1534, %sign3A_1537 : i32
        %sign3A_1539 = arith.extui %sign3A_1538 : i1 to i32
        %sign3A_1540 = arith.constant 0 : i32
        %sign3A_1541 = arith.cmpi slt, %add3A_1534, %sign3A_1540 : i32
        %sign3A_1542 = arith.extui %sign3A_1541 : i1 to i32
        %sign3A_1543 = arith.subi %sign3A_1539, %sign3A_1542 : i32
        %sign3A_1544 = arith.constant 0 : i32
        %sign3A_1545 = arith.cmpi sgt, %jit3A_1535, %sign3A_1544 : i32
        %sign3A_1546 = arith.extui %sign3A_1545 : i1 to i32
        %sign3A_1547 = arith.constant 0 : i32
        %sign3A_1548 = arith.cmpi slt, %jit3A_1535, %sign3A_1547 : i32
        %sign3A_1549 = arith.extui %sign3A_1548 : i1 to i32
        %sign3A_1550 = arith.subi %sign3A_1546, %sign3A_1549 : i32
        %ne3A_1551 = arith.cmpi ne, %sign3A_1543, %sign3A_1550 : i32
        %rem3A_1552 = arith.remsi %add3A_1534, %jit3A_1535 : i32
        %ne3A_1553 = arith.constant 0 : i32
        %ne3A_1554 = arith.cmpi ne, %rem3A_1552, %ne3A_1553 : i32
        %and3A_1555 = arith.andi %ne3A_1551, %ne3A_1554 : i1
        %sub3A_1556 = arith.constant 1 : i32
        %sub3A_1557 = arith.subi %div3A_1536, %sub3A_1556 : i32
        %select_n3A_1558 = arith.select %and3A_1555, %sub3A_1557, %div3A_1536 : i32
        %jit3A_1559 = arith.constant 32 : i32
        %eq3A_1560 = arith.constant 0 : i32
        %eq3A_1561 = arith.cmpi eq, %jit3A_1559, %eq3A_1560 : i32
        %jit3A_1562 = arith.constant 1 : i32
        %select_n3A_1563 = arith.select %eq3A_1561, %jit3A_1562, %jit3A_1559 : i32
        %rem3A_1564 = arith.remsi %add3A_1534, %select_n3A_1563 : i32
        %ne3A_1565 = arith.constant 0 : i32
        %ne3A_1566 = arith.cmpi ne, %rem3A_1564, %ne3A_1565 : i32
        %lt3A_1567 = arith.constant 0 : i32
        %lt3A_1568 = arith.cmpi slt, %rem3A_1564, %lt3A_1567 : i32
        %lt3A_1569 = arith.constant 0 : i32
        %lt3A_1570 = arith.cmpi slt, %select_n3A_1563, %lt3A_1569 : i32
        %ne3A_1571 = arith.xori %lt3A_1568, %lt3A_1570 : i1
        %and3A_1572 = arith.andi %ne3A_1571, %ne3A_1566 : i1
        %add3A_1573 = arith.addi %rem3A_1564, %select_n3A_1563 : i32
        %select_n3A_1574 = arith.select %and3A_1572, %add3A_1573, %rem3A_1564 : i32
        %dma_wait3A_1575 = arith.constant 2 : i32
        %dma_wait3A_1576 = arith.constant 0 : i32
        %dma_wait3A_1577 = arith.constant 0 : i32
        %dma_wait3A_1578 = arith.constant 0 : i32
        %dma_wait3A_1579 = tpu.memref_slice %arg9[%dma_wait3A_1575, %dma_wait3A_1576, %dma_wait3A_1577, %dma_wait3A_1578] : memref<4x8x8x133xf32, #tpu.memory_space<vmem>> -> memref<1x8x8x128xf32, #tpu.memory_space<vmem>>
        %dma_wait3A_1580 = tpu.memref_squeeze %dma_wait3A_1579 : memref<1x8x8x128xf32, #tpu.memory_space<vmem>> -> memref<8x8x128xf32, #tpu.memory_space<vmem>>
        %dma_wait3A_1581 = arith.constant 0 : i32
        %dma_wait3A_1582 = arith.constant 0 : i32
        %dma_wait3A_1583 = arith.constant 0 : i32
        %dma_wait3A_1584 = tpu.memref_slice %arg5[%select_n3A_1558, %dma_wait3A_1581, %select_n3A_1574, %dma_wait3A_1582, %dma_wait3A_1583] : memref<200x8x32x8x128xf32, #tpu.memory_space<hbm>> -> memref<1x8x1x8x128xf32, #tpu.memory_space<hbm>>
        %dma_wait3A_1585 = tpu.memref_squeeze %dma_wait3A_1584 : memref<1x8x1x8x128xf32, #tpu.memory_space<hbm>> -> memref<8x8x128xf32, #tpu.memory_space<hbm>>
        %dma_wait3A_1586 = arith.constant 0 : i32
        %dma_wait3A_1587 = arith.constant 0 : i32
        %dma_wait3A_1588 = arith.constant 0 : i32
        %dma_wait3A_1589 = tpu.memref_slice %arg5[%select_n3A_1558, %dma_wait3A_1586, %select_n3A_1574, %dma_wait3A_1587, %dma_wait3A_1588] : memref<200x8x32x8x128xf32, #tpu.memory_space<hbm>> -> memref<1x8x1x8x128xf32, #tpu.memory_space<hbm>>
        %dma_wait3A_1590 = tpu.memref_squeeze %dma_wait3A_1589 : memref<1x8x1x8x128xf32, #tpu.memory_space<hbm>> -> memref<8x8x128xf32, #tpu.memory_space<hbm>>
        %dma_wait3A_1591 = arith.constant 0 : i32
        %dma_wait3A_1592 = arith.constant 0 : i32
        %dma_wait3A_1593 = arith.constant 0 : i32
        %dma_wait3A_1594 = tpu.memref_slice %arg9[%dma_wait3A_1575, %dma_wait3A_1591, %dma_wait3A_1592, %dma_wait3A_1593] : memref<4x8x8x133xf32, #tpu.memory_space<vmem>> -> memref<1x8x8x128xf32, #tpu.memory_space<vmem>>
        %dma_wait3A_1595 = tpu.memref_squeeze %dma_wait3A_1594 : memref<1x8x8x128xf32, #tpu.memory_space<vmem>> -> memref<8x8x128xf32, #tpu.memory_space<vmem>>
        tpu.wait_dma2 semaphore(%arg16 : memref<!tpu.dma_semaphore, #tpu.memory_space<semaphore_mem>>) src(%dma_wait3A_1595 : memref<8x8x128xf32, #tpu.memory_space<vmem>>) dst(%dma_wait3A_1590 : memref<8x8x128xf32, #tpu.memory_space<hbm>>)
      } else {
      }
      %add3A_972 = arith.addi %mul3A_2, %add3A_941 : i32
      %jit3A_973 = arith.constant 32 : i32
      %div3A_974 = arith.divsi %add3A_972, %jit3A_973 : i32
      %sign3A_975 = arith.constant 0 : i32
      %sign3A_976 = arith.cmpi sgt, %add3A_972, %sign3A_975 : i32
      %sign3A_977 = arith.extui %sign3A_976 : i1 to i32
      %sign3A_978 = arith.constant 0 : i32
      %sign3A_979 = arith.cmpi slt, %add3A_972, %sign3A_978 : i32
      %sign3A_980 = arith.extui %sign3A_979 : i1 to i32
      %sign3A_981 = arith.subi %sign3A_977, %sign3A_980 : i32
      %sign3A_982 = arith.constant 0 : i32
      %sign3A_983 = arith.cmpi sgt, %jit3A_973, %sign3A_982 : i32
      %sign3A_984 = arith.extui %sign3A_983 : i1 to i32
      %sign3A_985 = arith.constant 0 : i32
      %sign3A_986 = arith.cmpi slt, %jit3A_973, %sign3A_985 : i32
      %sign3A_987 = arith.extui %sign3A_986 : i1 to i32
      %sign3A_988 = arith.subi %sign3A_984, %sign3A_987 : i32
      %ne3A_989 = arith.cmpi ne, %sign3A_981, %sign3A_988 : i32
      %rem3A_990 = arith.remsi %add3A_972, %jit3A_973 : i32
      %ne3A_991 = arith.constant 0 : i32
      %ne3A_992 = arith.cmpi ne, %rem3A_990, %ne3A_991 : i32
      %and3A_993 = arith.andi %ne3A_989, %ne3A_992 : i1
      %sub3A_994 = arith.constant 1 : i32
      %sub3A_995 = arith.subi %div3A_974, %sub3A_994 : i32
      %select_n3A_996 = arith.select %and3A_993, %sub3A_995, %div3A_974 : i32
      %get3A_997 = arith.index_cast %select_n3A_996 : i32 to index
      %get3A_998 = arith.constant 0 : index
      %get3A_999 = tpu.vector_load %arg7[%get3A_997, %get3A_998] {strides = array<i32>} : memref<200x64xf32, #tpu.memory_space<vmem>>, vector<16xf32>,
      %get3A_1000 = arith.index_cast %select_n3A_996 : i32 to index
      %get3A_1001 = arith.constant 16 : index
      %get3A_1002 = tpu.vector_load %arg7[%get3A_1000, %get3A_1001] {strides = array<i32>} : memref<200x64xf32, #tpu.memory_space<vmem>>, vector<16xf32>,
      %get3A_1003 = arith.index_cast %select_n3A_996 : i32 to index
      %get3A_1004 = arith.constant 32 : index
      %get3A_1005 = tpu.vector_load %arg7[%get3A_1003, %get3A_1004] {strides = array<i32>} : memref<200x64xf32, #tpu.memory_space<vmem>>, vector<16xf32>,
      %get3A_1006 = arith.index_cast %select_n3A_996 : i32 to index
      %get3A_1007 = arith.constant 48 : index
      %get3A_1008 = tpu.vector_load %arg7[%get3A_1006, %get3A_1007] {strides = array<i32>} : memref<200x64xf32, #tpu.memory_space<vmem>>, vector<16xf32>,
      %add3A_1009 = arith.constant 0 : i32
      %add3A_1010 = vector.broadcast %add3A_1009 : i32 to vector<16xi32>
      %add3A_1011 = arith.addi %iota3A, %add3A_1010 : vector<16xi32>
      %add3A_1012 = arith.constant 16 : i32
      %add3A_1013 = vector.broadcast %add3A_1012 : i32 to vector<16xi32>
      %add3A_1014 = arith.addi %iota3A, %add3A_1013 : vector<16xi32>
      %add3A_1015 = arith.constant 32 : i32
      %add3A_1016 = vector.broadcast %add3A_1015 : i32 to vector<16xi32>
      %add3A_1017 = arith.addi %iota3A, %add3A_1016 : vector<16xi32>
      %add3A_1018 = arith.constant 48 : i32
      %add3A_1019 = vector.broadcast %add3A_1018 : i32 to vector<16xi32>
      %add3A_1020 = arith.addi %iota3A, %add3A_1019 : vector<16xi32>
      %jit3A_1021 = arith.constant 8 : i32
      %div3A_1022 = vector.broadcast %jit3A_1021 : i32 to vector<16xi32>
      %div3A_1023 = arith.divsi %add3A_1011, %div3A_1022 : vector<16xi32>
      %sign3A_1024 = arith.constant 0 : i32
      %sign3A_1025 = vector.broadcast %sign3A_1024 : i32 to vector<16xi32>
      %sign3A_1026 = arith.cmpi sgt, %add3A_1011, %sign3A_1025 : vector<16xi32>
      %sign3A_1027 = arith.extui %sign3A_1026 : vector<16xi1> to vector<16xi32>
      %sign3A_1028 = arith.constant 0 : i32
      %sign3A_1029 = vector.broadcast %sign3A_1028 : i32 to vector<16xi32>
      %sign3A_1030 = arith.cmpi slt, %add3A_1011, %sign3A_1029 : vector<16xi32>
      %sign3A_1031 = arith.extui %sign3A_1030 : vector<16xi1> to vector<16xi32>
      %sign3A_1032 = arith.subi %sign3A_1027, %sign3A_1031 : vector<16xi32>
      %sign3A_1033 = arith.constant 0 : i32
      %sign3A_1034 = arith.cmpi sgt, %jit3A_1021, %sign3A_1033 : i32
      %sign3A_1035 = arith.extui %sign3A_1034 : i1 to i32
      %sign3A_1036 = arith.constant 0 : i32
      %sign3A_1037 = arith.cmpi slt, %jit3A_1021, %sign3A_1036 : i32
      %sign3A_1038 = arith.extui %sign3A_1037 : i1 to i32
      %sign3A_1039 = arith.subi %sign3A_1035, %sign3A_1038 : i32
      %ne3A_1040 = vector.broadcast %sign3A_1039 : i32 to vector<16xi32>
      %ne3A_1041 = arith.cmpi ne, %sign3A_1032, %ne3A_1040 : vector<16xi32>
      %rem3A_1042 = vector.broadcast %jit3A_1021 : i32 to vector<16xi32>
      %rem3A_1043 = arith.remsi %add3A_1011, %rem3A_1042 : vector<16xi32>
      %ne3A_1044 = arith.constant 0 : i32
      %ne3A_1045 = vector.broadcast %ne3A_1044 : i32 to vector<16xi32>
      %ne3A_1046 = arith.cmpi ne, %rem3A_1043, %ne3A_1045 : vector<16xi32>
      %and3A_1047 = arith.andi %ne3A_1041, %ne3A_1046 : vector<16xi1>
      %sub3A_1048 = arith.constant 1 : i32
      %sub3A_1049 = vector.broadcast %sub3A_1048 : i32 to vector<16xi32>
      %sub3A_1050 = arith.subi %div3A_1023, %sub3A_1049 : vector<16xi32>
      %select_n3A_1051 = arith.select %and3A_1047, %sub3A_1050, %div3A_1023 : vector<16xi1>, vector<16xi32>
      %jit3A_1052 = arith.constant 8 : i32
      %div3A_1053 = vector.broadcast %jit3A_1052 : i32 to vector<16xi32>
      %div3A_1054 = arith.divsi %add3A_1014, %div3A_1053 : vector<16xi32>
      %sign3A_1055 = arith.constant 0 : i32
      %sign3A_1056 = vector.broadcast %sign3A_1055 : i32 to vector<16xi32>
      %sign3A_1057 = arith.cmpi sgt, %add3A_1014, %sign3A_1056 : vector<16xi32>
      %sign3A_1058 = arith.extui %sign3A_1057 : vector<16xi1> to vector<16xi32>
      %sign3A_1059 = arith.constant 0 : i32
      %sign3A_1060 = vector.broadcast %sign3A_1059 : i32 to vector<16xi32>
      %sign3A_1061 = arith.cmpi slt, %add3A_1014, %sign3A_1060 : vector<16xi32>
      %sign3A_1062 = arith.extui %sign3A_1061 : vector<16xi1> to vector<16xi32>
      %sign3A_1063 = arith.subi %sign3A_1058, %sign3A_1062 : vector<16xi32>
      %sign3A_1064 = arith.constant 0 : i32
      %sign3A_1065 = arith.cmpi sgt, %jit3A_1052, %sign3A_1064 : i32
      %sign3A_1066 = arith.extui %sign3A_1065 : i1 to i32
      %sign3A_1067 = arith.constant 0 : i32
      %sign3A_1068 = arith.cmpi slt, %jit3A_1052, %sign3A_1067 : i32
      %sign3A_1069 = arith.extui %sign3A_1068 : i1 to i32
      %sign3A_1070 = arith.subi %sign3A_1066, %sign3A_1069 : i32
      %ne3A_1071 = vector.broadcast %sign3A_1070 : i32 to vector<16xi32>
      %ne3A_1072 = arith.cmpi ne, %sign3A_1063, %ne3A_1071 : vector<16xi32>
      %rem3A_1073 = vector.broadcast %jit3A_1052 : i32 to vector<16xi32>
      %rem3A_1074 = arith.remsi %add3A_1014, %rem3A_1073 : vector<16xi32>
      %ne3A_1075 = arith.constant 0 : i32
      %ne3A_1076 = vector.broadcast %ne3A_1075 : i32 to vector<16xi32>
      %ne3A_1077 = arith.cmpi ne, %rem3A_1074, %ne3A_1076 : vector<16xi32>
      %and3A_1078 = arith.andi %ne3A_1072, %ne3A_1077 : vector<16xi1>
      %sub3A_1079 = arith.constant 1 : i32
      %sub3A_1080 = vector.broadcast %sub3A_1079 : i32 to vector<16xi32>
      %sub3A_1081 = arith.subi %div3A_1054, %sub3A_1080 : vector<16xi32>
      %select_n3A_1082 = arith.select %and3A_1078, %sub3A_1081, %div3A_1054 : vector<16xi1>, vector<16xi32>
      %jit3A_1083 = arith.constant 8 : i32
      %div3A_1084 = vector.broadcast %jit3A_1083 : i32 to vector<16xi32>
      %div3A_1085 = arith.divsi %add3A_1017, %div3A_1084 : vector<16xi32>
      %sign3A_1086 = arith.constant 0 : i32
      %sign3A_1087 = vector.broadcast %sign3A_1086 : i32 to vector<16xi32>
      %sign3A_1088 = arith.cmpi sgt, %add3A_1017, %sign3A_1087 : vector<16xi32>
      %sign3A_1089 = arith.extui %sign3A_1088 : vector<16xi1> to vector<16xi32>
      %sign3A_1090 = arith.constant 0 : i32
      %sign3A_1091 = vector.broadcast %sign3A_1090 : i32 to vector<16xi32>
      %sign3A_1092 = arith.cmpi slt, %add3A_1017, %sign3A_1091 : vector<16xi32>
      %sign3A_1093 = arith.extui %sign3A_1092 : vector<16xi1> to vector<16xi32>
      %sign3A_1094 = arith.subi %sign3A_1089, %sign3A_1093 : vector<16xi32>
      %sign3A_1095 = arith.constant 0 : i32
      %sign3A_1096 = arith.cmpi sgt, %jit3A_1083, %sign3A_1095 : i32
      %sign3A_1097 = arith.extui %sign3A_1096 : i1 to i32
      %sign3A_1098 = arith.constant 0 : i32
      %sign3A_1099 = arith.cmpi slt, %jit3A_1083, %sign3A_1098 : i32
      %sign3A_1100 = arith.extui %sign3A_1099 : i1 to i32
      %sign3A_1101 = arith.subi %sign3A_1097, %sign3A_1100 : i32
      %ne3A_1102 = vector.broadcast %sign3A_1101 : i32 to vector<16xi32>
      %ne3A_1103 = arith.cmpi ne, %sign3A_1094, %ne3A_1102 : vector<16xi32>
      %rem3A_1104 = vector.broadcast %jit3A_1083 : i32 to vector<16xi32>
      %rem3A_1105 = arith.remsi %add3A_1017, %rem3A_1104 : vector<16xi32>
      %ne3A_1106 = arith.constant 0 : i32
      %ne3A_1107 = vector.broadcast %ne3A_1106 : i32 to vector<16xi32>
      %ne3A_1108 = arith.cmpi ne, %rem3A_1105, %ne3A_1107 : vector<16xi32>
      %and3A_1109 = arith.andi %ne3A_1103, %ne3A_1108 : vector<16xi1>
      %sub3A_1110 = arith.constant 1 : i32
      %sub3A_1111 = vector.broadcast %sub3A_1110 : i32 to vector<16xi32>
      %sub3A_1112 = arith.subi %div3A_1085, %sub3A_1111 : vector<16xi32>
      %select_n3A_1113 = arith.select %and3A_1109, %sub3A_1112, %div3A_1085 : vector<16xi1>, vector<16xi32>
      %jit3A_1114 = arith.constant 8 : i32
      %div3A_1115 = vector.broadcast %jit3A_1114 : i32 to vector<16xi32>
      %div3A_1116 = arith.divsi %add3A_1020, %div3A_1115 : vector<16xi32>
      %sign3A_1117 = arith.constant 0 : i32
      %sign3A_1118 = vector.broadcast %sign3A_1117 : i32 to vector<16xi32>
      %sign3A_1119 = arith.cmpi sgt, %add3A_1020, %sign3A_1118 : vector<16xi32>
      %sign3A_1120 = arith.extui %sign3A_1119 : vector<16xi1> to vector<16xi32>
      %sign3A_1121 = arith.constant 0 : i32
      %sign3A_1122 = vector.broadcast %sign3A_1121 : i32 to vector<16xi32>
      %sign3A_1123 = arith.cmpi slt, %add3A_1020, %sign3A_1122 : vector<16xi32>
      %sign3A_1124 = arith.extui %sign3A_1123 : vector<16xi1> to vector<16xi32>
      %sign3A_1125 = arith.subi %sign3A_1120, %sign3A_1124 : vector<16xi32>
      %sign3A_1126 = arith.constant 0 : i32
      %sign3A_1127 = arith.cmpi sgt, %jit3A_1114, %sign3A_1126 : i32
      %sign3A_1128 = arith.extui %sign3A_1127 : i1 to i32
      %sign3A_1129 = arith.constant 0 : i32
      %sign3A_1130 = arith.cmpi slt, %jit3A_1114, %sign3A_1129 : i32
      %sign3A_1131 = arith.extui %sign3A_1130 : i1 to i32
      %sign3A_1132 = arith.subi %sign3A_1128, %sign3A_1131 : i32
      %ne3A_1133 = vector.broadcast %sign3A_1132 : i32 to vector<16xi32>
      %ne3A_1134 = arith.cmpi ne, %sign3A_1125, %ne3A_1133 : vector<16xi32>
      %rem3A_1135 = vector.broadcast %jit3A_1114 : i32 to vector<16xi32>
      %rem3A_1136 = arith.remsi %add3A_1020, %rem3A_1135 : vector<16xi32>
      %ne3A_1137 = arith.constant 0 : i32
      %ne3A_1138 = vector.broadcast %ne3A_1137 : i32 to vector<16xi32>
      %ne3A_1139 = arith.cmpi ne, %rem3A_1136, %ne3A_1138 : vector<16xi32>
      %and3A_1140 = arith.andi %ne3A_1134, %ne3A_1139 : vector<16xi1>
      %sub3A_1141 = arith.constant 1 : i32
      %sub3A_1142 = vector.broadcast %sub3A_1141 : i32 to vector<16xi32>
      %sub3A_1143 = arith.subi %div3A_1116, %sub3A_1142 : vector<16xi32>
      %select_n3A_1144 = arith.select %and3A_1140, %sub3A_1143, %div3A_1116 : vector<16xi1>, vector<16xi32>
      %jit3A_1145 = arith.constant 8 : i32
      %eq3A_1146 = arith.constant 0 : i32
      %eq3A_1147 = arith.cmpi eq, %jit3A_1145, %eq3A_1146 : i32
      %jit3A_1148 = arith.constant 1 : i32
      %select_n3A_1149 = arith.select %eq3A_1147, %jit3A_1148, %jit3A_1145 : i32
      %rem3A_1150 = vector.broadcast %select_n3A_1149 : i32 to vector<16xi32>
      %rem3A_1151 = arith.remsi %add3A_1011, %rem3A_1150 : vector<16xi32>
      %ne3A_1152 = arith.constant 0 : i32
      %ne3A_1153 = vector.broadcast %ne3A_1152 : i32 to vector<16xi32>
      %ne3A_1154 = arith.cmpi ne, %rem3A_1151, %ne3A_1153 : vector<16xi32>
      %lt3A_1155 = arith.constant 0 : i32
      %lt3A_1156 = vector.broadcast %lt3A_1155 : i32 to vector<16xi32>
      %lt3A_1157 = arith.cmpi slt, %rem3A_1151, %lt3A_1156 : vector<16xi32>
      %lt3A_1158 = arith.constant 0 : i32
      %lt3A_1159 = arith.cmpi slt, %select_n3A_1149, %lt3A_1158 : i32
      %ne3A_1160 = vector.broadcast %lt3A_1159 : i1 to vector<16xi1>
      %ne3A_1161 = vector.broadcast %ne3A_1160 : vector<16xi1> to vector<16xi1>
      %ne3A_1162 = arith.xori %lt3A_1157, %ne3A_1161 : vector<16xi1>
      %and3A_1163 = arith.andi %ne3A_1162, %ne3A_1154 : vector<16xi1>
      %add3A_1164 = vector.broadcast %select_n3A_1149 : i32 to vector<16xi32>
      %add3A_1165 = arith.addi %rem3A_1151, %add3A_1164 : vector<16xi32>
      %select_n3A_1166 = arith.select %and3A_1163, %add3A_1165, %rem3A_1151 : vector<16xi1>, vector<16xi32>
      %jit3A_1167 = arith.constant 8 : i32
      %eq3A_1168 = arith.constant 0 : i32
      %eq3A_1169 = arith.cmpi eq, %jit3A_1167, %eq3A_1168 : i32
      %jit3A_1170 = arith.constant 1 : i32
      %select_n3A_1171 = arith.select %eq3A_1169, %jit3A_1170, %jit3A_1167 : i32
      %rem3A_1172 = vector.broadcast %select_n3A_1171 : i32 to vector<16xi32>
      %rem3A_1173 = arith.remsi %add3A_1014, %rem3A_1172 : vector<16xi32>
      %ne3A_1174 = arith.constant 0 : i32
      %ne3A_1175 = vector.broadcast %ne3A_1174 : i32 to vector<16xi32>
      %ne3A_1176 = arith.cmpi ne, %rem3A_1173, %ne3A_1175 : vector<16xi32>
      %lt3A_1177 = arith.constant 0 : i32
      %lt3A_1178 = vector.broadcast %lt3A_1177 : i32 to vector<16xi32>
      %lt3A_1179 = arith.cmpi slt, %rem3A_1173, %lt3A_1178 : vector<16xi32>
      %lt3A_1180 = arith.constant 0 : i32
      %lt3A_1181 = arith.cmpi slt, %select_n3A_1171, %lt3A_1180 : i32
      %ne3A_1182 = vector.broadcast %lt3A_1181 : i1 to vector<16xi1>
      %ne3A_1183 = vector.broadcast %ne3A_1182 : vector<16xi1> to vector<16xi1>
      %ne3A_1184 = arith.xori %lt3A_1179, %ne3A_1183 : vector<16xi1>
      %and3A_1185 = arith.andi %ne3A_1184, %ne3A_1176 : vector<16xi1>
      %add3A_1186 = vector.broadcast %select_n3A_1171 : i32 to vector<16xi32>
      %add3A_1187 = arith.addi %rem3A_1173, %add3A_1186 : vector<16xi32>
      %select_n3A_1188 = arith.select %and3A_1185, %add3A_1187, %rem3A_1173 : vector<16xi1>, vector<16xi32>
      %jit3A_1189 = arith.constant 8 : i32
      %eq3A_1190 = arith.constant 0 : i32
      %eq3A_1191 = arith.cmpi eq, %jit3A_1189, %eq3A_1190 : i32
      %jit3A_1192 = arith.constant 1 : i32
      %select_n3A_1193 = arith.select %eq3A_1191, %jit3A_1192, %jit3A_1189 : i32
      %rem3A_1194 = vector.broadcast %select_n3A_1193 : i32 to vector<16xi32>
      %rem3A_1195 = arith.remsi %add3A_1017, %rem3A_1194 : vector<16xi32>
      %ne3A_1196 = arith.constant 0 : i32
      %ne3A_1197 = vector.broadcast %ne3A_1196 : i32 to vector<16xi32>
      %ne3A_1198 = arith.cmpi ne, %rem3A_1195, %ne3A_1197 : vector<16xi32>
      %lt3A_1199 = arith.constant 0 : i32
      %lt3A_1200 = vector.broadcast %lt3A_1199 : i32 to vector<16xi32>
      %lt3A_1201 = arith.cmpi slt, %rem3A_1195, %lt3A_1200 : vector<16xi32>
      %lt3A_1202 = arith.constant 0 : i32
      %lt3A_1203 = arith.cmpi slt, %select_n3A_1193, %lt3A_1202 : i32
      %ne3A_1204 = vector.broadcast %lt3A_1203 : i1 to vector<16xi1>
      %ne3A_1205 = vector.broadcast %ne3A_1204 : vector<16xi1> to vector<16xi1>
      %ne3A_1206 = arith.xori %lt3A_1201, %ne3A_1205 : vector<16xi1>
      %and3A_1207 = arith.andi %ne3A_1206, %ne3A_1198 : vector<16xi1>
      %add3A_1208 = vector.broadcast %select_n3A_1193 : i32 to vector<16xi32>
      %add3A_1209 = arith.addi %rem3A_1195, %add3A_1208 : vector<16xi32>
      %select_n3A_1210 = arith.select %and3A_1207, %add3A_1209, %rem3A_1195 : vector<16xi1>, vector<16xi32>
      %jit3A_1211 = arith.constant 8 : i32
      %eq3A_1212 = arith.constant 0 : i32
      %eq3A_1213 = arith.cmpi eq, %jit3A_1211, %eq3A_1212 : i32
      %jit3A_1214 = arith.constant 1 : i32
      %select_n3A_1215 = arith.select %eq3A_1213, %jit3A_1214, %jit3A_1211 : i32
      %rem3A_1216 = vector.broadcast %select_n3A_1215 : i32 to vector<16xi32>
      %rem3A_1217 = arith.remsi %add3A_1020, %rem3A_1216 : vector<16xi32>
      %ne3A_1218 = arith.constant 0 : i32
      %ne3A_1219 = vector.broadcast %ne3A_1218 : i32 to vector<16xi32>
      %ne3A_1220 = arith.cmpi ne, %rem3A_1217, %ne3A_1219 : vector<16xi32>
      %lt3A_1221 = arith.constant 0 : i32
      %lt3A_1222 = vector.broadcast %lt3A_1221 : i32 to vector<16xi32>
      %lt3A_1223 = arith.cmpi slt, %rem3A_1217, %lt3A_1222 : vector<16xi32>
      %lt3A_1224 = arith.constant 0 : i32
      %lt3A_1225 = arith.cmpi slt, %select_n3A_1215, %lt3A_1224 : i32
      %ne3A_1226 = vector.broadcast %lt3A_1225 : i1 to vector<16xi1>
      %ne3A_1227 = vector.broadcast %ne3A_1226 : vector<16xi1> to vector<16xi1>
      %ne3A_1228 = arith.xori %lt3A_1223, %ne3A_1227 : vector<16xi1>
      %and3A_1229 = arith.andi %ne3A_1228, %ne3A_1220 : vector<16xi1>
      %add3A_1230 = vector.broadcast %select_n3A_1215 : i32 to vector<16xi32>
      %add3A_1231 = arith.addi %rem3A_1217, %add3A_1230 : vector<16xi32>
      %select_n3A_1232 = arith.select %and3A_1229, %add3A_1231, %rem3A_1217 : vector<16xi1>, vector<16xi32>
      %parallel_loop3A_1233 = arith.constant 0 : i32
      %parallel_loop3A_1234 = arith.constant 128 : i32
      %parallel_loop3A_1235 = arith.constant 1 : i32
      scf.for %parallel_loop3A_1532 = %parallel_loop3A_1233 to %parallel_loop3A_1234 step %parallel_loop3A_1235  : i32 {
        %parallel_loop3A_1533 = vector.broadcast %parallel_loop3A_1532 : i32 to vector<16xi32>
        %parallel_loop3A_1534 = arith.constant 2 : i32
        %parallel_loop3A_1535 = arith.index_cast %parallel_loop3A_1534 : i32 to index
        %parallel_loop3A_1536 = arith.index_cast %parallel_loop3A_1532 : i32 to index
        %parallel_loop3A_1537 = arith.constant 0 : index
        %parallel_loop3A_1538 = tpu.vector_load %arg8[%parallel_loop3A_1535, %parallel_loop3A_1536, %parallel_loop3A_1537] {strides = array<i32>} : memref<4x128x64xf32, #tpu.memory_space<vmem>>, vector<16xf32>,
        %parallel_loop3A_1539 = arith.addf %parallel_loop3A_1538, %get3A_999 : vector<16xf32>
        %parallel_loop3A_1540 = arith.constant 2 : i32
        %parallel_loop3A_1541 = arith.constant 0 : i32
        %parallel_loop3A_1542 = arith.constant 0 : i32
        %parallel_loop3A_1543 = arith.constant 0 : i32
        %parallel_loop3A_1544 = tpu.memref_slice %arg9[%parallel_loop3A_1540, %parallel_loop3A_1541, %parallel_loop3A_1542, %parallel_loop3A_1543] : memref<4x8x8x133xf32, #tpu.memory_space<vmem>> -> memref<1x8x8x133xf32, #tpu.memory_space<vmem>>
        %parallel_loop3A_1545 = tpu.memref_squeeze %parallel_loop3A_1544 : memref<1x8x8x133xf32, #tpu.memory_space<vmem>> -> memref<8x8x133xf32, #tpu.memory_space<vmem>>
        tpu.vector_store_idx %parallel_loop3A_1545[%select_n3A_1051, %select_n3A_1166, %parallel_loop3A_1533], %parallel_loop3A_1539 : memref<8x8x133xf32, #tpu.memory_space<vmem>>[vector<16xi32>, vector<16xi32>, vector<16xi32>], vector<16xf32>,
        %parallel_loop3A_1546 = arith.constant 2 : i32
        %parallel_loop3A_1547 = arith.index_cast %parallel_loop3A_1546 : i32 to index
        %parallel_loop3A_1548 = arith.index_cast %parallel_loop3A_1532 : i32 to index
        %parallel_loop3A_1549 = arith.constant 16 : index
        %parallel_loop3A_1550 = tpu.vector_load %arg8[%parallel_loop3A_1547, %parallel_loop3A_1548, %parallel_loop3A_1549] {strides = array<i32>} : memref<4x128x64xf32, #tpu.memory_space<vmem>>, vector<16xf32>,
        %parallel_loop3A_1551 = arith.addf %parallel_loop3A_1550, %get3A_1002 : vector<16xf32>
        %parallel_loop3A_1552 = arith.constant 2 : i32
        %parallel_loop3A_1553 = arith.constant 0 : i32
        %parallel_loop3A_1554 = arith.constant 0 : i32
        %parallel_loop3A_1555 = arith.constant 0 : i32
        %parallel_loop3A_1556 = tpu.memref_slice %arg9[%parallel_loop3A_1552, %parallel_loop3A_1553, %parallel_loop3A_1554, %parallel_loop3A_1555] : memref<4x8x8x133xf32, #tpu.memory_space<vmem>> -> memref<1x8x8x133xf32, #tpu.memory_space<vmem>>
        %parallel_loop3A_1557 = tpu.memref_squeeze %parallel_loop3A_1556 : memref<1x8x8x133xf32, #tpu.memory_space<vmem>> -> memref<8x8x133xf32, #tpu.memory_space<vmem>>
        tpu.vector_store_idx %parallel_loop3A_1557[%select_n3A_1082, %select_n3A_1188, %parallel_loop3A_1533], %parallel_loop3A_1551 : memref<8x8x133xf32, #tpu.memory_space<vmem>>[vector<16xi32>, vector<16xi32>, vector<16xi32>], vector<16xf32>,
        %parallel_loop3A_1558 = arith.constant 2 : i32
        %parallel_loop3A_1559 = arith.index_cast %parallel_loop3A_1558 : i32 to index
        %parallel_loop3A_1560 = arith.index_cast %parallel_loop3A_1532 : i32 to index
        %parallel_loop3A_1561 = arith.constant 32 : index
        %parallel_loop3A_1562 = tpu.vector_load %arg8[%parallel_loop3A_1559, %parallel_loop3A_1560, %parallel_loop3A_1561] {strides = array<i32>} : memref<4x128x64xf32, #tpu.memory_space<vmem>>, vector<16xf32>,
        %parallel_loop3A_1563 = arith.addf %parallel_loop3A_1562, %get3A_1005 : vector<16xf32>
        %parallel_loop3A_1564 = arith.constant 2 : i32
        %parallel_loop3A_1565 = arith.constant 0 : i32
        %parallel_loop3A_1566 = arith.constant 0 : i32
        %parallel_loop3A_1567 = arith.constant 0 : i32
        %parallel_loop3A_1568 = tpu.memref_slice %arg9[%parallel_loop3A_1564, %parallel_loop3A_1565, %parallel_loop3A_1566, %parallel_loop3A_1567] : memref<4x8x8x133xf32, #tpu.memory_space<vmem>> -> memref<1x8x8x133xf32, #tpu.memory_space<vmem>>
        %parallel_loop3A_1569 = tpu.memref_squeeze %parallel_loop3A_1568 : memref<1x8x8x133xf32, #tpu.memory_space<vmem>> -> memref<8x8x133xf32, #tpu.memory_space<vmem>>
        tpu.vector_store_idx %parallel_loop3A_1569[%select_n3A_1113, %select_n3A_1210, %parallel_loop3A_1533], %parallel_loop3A_1563 : memref<8x8x133xf32, #tpu.memory_space<vmem>>[vector<16xi32>, vector<16xi32>, vector<16xi32>], vector<16xf32>,
        %parallel_loop3A_1570 = arith.constant 2 : i32
        %parallel_loop3A_1571 = arith.index_cast %parallel_loop3A_1570 : i32 to index
        %parallel_loop3A_1572 = arith.index_cast %parallel_loop3A_1532 : i32 to index
        %parallel_loop3A_1573 = arith.constant 48 : index
        %parallel_loop3A_1574 = tpu.vector_load %arg8[%parallel_loop3A_1571, %parallel_loop3A_1572, %parallel_loop3A_1573] {strides = array<i32>} : memref<4x128x64xf32, #tpu.memory_space<vmem>>, vector<16xf32>,
        %parallel_loop3A_1575 = arith.addf %parallel_loop3A_1574, %get3A_1008 : vector<16xf32>
        %parallel_loop3A_1576 = arith.constant 2 : i32
        %parallel_loop3A_1577 = arith.constant 0 : i32
        %parallel_loop3A_1578 = arith.constant 0 : i32
        %parallel_loop3A_1579 = arith.constant 0 : i32
        %parallel_loop3A_1580 = tpu.memref_slice %arg9[%parallel_loop3A_1576, %parallel_loop3A_1577, %parallel_loop3A_1578, %parallel_loop3A_1579] : memref<4x8x8x133xf32, #tpu.memory_space<vmem>> -> memref<1x8x8x133xf32, #tpu.memory_space<vmem>>
        %parallel_loop3A_1581 = tpu.memref_squeeze %parallel_loop3A_1580 : memref<1x8x8x133xf32, #tpu.memory_space<vmem>> -> memref<8x8x133xf32, #tpu.memory_space<vmem>>
        tpu.vector_store_idx %parallel_loop3A_1581[%select_n3A_1144, %select_n3A_1232, %parallel_loop3A_1533], %parallel_loop3A_1575 : memref<8x8x133xf32, #tpu.memory_space<vmem>>[vector<16xi32>, vector<16xi32>, vector<16xi32>], vector<16xf32>,
      } {sc.loop_unroll_factor = 4 : i64, sc.parallel_access}
      %add3A_1236 = arith.constant 3 : i32
      %add3A_1237 = arith.addi %mul3A_352, %add3A_1236 : i32
      %ge3A_1238 = arith.constant 1 : i32
      %ge3A_1239 = arith.cmpi sge, %add3A_1237, %ge3A_1238 : i32
      %convert_element_type3A_1240 = arith.extui %ge3A_1239 : i1 to i32
      %cond3A_1241 = arith.constant 0 : i32
      %cond3A_1242 = arith.cmpi ne, %convert_element_type3A_1240, %cond3A_1241 : i32
      scf.if %cond3A_1242 {
        %sub3A_1532 = arith.constant 1 : i32
        %sub3A_1533 = arith.subi %add3A_1237, %sub3A_1532 : i32
        %add3A_1534 = arith.addi %mul3A_2, %sub3A_1533 : i32
        %jit3A_1535 = arith.constant 32 : i32
        %div3A_1536 = arith.divsi %add3A_1534, %jit3A_1535 : i32
        %sign3A_1537 = arith.constant 0 : i32
        %sign3A_1538 = arith.cmpi sgt, %add3A_1534, %sign3A_1537 : i32
        %sign3A_1539 = arith.extui %sign3A_1538 : i1 to i32
        %sign3A_1540 = arith.constant 0 : i32
        %sign3A_1541 = arith.cmpi slt, %add3A_1534, %sign3A_1540 : i32
        %sign3A_1542 = arith.extui %sign3A_1541 : i1 to i32
        %sign3A_1543 = arith.subi %sign3A_1539, %sign3A_1542 : i32
        %sign3A_1544 = arith.constant 0 : i32
        %sign3A_1545 = arith.cmpi sgt, %jit3A_1535, %sign3A_1544 : i32
        %sign3A_1546 = arith.extui %sign3A_1545 : i1 to i32
        %sign3A_1547 = arith.constant 0 : i32
        %sign3A_1548 = arith.cmpi slt, %jit3A_1535, %sign3A_1547 : i32
        %sign3A_1549 = arith.extui %sign3A_1548 : i1 to i32
        %sign3A_1550 = arith.subi %sign3A_1546, %sign3A_1549 : i32
        %ne3A_1551 = arith.cmpi ne, %sign3A_1543, %sign3A_1550 : i32
        %rem3A_1552 = arith.remsi %add3A_1534, %jit3A_1535 : i32
        %ne3A_1553 = arith.constant 0 : i32
        %ne3A_1554 = arith.cmpi ne, %rem3A_1552, %ne3A_1553 : i32
        %and3A_1555 = arith.andi %ne3A_1551, %ne3A_1554 : i1
        %sub3A_1556 = arith.constant 1 : i32
        %sub3A_1557 = arith.subi %div3A_1536, %sub3A_1556 : i32
        %select_n3A_1558 = arith.select %and3A_1555, %sub3A_1557, %div3A_1536 : i32
        %jit3A_1559 = arith.constant 32 : i32
        %eq3A_1560 = arith.constant 0 : i32
        %eq3A_1561 = arith.cmpi eq, %jit3A_1559, %eq3A_1560 : i32
        %jit3A_1562 = arith.constant 1 : i32
        %select_n3A_1563 = arith.select %eq3A_1561, %jit3A_1562, %jit3A_1559 : i32
        %rem3A_1564 = arith.remsi %add3A_1534, %select_n3A_1563 : i32
        %ne3A_1565 = arith.constant 0 : i32
        %ne3A_1566 = arith.cmpi ne, %rem3A_1564, %ne3A_1565 : i32
        %lt3A_1567 = arith.constant 0 : i32
        %lt3A_1568 = arith.cmpi slt, %rem3A_1564, %lt3A_1567 : i32
        %lt3A_1569 = arith.constant 0 : i32
        %lt3A_1570 = arith.cmpi slt, %select_n3A_1563, %lt3A_1569 : i32
        %ne3A_1571 = arith.xori %lt3A_1568, %lt3A_1570 : i1
        %and3A_1572 = arith.andi %ne3A_1571, %ne3A_1566 : i1
        %add3A_1573 = arith.addi %rem3A_1564, %select_n3A_1563 : i32
        %select_n3A_1574 = arith.select %and3A_1572, %add3A_1573, %rem3A_1564 : i32
        %dma_start3A_1575 = arith.constant 2 : i32
        %dma_start3A_1576 = arith.constant 0 : i32
        %dma_start3A_1577 = arith.constant 0 : i32
        %dma_start3A_1578 = arith.constant 0 : i32
        %dma_start3A_1579 = tpu.memref_slice %arg9[%dma_start3A_1575, %dma_start3A_1576, %dma_start3A_1577, %dma_start3A_1578] : memref<4x8x8x133xf32, #tpu.memory_space<vmem>> -> memref<1x8x8x128xf32, #tpu.memory_space<vmem>>
        %dma_start3A_1580 = tpu.memref_squeeze %dma_start3A_1579 : memref<1x8x8x128xf32, #tpu.memory_space<vmem>> -> memref<8x8x128xf32, #tpu.memory_space<vmem>>
        %dma_start3A_1581 = arith.constant 0 : i32
        %dma_start3A_1582 = arith.constant 0 : i32
        %dma_start3A_1583 = arith.constant 0 : i32
        %dma_start3A_1584 = tpu.memref_slice %arg5[%select_n3A_1558, %dma_start3A_1581, %select_n3A_1574, %dma_start3A_1582, %dma_start3A_1583] : memref<200x8x32x8x128xf32, #tpu.memory_space<hbm>> -> memref<1x8x1x8x128xf32, #tpu.memory_space<hbm>>
        %dma_start3A_1585 = tpu.memref_squeeze %dma_start3A_1584 : memref<1x8x1x8x128xf32, #tpu.memory_space<hbm>> -> memref<8x8x128xf32, #tpu.memory_space<hbm>>
        %dma_start3A_1586 = arith.constant 0 : i32
        %dma_start3A_1587 = arith.constant 0 : i32
        %dma_start3A_1588 = arith.constant 0 : i32
        %dma_start3A_1589 = tpu.memref_slice %arg5[%select_n3A_1558, %dma_start3A_1586, %select_n3A_1574, %dma_start3A_1587, %dma_start3A_1588] : memref<200x8x32x8x128xf32, #tpu.memory_space<hbm>> -> memref<1x8x1x8x128xf32, #tpu.memory_space<hbm>>
        %dma_start3A_1590 = tpu.memref_squeeze %dma_start3A_1589 : memref<1x8x1x8x128xf32, #tpu.memory_space<hbm>> -> memref<8x8x128xf32, #tpu.memory_space<hbm>>
        %dma_start3A_1591 = arith.constant 0 : i32
        %dma_start3A_1592 = arith.constant 0 : i32
        %dma_start3A_1593 = arith.constant 0 : i32
        %dma_start3A_1594 = tpu.memref_slice %arg9[%dma_start3A_1575, %dma_start3A_1591, %dma_start3A_1592, %dma_start3A_1593] : memref<4x8x8x133xf32, #tpu.memory_space<vmem>> -> memref<1x8x8x128xf32, #tpu.memory_space<vmem>>
        %dma_start3A_1595 = tpu.memref_squeeze %dma_start3A_1594 : memref<1x8x8x128xf32, #tpu.memory_space<vmem>> -> memref<8x8x128xf32, #tpu.memory_space<vmem>>
        tpu.enqueue_dma source(%dma_start3A_1595 : memref<8x8x128xf32, #tpu.memory_space<vmem>>) target(%dma_start3A_1590 : memref<8x8x128xf32, #tpu.memory_space<hbm>>) target_semaphore(%arg16 : memref<!tpu.dma_semaphore, #tpu.memory_space<semaphore_mem>>)
      } else {
      }
      %add3A_1243 = arith.constant 4 : i32
      %add3A_1244 = arith.addi %add3A_1237, %add3A_1243 : i32
      %sub3A_1245 = arith.constant 1 : i32
      %sub3A_1246 = arith.subi %add3A_1244, %sub3A_1245 : i32
      %lt3A_1247 = arith.constant 200 : i32
      %lt3A_1248 = arith.cmpi slt, %sub3A_1246, %lt3A_1247 : i32
      %convert_element_type3A_1249 = arith.extui %lt3A_1248 : i1 to i32
      %cond3A_1250 = arith.constant 0 : i32
      %cond3A_1251 = arith.cmpi ne, %convert_element_type3A_1249, %cond3A_1250 : i32
      scf.if %cond3A_1251 {
        %add3A_1532 = arith.constant 4 : i32
        %add3A_1533 = arith.addi %add3A_1237, %add3A_1532 : i32
        %sub3A_1534 = arith.constant 1 : i32
        %sub3A_1535 = arith.subi %add3A_1533, %sub3A_1534 : i32
        %dma_start3A_1536 = arith.constant 2 : i32
        %dma_start3A_1537 = arith.constant 0 : i32
        %dma_start3A_1538 = arith.constant 0 : i32
        %dma_start3A_1539 = tpu.memref_slice %arg8[%dma_start3A_1536, %dma_start3A_1537, %dma_start3A_1538] : memref<4x128x64xf32, #tpu.memory_space<vmem>> -> memref<1x128x64xf32, #tpu.memory_space<vmem>>
        %dma_start3A_1540 = tpu.memref_squeeze %dma_start3A_1539 : memref<1x128x64xf32, #tpu.memory_space<vmem>> -> memref<128x64xf32, #tpu.memory_space<vmem>>
        %dma_start3A_1541 = arith.constant 0 : i32
        %dma_start3A_1542 = tpu.memref_slice %arg6[%sub3A_1535, %dma_start3A_1541] : memref<200x128xi32, #tpu.memory_space<vmem>> -> memref<1x128xi32, #tpu.memory_space<vmem>>
        %dma_start3A_1543 = tpu.memref_squeeze %dma_start3A_1542 : memref<1x128xi32, #tpu.memory_space<vmem>> -> memref<128xi32, #tpu.memory_space<vmem>>
        %dma_start3A_1544 = arith.constant 0 : i32
        %dma_start3A_1545 = arith.constant 0 : i32
        %dma_start3A_1546 = tpu.memref_slice %arg3[%dma_start3A_1544, %dma_start3A_1545] : memref<1000000x64xf32, #tpu.memory_space<hbm>> -> memref<1000000x64xf32, #tpu.memory_space<hbm>>
        tpu.enqueue_indirect_dma source(%dma_start3A_1546 : memref<1000000x64xf32, #tpu.memory_space<hbm>>) target(%dma_start3A_1540 : memref<128x64xf32, #tpu.memory_space<vmem>>) offsets(%dma_start3A_1543 : memref<128xi32, #tpu.memory_space<vmem>>) semaphore(%arg12 : memref<!tpu.dma_semaphore, #tpu.memory_space<semaphore_mem>>)
      } else {
      }
      %dma_wait3A_1252 = arith.constant 3 : i32
      %dma_wait3A_1253 = arith.constant 0 : i32
      %dma_wait3A_1254 = arith.constant 0 : i32
      %dma_wait3A_1255 = tpu.memref_slice %arg8[%dma_wait3A_1252, %dma_wait3A_1253, %dma_wait3A_1254] : memref<4x128x64xf32, #tpu.memory_space<vmem>> -> memref<1x128x64xf32, #tpu.memory_space<vmem>>
      %dma_wait3A_1256 = tpu.memref_squeeze %dma_wait3A_1255 : memref<1x128x64xf32, #tpu.memory_space<vmem>> -> memref<128x64xf32, #tpu.memory_space<vmem>>
      %dma_wait3A_1257 = arith.constant 0 : i32
      %dma_wait3A_1258 = tpu.memref_slice %arg6[%add3A_1237, %dma_wait3A_1257] : memref<200x128xi32, #tpu.memory_space<vmem>> -> memref<1x128xi32, #tpu.memory_space<vmem>>
      %dma_wait3A_1259 = tpu.memref_squeeze %dma_wait3A_1258 : memref<1x128xi32, #tpu.memory_space<vmem>> -> memref<128xi32, #tpu.memory_space<vmem>>
      %dma_wait3A_1260 = arith.constant 0 : i32
      %dma_wait3A_1261 = arith.constant 0 : i32
      %dma_wait3A_1262 = tpu.memref_slice %arg3[%dma_wait3A_1260, %dma_wait3A_1261] : memref<1000000x64xf32, #tpu.memory_space<hbm>> -> memref<1000000x64xf32, #tpu.memory_space<hbm>>
      tpu.wait_indirect_dma semaphore(%arg13 : memref<!tpu.dma_semaphore, #tpu.memory_space<semaphore_mem>>) src(%dma_wait3A_1262 : memref<1000000x64xf32, #tpu.memory_space<hbm>>) dst(%dma_wait3A_1256 : memref<128x64xf32, #tpu.memory_space<vmem>>)
      %ge3A_1263 = arith.constant 4 : i32
      %ge3A_1264 = arith.cmpi sge, %add3A_1237, %ge3A_1263 : i32
      %convert_element_type3A_1265 = arith.extui %ge3A_1264 : i1 to i32
      %cond3A_1266 = arith.constant 0 : i32
      %cond3A_1267 = arith.cmpi ne, %convert_element_type3A_1265, %cond3A_1266 : i32
      scf.if %cond3A_1267 {
        %sub3A_1532 = arith.constant 4 : i32
        %sub3A_1533 = arith.subi %add3A_1237, %sub3A_1532 : i32
        %add3A_1534 = arith.addi %mul3A_2, %sub3A_1533 : i32
        %jit3A_1535 = arith.constant 32 : i32
        %div3A_1536 = arith.divsi %add3A_1534, %jit3A_1535 : i32
        %sign3A_1537 = arith.constant 0 : i32
        %sign3A_1538 = arith.cmpi sgt, %add3A_1534, %sign3A_1537 : i32
        %sign3A_1539 = arith.extui %sign3A_1538 : i1 to i32
        %sign3A_1540 = arith.constant 0 : i32
        %sign3A_1541 = arith.cmpi slt, %add3A_1534, %sign3A_1540 : i32
        %sign3A_1542 = arith.extui %sign3A_1541 : i1 to i32
        %sign3A_1543 = arith.subi %sign3A_1539, %sign3A_1542 : i32
        %sign3A_1544 = arith.constant 0 : i32
        %sign3A_1545 = arith.cmpi sgt, %jit3A_1535, %sign3A_1544 : i32
        %sign3A_1546 = arith.extui %sign3A_1545 : i1 to i32
        %sign3A_1547 = arith.constant 0 : i32
        %sign3A_1548 = arith.cmpi slt, %jit3A_1535, %sign3A_1547 : i32
        %sign3A_1549 = arith.extui %sign3A_1548 : i1 to i32
        %sign3A_1550 = arith.subi %sign3A_1546, %sign3A_1549 : i32
        %ne3A_1551 = arith.cmpi ne, %sign3A_1543, %sign3A_1550 : i32
        %rem3A_1552 = arith.remsi %add3A_1534, %jit3A_1535 : i32
        %ne3A_1553 = arith.constant 0 : i32
        %ne3A_1554 = arith.cmpi ne, %rem3A_1552, %ne3A_1553 : i32
        %and3A_1555 = arith.andi %ne3A_1551, %ne3A_1554 : i1
        %sub3A_1556 = arith.constant 1 : i32
        %sub3A_1557 = arith.subi %div3A_1536, %sub3A_1556 : i32
        %select_n3A_1558 = arith.select %and3A_1555, %sub3A_1557, %div3A_1536 : i32
        %jit3A_1559 = arith.constant 32 : i32
        %eq3A_1560 = arith.constant 0 : i32
        %eq3A_1561 = arith.cmpi eq, %jit3A_1559, %eq3A_1560 : i32
        %jit3A_1562 = arith.constant 1 : i32
        %select_n3A_1563 = arith.select %eq3A_1561, %jit3A_1562, %jit3A_1559 : i32
        %rem3A_1564 = arith.remsi %add3A_1534, %select_n3A_1563 : i32
        %ne3A_1565 = arith.constant 0 : i32
        %ne3A_1566 = arith.cmpi ne, %rem3A_1564, %ne3A_1565 : i32
        %lt3A_1567 = arith.constant 0 : i32
        %lt3A_1568 = arith.cmpi slt, %rem3A_1564, %lt3A_1567 : i32
        %lt3A_1569 = arith.constant 0 : i32
        %lt3A_1570 = arith.cmpi slt, %select_n3A_1563, %lt3A_1569 : i32
        %ne3A_1571 = arith.xori %lt3A_1568, %lt3A_1570 : i1
        %and3A_1572 = arith.andi %ne3A_1571, %ne3A_1566 : i1
        %add3A_1573 = arith.addi %rem3A_1564, %select_n3A_1563 : i32
        %select_n3A_1574 = arith.select %and3A_1572, %add3A_1573, %rem3A_1564 : i32
        %dma_wait3A_1575 = arith.constant 3 : i32
        %dma_wait3A_1576 = arith.constant 0 : i32
        %dma_wait3A_1577 = arith.constant 0 : i32
        %dma_wait3A_1578 = arith.constant 0 : i32
        %dma_wait3A_1579 = tpu.memref_slice %arg9[%dma_wait3A_1575, %dma_wait3A_1576, %dma_wait3A_1577, %dma_wait3A_1578] : memref<4x8x8x133xf32, #tpu.memory_space<vmem>> -> memref<1x8x8x128xf32, #tpu.memory_space<vmem>>
        %dma_wait3A_1580 = tpu.memref_squeeze %dma_wait3A_1579 : memref<1x8x8x128xf32, #tpu.memory_space<vmem>> -> memref<8x8x128xf32, #tpu.memory_space<vmem>>
        %dma_wait3A_1581 = arith.constant 0 : i32
        %dma_wait3A_1582 = arith.constant 0 : i32
        %dma_wait3A_1583 = arith.constant 0 : i32
        %dma_wait3A_1584 = tpu.memref_slice %arg5[%select_n3A_1558, %dma_wait3A_1581, %select_n3A_1574, %dma_wait3A_1582, %dma_wait3A_1583] : memref<200x8x32x8x128xf32, #tpu.memory_space<hbm>> -> memref<1x8x1x8x128xf32, #tpu.memory_space<hbm>>
        %dma_wait3A_1585 = tpu.memref_squeeze %dma_wait3A_1584 : memref<1x8x1x8x128xf32, #tpu.memory_space<hbm>> -> memref<8x8x128xf32, #tpu.memory_space<hbm>>
        %dma_wait3A_1586 = arith.constant 0 : i32
        %dma_wait3A_1587 = arith.constant 0 : i32
        %dma_wait3A_1588 = arith.constant 0 : i32
        %dma_wait3A_1589 = tpu.memref_slice %arg5[%select_n3A_1558, %dma_wait3A_1586, %select_n3A_1574, %dma_wait3A_1587, %dma_wait3A_1588] : memref<200x8x32x8x128xf32, #tpu.memory_space<hbm>> -> memref<1x8x1x8x128xf32, #tpu.memory_space<hbm>>
        %dma_wait3A_1590 = tpu.memref_squeeze %dma_wait3A_1589 : memref<1x8x1x8x128xf32, #tpu.memory_space<hbm>> -> memref<8x8x128xf32, #tpu.memory_space<hbm>>
        %dma_wait3A_1591 = arith.constant 0 : i32
        %dma_wait3A_1592 = arith.constant 0 : i32
        %dma_wait3A_1593 = arith.constant 0 : i32
        %dma_wait3A_1594 = tpu.memref_slice %arg9[%dma_wait3A_1575, %dma_wait3A_1591, %dma_wait3A_1592, %dma_wait3A_1593] : memref<4x8x8x133xf32, #tpu.memory_space<vmem>> -> memref<1x8x8x128xf32, #tpu.memory_space<vmem>>
        %dma_wait3A_1595 = tpu.memref_squeeze %dma_wait3A_1594 : memref<1x8x8x128xf32, #tpu.memory_space<vmem>> -> memref<8x8x128xf32, #tpu.memory_space<vmem>>
        tpu.wait_dma2 semaphore(%arg17 : memref<!tpu.dma_semaphore, #tpu.memory_space<semaphore_mem>>) src(%dma_wait3A_1595 : memref<8x8x128xf32, #tpu.memory_space<vmem>>) dst(%dma_wait3A_1590 : memref<8x8x128xf32, #tpu.memory_space<hbm>>)
      } else {
      }
      %add3A_1268 = arith.addi %mul3A_2, %add3A_1237 : i32
      %jit3A_1269 = arith.constant 32 : i32
      %div3A_1270 = arith.divsi %add3A_1268, %jit3A_1269 : i32
      %sign3A_1271 = arith.constant 0 : i32
      %sign3A_1272 = arith.cmpi sgt, %add3A_1268, %sign3A_1271 : i32
      %sign3A_1273 = arith.extui %sign3A_1272 : i1 to i32
      %sign3A_1274 = arith.constant 0 : i32
      %sign3A_1275 = arith.cmpi slt, %add3A_1268, %sign3A_1274 : i32
      %sign3A_1276 = arith.extui %sign3A_1275 : i1 to i32
      %sign3A_1277 = arith.subi %sign3A_1273, %sign3A_1276 : i32
      %sign3A_1278 = arith.constant 0 : i32
      %sign3A_1279 = arith.cmpi sgt, %jit3A_1269, %sign3A_1278 : i32
      %sign3A_1280 = arith.extui %sign3A_1279 : i1 to i32
      %sign3A_1281 = arith.constant 0 : i32
      %sign3A_1282 = arith.cmpi slt, %jit3A_1269, %sign3A_1281 : i32
      %sign3A_1283 = arith.extui %sign3A_1282 : i1 to i32
      %sign3A_1284 = arith.subi %sign3A_1280, %sign3A_1283 : i32
      %ne3A_1285 = arith.cmpi ne, %sign3A_1277, %sign3A_1284 : i32
      %rem3A_1286 = arith.remsi %add3A_1268, %jit3A_1269 : i32
      %ne3A_1287 = arith.constant 0 : i32
      %ne3A_1288 = arith.cmpi ne, %rem3A_1286, %ne3A_1287 : i32
      %and3A_1289 = arith.andi %ne3A_1285, %ne3A_1288 : i1
      %sub3A_1290 = arith.constant 1 : i32
      %sub3A_1291 = arith.subi %div3A_1270, %sub3A_1290 : i32
      %select_n3A_1292 = arith.select %and3A_1289, %sub3A_1291, %div3A_1270 : i32
      %get3A_1293 = arith.index_cast %select_n3A_1292 : i32 to index
      %get3A_1294 = arith.constant 0 : index
      %get3A_1295 = tpu.vector_load %arg7[%get3A_1293, %get3A_1294] {strides = array<i32>} : memref<200x64xf32, #tpu.memory_space<vmem>>, vector<16xf32>,
      %get3A_1296 = arith.index_cast %select_n3A_1292 : i32 to index
      %get3A_1297 = arith.constant 16 : index
      %get3A_1298 = tpu.vector_load %arg7[%get3A_1296, %get3A_1297] {strides = array<i32>} : memref<200x64xf32, #tpu.memory_space<vmem>>, vector<16xf32>,
      %get3A_1299 = arith.index_cast %select_n3A_1292 : i32 to index
      %get3A_1300 = arith.constant 32 : index
      %get3A_1301 = tpu.vector_load %arg7[%get3A_1299, %get3A_1300] {strides = array<i32>} : memref<200x64xf32, #tpu.memory_space<vmem>>, vector<16xf32>,
      %get3A_1302 = arith.index_cast %select_n3A_1292 : i32 to index
      %get3A_1303 = arith.constant 48 : index
      %get3A_1304 = tpu.vector_load %arg7[%get3A_1302, %get3A_1303] {strides = array<i32>} : memref<200x64xf32, #tpu.memory_space<vmem>>, vector<16xf32>,
      %add3A_1305 = arith.constant 0 : i32
      %add3A_1306 = vector.broadcast %add3A_1305 : i32 to vector<16xi32>
      %add3A_1307 = arith.addi %iota3A, %add3A_1306 : vector<16xi32>
      %add3A_1308 = arith.constant 16 : i32
      %add3A_1309 = vector.broadcast %add3A_1308 : i32 to vector<16xi32>
      %add3A_1310 = arith.addi %iota3A, %add3A_1309 : vector<16xi32>
      %add3A_1311 = arith.constant 32 : i32
      %add3A_1312 = vector.broadcast %add3A_1311 : i32 to vector<16xi32>
      %add3A_1313 = arith.addi %iota3A, %add3A_1312 : vector<16xi32>
      %add3A_1314 = arith.constant 48 : i32
      %add3A_1315 = vector.broadcast %add3A_1314 : i32 to vector<16xi32>
      %add3A_1316 = arith.addi %iota3A, %add3A_1315 : vector<16xi32>
      %jit3A_1317 = arith.constant 8 : i32
      %div3A_1318 = vector.broadcast %jit3A_1317 : i32 to vector<16xi32>
      %div3A_1319 = arith.divsi %add3A_1307, %div3A_1318 : vector<16xi32>
      %sign3A_1320 = arith.constant 0 : i32
      %sign3A_1321 = vector.broadcast %sign3A_1320 : i32 to vector<16xi32>
      %sign3A_1322 = arith.cmpi sgt, %add3A_1307, %sign3A_1321 : vector<16xi32>
      %sign3A_1323 = arith.extui %sign3A_1322 : vector<16xi1> to vector<16xi32>
      %sign3A_1324 = arith.constant 0 : i32
      %sign3A_1325 = vector.broadcast %sign3A_1324 : i32 to vector<16xi32>
      %sign3A_1326 = arith.cmpi slt, %add3A_1307, %sign3A_1325 : vector<16xi32>
      %sign3A_1327 = arith.extui %sign3A_1326 : vector<16xi1> to vector<16xi32>
      %sign3A_1328 = arith.subi %sign3A_1323, %sign3A_1327 : vector<16xi32>
      %sign3A_1329 = arith.constant 0 : i32
      %sign3A_1330 = arith.cmpi sgt, %jit3A_1317, %sign3A_1329 : i32
      %sign3A_1331 = arith.extui %sign3A_1330 : i1 to i32
      %sign3A_1332 = arith.constant 0 : i32
      %sign3A_1333 = arith.cmpi slt, %jit3A_1317, %sign3A_1332 : i32
      %sign3A_1334 = arith.extui %sign3A_1333 : i1 to i32
      %sign3A_1335 = arith.subi %sign3A_1331, %sign3A_1334 : i32
      %ne3A_1336 = vector.broadcast %sign3A_1335 : i32 to vector<16xi32>
      %ne3A_1337 = arith.cmpi ne, %sign3A_1328, %ne3A_1336 : vector<16xi32>
      %rem3A_1338 = vector.broadcast %jit3A_1317 : i32 to vector<16xi32>
      %rem3A_1339 = arith.remsi %add3A_1307, %rem3A_1338 : vector<16xi32>
      %ne3A_1340 = arith.constant 0 : i32
      %ne3A_1341 = vector.broadcast %ne3A_1340 : i32 to vector<16xi32>
      %ne3A_1342 = arith.cmpi ne, %rem3A_1339, %ne3A_1341 : vector<16xi32>
      %and3A_1343 = arith.andi %ne3A_1337, %ne3A_1342 : vector<16xi1>
      %sub3A_1344 = arith.constant 1 : i32
      %sub3A_1345 = vector.broadcast %sub3A_1344 : i32 to vector<16xi32>
      %sub3A_1346 = arith.subi %div3A_1319, %sub3A_1345 : vector<16xi32>
      %select_n3A_1347 = arith.select %and3A_1343, %sub3A_1346, %div3A_1319 : vector<16xi1>, vector<16xi32>
      %jit3A_1348 = arith.constant 8 : i32
      %div3A_1349 = vector.broadcast %jit3A_1348 : i32 to vector<16xi32>
      %div3A_1350 = arith.divsi %add3A_1310, %div3A_1349 : vector<16xi32>
      %sign3A_1351 = arith.constant 0 : i32
      %sign3A_1352 = vector.broadcast %sign3A_1351 : i32 to vector<16xi32>
      %sign3A_1353 = arith.cmpi sgt, %add3A_1310, %sign3A_1352 : vector<16xi32>
      %sign3A_1354 = arith.extui %sign3A_1353 : vector<16xi1> to vector<16xi32>
      %sign3A_1355 = arith.constant 0 : i32
      %sign3A_1356 = vector.broadcast %sign3A_1355 : i32 to vector<16xi32>
      %sign3A_1357 = arith.cmpi slt, %add3A_1310, %sign3A_1356 : vector<16xi32>
      %sign3A_1358 = arith.extui %sign3A_1357 : vector<16xi1> to vector<16xi32>
      %sign3A_1359 = arith.subi %sign3A_1354, %sign3A_1358 : vector<16xi32>
      %sign3A_1360 = arith.constant 0 : i32
      %sign3A_1361 = arith.cmpi sgt, %jit3A_1348, %sign3A_1360 : i32
      %sign3A_1362 = arith.extui %sign3A_1361 : i1 to i32
      %sign3A_1363 = arith.constant 0 : i32
      %sign3A_1364 = arith.cmpi slt, %jit3A_1348, %sign3A_1363 : i32
      %sign3A_1365 = arith.extui %sign3A_1364 : i1 to i32
      %sign3A_1366 = arith.subi %sign3A_1362, %sign3A_1365 : i32
      %ne3A_1367 = vector.broadcast %sign3A_1366 : i32 to vector<16xi32>
      %ne3A_1368 = arith.cmpi ne, %sign3A_1359, %ne3A_1367 : vector<16xi32>
      %rem3A_1369 = vector.broadcast %jit3A_1348 : i32 to vector<16xi32>
      %rem3A_1370 = arith.remsi %add3A_1310, %rem3A_1369 : vector<16xi32>
      %ne3A_1371 = arith.constant 0 : i32
      %ne3A_1372 = vector.broadcast %ne3A_1371 : i32 to vector<16xi32>
      %ne3A_1373 = arith.cmpi ne, %rem3A_1370, %ne3A_1372 : vector<16xi32>
      %and3A_1374 = arith.andi %ne3A_1368, %ne3A_1373 : vector<16xi1>
      %sub3A_1375 = arith.constant 1 : i32
      %sub3A_1376 = vector.broadcast %sub3A_1375 : i32 to vector<16xi32>
      %sub3A_1377 = arith.subi %div3A_1350, %sub3A_1376 : vector<16xi32>
      %select_n3A_1378 = arith.select %and3A_1374, %sub3A_1377, %div3A_1350 : vector<16xi1>, vector<16xi32>
      %jit3A_1379 = arith.constant 8 : i32
      %div3A_1380 = vector.broadcast %jit3A_1379 : i32 to vector<16xi32>
      %div3A_1381 = arith.divsi %add3A_1313, %div3A_1380 : vector<16xi32>
      %sign3A_1382 = arith.constant 0 : i32
      %sign3A_1383 = vector.broadcast %sign3A_1382 : i32 to vector<16xi32>
      %sign3A_1384 = arith.cmpi sgt, %add3A_1313, %sign3A_1383 : vector<16xi32>
      %sign3A_1385 = arith.extui %sign3A_1384 : vector<16xi1> to vector<16xi32>
      %sign3A_1386 = arith.constant 0 : i32
      %sign3A_1387 = vector.broadcast %sign3A_1386 : i32 to vector<16xi32>
      %sign3A_1388 = arith.cmpi slt, %add3A_1313, %sign3A_1387 : vector<16xi32>
      %sign3A_1389 = arith.extui %sign3A_1388 : vector<16xi1> to vector<16xi32>
      %sign3A_1390 = arith.subi %sign3A_1385, %sign3A_1389 : vector<16xi32>
      %sign3A_1391 = arith.constant 0 : i32
      %sign3A_1392 = arith.cmpi sgt, %jit3A_1379, %sign3A_1391 : i32
      %sign3A_1393 = arith.extui %sign3A_1392 : i1 to i32
      %sign3A_1394 = arith.constant 0 : i32
      %sign3A_1395 = arith.cmpi slt, %jit3A_1379, %sign3A_1394 : i32
      %sign3A_1396 = arith.extui %sign3A_1395 : i1 to i32
      %sign3A_1397 = arith.subi %sign3A_1393, %sign3A_1396 : i32
      %ne3A_1398 = vector.broadcast %sign3A_1397 : i32 to vector<16xi32>
      %ne3A_1399 = arith.cmpi ne, %sign3A_1390, %ne3A_1398 : vector<16xi32>
      %rem3A_1400 = vector.broadcast %jit3A_1379 : i32 to vector<16xi32>
      %rem3A_1401 = arith.remsi %add3A_1313, %rem3A_1400 : vector<16xi32>
      %ne3A_1402 = arith.constant 0 : i32
      %ne3A_1403 = vector.broadcast %ne3A_1402 : i32 to vector<16xi32>
      %ne3A_1404 = arith.cmpi ne, %rem3A_1401, %ne3A_1403 : vector<16xi32>
      %and3A_1405 = arith.andi %ne3A_1399, %ne3A_1404 : vector<16xi1>
      %sub3A_1406 = arith.constant 1 : i32
      %sub3A_1407 = vector.broadcast %sub3A_1406 : i32 to vector<16xi32>
      %sub3A_1408 = arith.subi %div3A_1381, %sub3A_1407 : vector<16xi32>
      %select_n3A_1409 = arith.select %and3A_1405, %sub3A_1408, %div3A_1381 : vector<16xi1>, vector<16xi32>
      %jit3A_1410 = arith.constant 8 : i32
      %div3A_1411 = vector.broadcast %jit3A_1410 : i32 to vector<16xi32>
      %div3A_1412 = arith.divsi %add3A_1316, %div3A_1411 : vector<16xi32>
      %sign3A_1413 = arith.constant 0 : i32
      %sign3A_1414 = vector.broadcast %sign3A_1413 : i32 to vector<16xi32>
      %sign3A_1415 = arith.cmpi sgt, %add3A_1316, %sign3A_1414 : vector<16xi32>
      %sign3A_1416 = arith.extui %sign3A_1415 : vector<16xi1> to vector<16xi32>
      %sign3A_1417 = arith.constant 0 : i32
      %sign3A_1418 = vector.broadcast %sign3A_1417 : i32 to vector<16xi32>
      %sign3A_1419 = arith.cmpi slt, %add3A_1316, %sign3A_1418 : vector<16xi32>
      %sign3A_1420 = arith.extui %sign3A_1419 : vector<16xi1> to vector<16xi32>
      %sign3A_1421 = arith.subi %sign3A_1416, %sign3A_1420 : vector<16xi32>
      %sign3A_1422 = arith.constant 0 : i32
      %sign3A_1423 = arith.cmpi sgt, %jit3A_1410, %sign3A_1422 : i32
      %sign3A_1424 = arith.extui %sign3A_1423 : i1 to i32
      %sign3A_1425 = arith.constant 0 : i32
      %sign3A_1426 = arith.cmpi slt, %jit3A_1410, %sign3A_1425 : i32
      %sign3A_1427 = arith.extui %sign3A_1426 : i1 to i32
      %sign3A_1428 = arith.subi %sign3A_1424, %sign3A_1427 : i32
      %ne3A_1429 = vector.broadcast %sign3A_1428 : i32 to vector<16xi32>
      %ne3A_1430 = arith.cmpi ne, %sign3A_1421, %ne3A_1429 : vector<16xi32>
      %rem3A_1431 = vector.broadcast %jit3A_1410 : i32 to vector<16xi32>
      %rem3A_1432 = arith.remsi %add3A_1316, %rem3A_1431 : vector<16xi32>
      %ne3A_1433 = arith.constant 0 : i32
      %ne3A_1434 = vector.broadcast %ne3A_1433 : i32 to vector<16xi32>
      %ne3A_1435 = arith.cmpi ne, %rem3A_1432, %ne3A_1434 : vector<16xi32>
      %and3A_1436 = arith.andi %ne3A_1430, %ne3A_1435 : vector<16xi1>
      %sub3A_1437 = arith.constant 1 : i32
      %sub3A_1438 = vector.broadcast %sub3A_1437 : i32 to vector<16xi32>
      %sub3A_1439 = arith.subi %div3A_1412, %sub3A_1438 : vector<16xi32>
      %select_n3A_1440 = arith.select %and3A_1436, %sub3A_1439, %div3A_1412 : vector<16xi1>, vector<16xi32>
      %jit3A_1441 = arith.constant 8 : i32
      %eq3A_1442 = arith.constant 0 : i32
      %eq3A_1443 = arith.cmpi eq, %jit3A_1441, %eq3A_1442 : i32
      %jit3A_1444 = arith.constant 1 : i32
      %select_n3A_1445 = arith.select %eq3A_1443, %jit3A_1444, %jit3A_1441 : i32
      %rem3A_1446 = vector.broadcast %select_n3A_1445 : i32 to vector<16xi32>
      %rem3A_1447 = arith.remsi %add3A_1307, %rem3A_1446 : vector<16xi32>
      %ne3A_1448 = arith.constant 0 : i32
      %ne3A_1449 = vector.broadcast %ne3A_1448 : i32 to vector<16xi32>
      %ne3A_1450 = arith.cmpi ne, %rem3A_1447, %ne3A_1449 : vector<16xi32>
      %lt3A_1451 = arith.constant 0 : i32
      %lt3A_1452 = vector.broadcast %lt3A_1451 : i32 to vector<16xi32>
      %lt3A_1453 = arith.cmpi slt, %rem3A_1447, %lt3A_1452 : vector<16xi32>
      %lt3A_1454 = arith.constant 0 : i32
      %lt3A_1455 = arith.cmpi slt, %select_n3A_1445, %lt3A_1454 : i32
      %ne3A_1456 = vector.broadcast %lt3A_1455 : i1 to vector<16xi1>
      %ne3A_1457 = vector.broadcast %ne3A_1456 : vector<16xi1> to vector<16xi1>
      %ne3A_1458 = arith.xori %lt3A_1453, %ne3A_1457 : vector<16xi1>
      %and3A_1459 = arith.andi %ne3A_1458, %ne3A_1450 : vector<16xi1>
      %add3A_1460 = vector.broadcast %select_n3A_1445 : i32 to vector<16xi32>
      %add3A_1461 = arith.addi %rem3A_1447, %add3A_1460 : vector<16xi32>
      %select_n3A_1462 = arith.select %and3A_1459, %add3A_1461, %rem3A_1447 : vector<16xi1>, vector<16xi32>
      %jit3A_1463 = arith.constant 8 : i32
      %eq3A_1464 = arith.constant 0 : i32
      %eq3A_1465 = arith.cmpi eq, %jit3A_1463, %eq3A_1464 : i32
      %jit3A_1466 = arith.constant 1 : i32
      %select_n3A_1467 = arith.select %eq3A_1465, %jit3A_1466, %jit3A_1463 : i32
      %rem3A_1468 = vector.broadcast %select_n3A_1467 : i32 to vector<16xi32>
      %rem3A_1469 = arith.remsi %add3A_1310, %rem3A_1468 : vector<16xi32>
      %ne3A_1470 = arith.constant 0 : i32
      %ne3A_1471 = vector.broadcast %ne3A_1470 : i32 to vector<16xi32>
      %ne3A_1472 = arith.cmpi ne, %rem3A_1469, %ne3A_1471 : vector<16xi32>
      %lt3A_1473 = arith.constant 0 : i32
      %lt3A_1474 = vector.broadcast %lt3A_1473 : i32 to vector<16xi32>
      %lt3A_1475 = arith.cmpi slt, %rem3A_1469, %lt3A_1474 : vector<16xi32>
      %lt3A_1476 = arith.constant 0 : i32
      %lt3A_1477 = arith.cmpi slt, %select_n3A_1467, %lt3A_1476 : i32
      %ne3A_1478 = vector.broadcast %lt3A_1477 : i1 to vector<16xi1>
      %ne3A_1479 = vector.broadcast %ne3A_1478 : vector<16xi1> to vector<16xi1>
      %ne3A_1480 = arith.xori %lt3A_1475, %ne3A_1479 : vector<16xi1>
      %and3A_1481 = arith.andi %ne3A_1480, %ne3A_1472 : vector<16xi1>
      %add3A_1482 = vector.broadcast %select_n3A_1467 : i32 to vector<16xi32>
      %add3A_1483 = arith.addi %rem3A_1469, %add3A_1482 : vector<16xi32>
      %select_n3A_1484 = arith.select %and3A_1481, %add3A_1483, %rem3A_1469 : vector<16xi1>, vector<16xi32>
      %jit3A_1485 = arith.constant 8 : i32
      %eq3A_1486 = arith.constant 0 : i32
      %eq3A_1487 = arith.cmpi eq, %jit3A_1485, %eq3A_1486 : i32
      %jit3A_1488 = arith.constant 1 : i32
      %select_n3A_1489 = arith.select %eq3A_1487, %jit3A_1488, %jit3A_1485 : i32
      %rem3A_1490 = vector.broadcast %select_n3A_1489 : i32 to vector<16xi32>
      %rem3A_1491 = arith.remsi %add3A_1313, %rem3A_1490 : vector<16xi32>
      %ne3A_1492 = arith.constant 0 : i32
      %ne3A_1493 = vector.broadcast %ne3A_1492 : i32 to vector<16xi32>
      %ne3A_1494 = arith.cmpi ne, %rem3A_1491, %ne3A_1493 : vector<16xi32>
      %lt3A_1495 = arith.constant 0 : i32
      %lt3A_1496 = vector.broadcast %lt3A_1495 : i32 to vector<16xi32>
      %lt3A_1497 = arith.cmpi slt, %rem3A_1491, %lt3A_1496 : vector<16xi32>
      %lt3A_1498 = arith.constant 0 : i32
      %lt3A_1499 = arith.cmpi slt, %select_n3A_1489, %lt3A_1498 : i32
      %ne3A_1500 = vector.broadcast %lt3A_1499 : i1 to vector<16xi1>
      %ne3A_1501 = vector.broadcast %ne3A_1500 : vector<16xi1> to vector<16xi1>
      %ne3A_1502 = arith.xori %lt3A_1497, %ne3A_1501 : vector<16xi1>
      %and3A_1503 = arith.andi %ne3A_1502, %ne3A_1494 : vector<16xi1>
      %add3A_1504 = vector.broadcast %select_n3A_1489 : i32 to vector<16xi32>
      %add3A_1505 = arith.addi %rem3A_1491, %add3A_1504 : vector<16xi32>
      %select_n3A_1506 = arith.select %and3A_1503, %add3A_1505, %rem3A_1491 : vector<16xi1>, vector<16xi32>
      %jit3A_1507 = arith.constant 8 : i32
      %eq3A_1508 = arith.constant 0 : i32
      %eq3A_1509 = arith.cmpi eq, %jit3A_1507, %eq3A_1508 : i32
      %jit3A_1510 = arith.constant 1 : i32
      %select_n3A_1511 = arith.select %eq3A_1509, %jit3A_1510, %jit3A_1507 : i32
      %rem3A_1512 = vector.broadcast %select_n3A_1511 : i32 to vector<16xi32>
      %rem3A_1513 = arith.remsi %add3A_1316, %rem3A_1512 : vector<16xi32>
      %ne3A_1514 = arith.constant 0 : i32
      %ne3A_1515 = vector.broadcast %ne3A_1514 : i32 to vector<16xi32>
      %ne3A_1516 = arith.cmpi ne, %rem3A_1513, %ne3A_1515 : vector<16xi32>
      %lt3A_1517 = arith.constant 0 : i32
      %lt3A_1518 = vector.broadcast %lt3A_1517 : i32 to vector<16xi32>
      %lt3A_1519 = arith.cmpi slt, %rem3A_1513, %lt3A_1518 : vector<16xi32>
      %lt3A_1520 = arith.constant 0 : i32
      %lt3A_1521 = arith.cmpi slt, %select_n3A_1511, %lt3A_1520 : i32
      %ne3A_1522 = vector.broadcast %lt3A_1521 : i1 to vector<16xi1>
      %ne3A_1523 = vector.broadcast %ne3A_1522 : vector<16xi1> to vector<16xi1>
      %ne3A_1524 = arith.xori %lt3A_1519, %ne3A_1523 : vector<16xi1>
      %and3A_1525 = arith.andi %ne3A_1524, %ne3A_1516 : vector<16xi1>
      %add3A_1526 = vector.broadcast %select_n3A_1511 : i32 to vector<16xi32>
      %add3A_1527 = arith.addi %rem3A_1513, %add3A_1526 : vector<16xi32>
      %select_n3A_1528 = arith.select %and3A_1525, %add3A_1527, %rem3A_1513 : vector<16xi1>, vector<16xi32>
      %parallel_loop3A_1529 = arith.constant 0 : i32
      %parallel_loop3A_1530 = arith.constant 128 : i32
      %parallel_loop3A_1531 = arith.constant 1 : i32
      scf.for %parallel_loop3A_1532 = %parallel_loop3A_1529 to %parallel_loop3A_1530 step %parallel_loop3A_1531  : i32 {
        %parallel_loop3A_1533 = vector.broadcast %parallel_loop3A_1532 : i32 to vector<16xi32>
        %parallel_loop3A_1534 = arith.constant 3 : i32
        %parallel_loop3A_1535 = arith.index_cast %parallel_loop3A_1534 : i32 to index
        %parallel_loop3A_1536 = arith.index_cast %parallel_loop3A_1532 : i32 to index
        %parallel_loop3A_1537 = arith.constant 0 : index
        %parallel_loop3A_1538 = tpu.vector_load %arg8[%parallel_loop3A_1535, %parallel_loop3A_1536, %parallel_loop3A_1537] {strides = array<i32>} : memref<4x128x64xf32, #tpu.memory_space<vmem>>, vector<16xf32>,
        %parallel_loop3A_1539 = arith.addf %parallel_loop3A_1538, %get3A_1295 : vector<16xf32>
        %parallel_loop3A_1540 = arith.constant 3 : i32
        %parallel_loop3A_1541 = arith.constant 0 : i32
        %parallel_loop3A_1542 = arith.constant 0 : i32
        %parallel_loop3A_1543 = arith.constant 0 : i32
        %parallel_loop3A_1544 = tpu.memref_slice %arg9[%parallel_loop3A_1540, %parallel_loop3A_1541, %parallel_loop3A_1542, %parallel_loop3A_1543] : memref<4x8x8x133xf32, #tpu.memory_space<vmem>> -> memref<1x8x8x133xf32, #tpu.memory_space<vmem>>
        %parallel_loop3A_1545 = tpu.memref_squeeze %parallel_loop3A_1544 : memref<1x8x8x133xf32, #tpu.memory_space<vmem>> -> memref<8x8x133xf32, #tpu.memory_space<vmem>>
        tpu.vector_store_idx %parallel_loop3A_1545[%select_n3A_1347, %select_n3A_1462, %parallel_loop3A_1533], %parallel_loop3A_1539 : memref<8x8x133xf32, #tpu.memory_space<vmem>>[vector<16xi32>, vector<16xi32>, vector<16xi32>], vector<16xf32>,
        %parallel_loop3A_1546 = arith.constant 3 : i32
        %parallel_loop3A_1547 = arith.index_cast %parallel_loop3A_1546 : i32 to index
        %parallel_loop3A_1548 = arith.index_cast %parallel_loop3A_1532 : i32 to index
        %parallel_loop3A_1549 = arith.constant 16 : index
        %parallel_loop3A_1550 = tpu.vector_load %arg8[%parallel_loop3A_1547, %parallel_loop3A_1548, %parallel_loop3A_1549] {strides = array<i32>} : memref<4x128x64xf32, #tpu.memory_space<vmem>>, vector<16xf32>,
        %parallel_loop3A_1551 = arith.addf %parallel_loop3A_1550, %get3A_1298 : vector<16xf32>
        %parallel_loop3A_1552 = arith.constant 3 : i32
        %parallel_loop3A_1553 = arith.constant 0 : i32
        %parallel_loop3A_1554 = arith.constant 0 : i32
        %parallel_loop3A_1555 = arith.constant 0 : i32
        %parallel_loop3A_1556 = tpu.memref_slice %arg9[%parallel_loop3A_1552, %parallel_loop3A_1553, %parallel_loop3A_1554, %parallel_loop3A_1555] : memref<4x8x8x133xf32, #tpu.memory_space<vmem>> -> memref<1x8x8x133xf32, #tpu.memory_space<vmem>>
        %parallel_loop3A_1557 = tpu.memref_squeeze %parallel_loop3A_1556 : memref<1x8x8x133xf32, #tpu.memory_space<vmem>> -> memref<8x8x133xf32, #tpu.memory_space<vmem>>
        tpu.vector_store_idx %parallel_loop3A_1557[%select_n3A_1378, %select_n3A_1484, %parallel_loop3A_1533], %parallel_loop3A_1551 : memref<8x8x133xf32, #tpu.memory_space<vmem>>[vector<16xi32>, vector<16xi32>, vector<16xi32>], vector<16xf32>,
        %parallel_loop3A_1558 = arith.constant 3 : i32
        %parallel_loop3A_1559 = arith.index_cast %parallel_loop3A_1558 : i32 to index
        %parallel_loop3A_1560 = arith.index_cast %parallel_loop3A_1532 : i32 to index
        %parallel_loop3A_1561 = arith.constant 32 : index
        %parallel_loop3A_1562 = tpu.vector_load %arg8[%parallel_loop3A_1559, %parallel_loop3A_1560, %parallel_loop3A_1561] {strides = array<i32>} : memref<4x128x64xf32, #tpu.memory_space<vmem>>, vector<16xf32>,
        %parallel_loop3A_1563 = arith.addf %parallel_loop3A_1562, %get3A_1301 : vector<16xf32>
        %parallel_loop3A_1564 = arith.constant 3 : i32
        %parallel_loop3A_1565 = arith.constant 0 : i32
        %parallel_loop3A_1566 = arith.constant 0 : i32
        %parallel_loop3A_1567 = arith.constant 0 : i32
        %parallel_loop3A_1568 = tpu.memref_slice %arg9[%parallel_loop3A_1564, %parallel_loop3A_1565, %parallel_loop3A_1566, %parallel_loop3A_1567] : memref<4x8x8x133xf32, #tpu.memory_space<vmem>> -> memref<1x8x8x133xf32, #tpu.memory_space<vmem>>
        %parallel_loop3A_1569 = tpu.memref_squeeze %parallel_loop3A_1568 : memref<1x8x8x133xf32, #tpu.memory_space<vmem>> -> memref<8x8x133xf32, #tpu.memory_space<vmem>>
        tpu.vector_store_idx %parallel_loop3A_1569[%select_n3A_1409, %select_n3A_1506, %parallel_loop3A_1533], %parallel_loop3A_1563 : memref<8x8x133xf32, #tpu.memory_space<vmem>>[vector<16xi32>, vector<16xi32>, vector<16xi32>], vector<16xf32>,
        %parallel_loop3A_1570 = arith.constant 3 : i32
        %parallel_loop3A_1571 = arith.index_cast %parallel_loop3A_1570 : i32 to index
        %parallel_loop3A_1572 = arith.index_cast %parallel_loop3A_1532 : i32 to index
        %parallel_loop3A_1573 = arith.constant 48 : index
        %parallel_loop3A_1574 = tpu.vector_load %arg8[%parallel_loop3A_1571, %parallel_loop3A_1572, %parallel_loop3A_1573] {strides = array<i32>} : memref<4x128x64xf32, #tpu.memory_space<vmem>>, vector<16xf32>,
        %parallel_loop3A_1575 = arith.addf %parallel_loop3A_1574, %get3A_1304 : vector<16xf32>
        %parallel_loop3A_1576 = arith.constant 3 : i32
        %parallel_loop3A_1577 = arith.constant 0 : i32
        %parallel_loop3A_1578 = arith.constant 0 : i32
        %parallel_loop3A_1579 = arith.constant 0 : i32
        %parallel_loop3A_1580 = tpu.memref_slice %arg9[%parallel_loop3A_1576, %parallel_loop3A_1577, %parallel_loop3A_1578, %parallel_loop3A_1579] : memref<4x8x8x133xf32, #tpu.memory_space<vmem>> -> memref<1x8x8x133xf32, #tpu.memory_space<vmem>>
        %parallel_loop3A_1581 = tpu.memref_squeeze %parallel_loop3A_1580 : memref<1x8x8x133xf32, #tpu.memory_space<vmem>> -> memref<8x8x133xf32, #tpu.memory_space<vmem>>
        tpu.vector_store_idx %parallel_loop3A_1581[%select_n3A_1440, %select_n3A_1528, %parallel_loop3A_1533], %parallel_loop3A_1575 : memref<8x8x133xf32, #tpu.memory_space<vmem>>[vector<16xi32>, vector<16xi32>, vector<16xi32>], vector<16xf32>,
      } {sc.loop_unroll_factor = 4 : i64, sc.parallel_access}
    }
    %scan3A_41 = arith.constant 50 : i32
    %add3A_42 = arith.constant 199 : i32
    %add3A_43 = arith.addi %mul3A_2, %add3A_42 : i32
    %jit3A = arith.constant 32 : i32
    %div3A = arith.divsi %add3A_43, %jit3A : i32
    %sign3A = arith.constant 0 : i32
    %sign3A_44 = arith.cmpi sgt, %add3A_43, %sign3A : i32
    %sign3A_45 = arith.extui %sign3A_44 : i1 to i32
    %sign3A_46 = arith.constant 0 : i32
    %sign3A_47 = arith.cmpi slt, %add3A_43, %sign3A_46 : i32
    %sign3A_48 = arith.extui %sign3A_47 : i1 to i32
    %sign3A_49 = arith.subi %sign3A_45, %sign3A_48 : i32
    %sign3A_50 = arith.constant 0 : i32
    %sign3A_51 = arith.cmpi sgt, %jit3A, %sign3A_50 : i32
    %sign3A_52 = arith.extui %sign3A_51 : i1 to i32
    %sign3A_53 = arith.constant 0 : i32
    %sign3A_54 = arith.cmpi slt, %jit3A, %sign3A_53 : i32
    %sign3A_55 = arith.extui %sign3A_54 : i1 to i32
    %sign3A_56 = arith.subi %sign3A_52, %sign3A_55 : i32
    %ne3A = arith.cmpi ne, %sign3A_49, %sign3A_56 : i32
    %rem3A = arith.remsi %add3A_43, %jit3A : i32
    %ne3A_57 = arith.constant 0 : i32
    %ne3A_58 = arith.cmpi ne, %rem3A, %ne3A_57 : i32
    %and3A = arith.andi %ne3A, %ne3A_58 : i1
    %sub3A = arith.constant 1 : i32
    %sub3A_59 = arith.subi %div3A, %sub3A : i32
    %select_n3A = arith.select %and3A, %sub3A_59, %div3A : i32
    %jit3A_60 = arith.constant 32 : i32
    %eq3A = arith.constant 0 : i32
    %eq3A_61 = arith.cmpi eq, %jit3A_60, %eq3A : i32
    %jit3A_62 = arith.constant 1 : i32
    %select_n3A_63 = arith.select %eq3A_61, %jit3A_62, %jit3A_60 : i32
    %rem3A_64 = arith.remsi %add3A_43, %select_n3A_63 : i32
    %ne3A_65 = arith.constant 0 : i32
    %ne3A_66 = arith.cmpi ne, %rem3A_64, %ne3A_65 : i32
    %lt3A = arith.constant 0 : i32
    %lt3A_67 = arith.cmpi slt, %rem3A_64, %lt3A : i32
    %lt3A_68 = arith.constant 0 : i32
    %lt3A_69 = arith.cmpi slt, %select_n3A_63, %lt3A_68 : i32
    %ne3A_70 = arith.xori %lt3A_67, %lt3A_69 : i1
    %and3A_71 = arith.andi %ne3A_70, %ne3A_66 : i1
    %add3A_72 = arith.addi %rem3A_64, %select_n3A_63 : i32
    %select_n3A_73 = arith.select %and3A_71, %add3A_72, %rem3A_64 : i32
    %dma_start3A_74 = arith.constant 3 : i32
    %dma_start3A_75 = arith.constant 0 : i32
    %dma_start3A_76 = arith.constant 0 : i32
    %dma_start3A_77 = arith.constant 0 : i32
    %dma_start3A_78 = tpu.memref_slice %arg9[%dma_start3A_74, %dma_start3A_75, %dma_start3A_76, %dma_start3A_77] : memref<4x8x8x133xf32, #tpu.memory_space<vmem>> -> memref<1x8x8x128xf32, #tpu.memory_space<vmem>>
    %dma_start3A_79 = tpu.memref_squeeze %dma_start3A_78 : memref<1x8x8x128xf32, #tpu.memory_space<vmem>> -> memref<8x8x128xf32, #tpu.memory_space<vmem>>
    %dma_start3A_80 = arith.constant 0 : i32
    %dma_start3A_81 = arith.constant 0 : i32
    %dma_start3A_82 = arith.constant 0 : i32
    %dma_start3A_83 = tpu.memref_slice %arg5[%select_n3A, %dma_start3A_80, %select_n3A_73, %dma_start3A_81, %dma_start3A_82] : memref<200x8x32x8x128xf32, #tpu.memory_space<hbm>> -> memref<1x8x1x8x128xf32, #tpu.memory_space<hbm>>
    %dma_start3A_84 = tpu.memref_squeeze %dma_start3A_83 : memref<1x8x1x8x128xf32, #tpu.memory_space<hbm>> -> memref<8x8x128xf32, #tpu.memory_space<hbm>>
    %dma_start3A_85 = arith.constant 0 : i32
    %dma_start3A_86 = arith.constant 0 : i32
    %dma_start3A_87 = arith.constant 0 : i32
    %dma_start3A_88 = tpu.memref_slice %arg5[%select_n3A, %dma_start3A_85, %select_n3A_73, %dma_start3A_86, %dma_start3A_87] : memref<200x8x32x8x128xf32, #tpu.memory_space<hbm>> -> memref<1x8x1x8x128xf32, #tpu.memory_space<hbm>>
    %dma_start3A_89 = tpu.memref_squeeze %dma_start3A_88 : memref<1x8x1x8x128xf32, #tpu.memory_space<hbm>> -> memref<8x8x128xf32, #tpu.memory_space<hbm>>
    %dma_start3A_90 = arith.constant 0 : i32
    %dma_start3A_91 = arith.constant 0 : i32
    %dma_start3A_92 = arith.constant 0 : i32
    %dma_start3A_93 = tpu.memref_slice %arg9[%dma_start3A_74, %dma_start3A_90, %dma_start3A_91, %dma_start3A_92] : memref<4x8x8x133xf32, #tpu.memory_space<vmem>> -> memref<1x8x8x128xf32, #tpu.memory_space<vmem>>
    %dma_start3A_94 = tpu.memref_squeeze %dma_start3A_93 : memref<1x8x8x128xf32, #tpu.memory_space<vmem>> -> memref<8x8x128xf32, #tpu.memory_space<vmem>>
    tpu.enqueue_dma source(%dma_start3A_94 : memref<8x8x128xf32, #tpu.memory_space<vmem>>) target(%dma_start3A_89 : memref<8x8x128xf32, #tpu.memory_space<hbm>>) target_semaphore(%arg17 : memref<!tpu.dma_semaphore, #tpu.memory_space<semaphore_mem>>)
    %add3A_95 = arith.constant 196 : i32
    %add3A_96 = arith.addi %mul3A_2, %add3A_95 : i32
    %jit3A_97 = arith.constant 32 : i32
    %div3A_98 = arith.divsi %add3A_96, %jit3A_97 : i32
    %sign3A_99 = arith.constant 0 : i32
    %sign3A_100 = arith.cmpi sgt, %add3A_96, %sign3A_99 : i32
    %sign3A_101 = arith.extui %sign3A_100 : i1 to i32
    %sign3A_102 = arith.constant 0 : i32
    %sign3A_103 = arith.cmpi slt, %add3A_96, %sign3A_102 : i32
    %sign3A_104 = arith.extui %sign3A_103 : i1 to i32
    %sign3A_105 = arith.subi %sign3A_101, %sign3A_104 : i32
    %sign3A_106 = arith.constant 0 : i32
    %sign3A_107 = arith.cmpi sgt, %jit3A_97, %sign3A_106 : i32
    %sign3A_108 = arith.extui %sign3A_107 : i1 to i32
    %sign3A_109 = arith.constant 0 : i32
    %sign3A_110 = arith.cmpi slt, %jit3A_97, %sign3A_109 : i32
    %sign3A_111 = arith.extui %sign3A_110 : i1 to i32
    %sign3A_112 = arith.subi %sign3A_108, %sign3A_111 : i32
    %ne3A_113 = arith.cmpi ne, %sign3A_105, %sign3A_112 : i32
    %rem3A_114 = arith.remsi %add3A_96, %jit3A_97 : i32
    %ne3A_115 = arith.constant 0 : i32
    %ne3A_116 = arith.cmpi ne, %rem3A_114, %ne3A_115 : i32
    %and3A_117 = arith.andi %ne3A_113, %ne3A_116 : i1
    %sub3A_118 = arith.constant 1 : i32
    %sub3A_119 = arith.subi %div3A_98, %sub3A_118 : i32
    %select_n3A_120 = arith.select %and3A_117, %sub3A_119, %div3A_98 : i32
    %jit3A_121 = arith.constant 32 : i32
    %eq3A_122 = arith.constant 0 : i32
    %eq3A_123 = arith.cmpi eq, %jit3A_121, %eq3A_122 : i32
    %jit3A_124 = arith.constant 1 : i32
    %select_n3A_125 = arith.select %eq3A_123, %jit3A_124, %jit3A_121 : i32
    %rem3A_126 = arith.remsi %add3A_96, %select_n3A_125 : i32
    %ne3A_127 = arith.constant 0 : i32
    %ne3A_128 = arith.cmpi ne, %rem3A_126, %ne3A_127 : i32
    %lt3A_129 = arith.constant 0 : i32
    %lt3A_130 = arith.cmpi slt, %rem3A_126, %lt3A_129 : i32
    %lt3A_131 = arith.constant 0 : i32
    %lt3A_132 = arith.cmpi slt, %select_n3A_125, %lt3A_131 : i32
    %ne3A_133 = arith.xori %lt3A_130, %lt3A_132 : i1
    %and3A_134 = arith.andi %ne3A_133, %ne3A_128 : i1
    %add3A_135 = arith.addi %rem3A_126, %select_n3A_125 : i32
    %select_n3A_136 = arith.select %and3A_134, %add3A_135, %rem3A_126 : i32
    %dma_wait3A = arith.constant 0 : i32
    %dma_wait3A_137 = arith.constant 0 : i32
    %dma_wait3A_138 = arith.constant 0 : i32
    %dma_wait3A_139 = arith.constant 0 : i32
    %dma_wait3A_140 = tpu.memref_slice %arg9[%dma_wait3A, %dma_wait3A_137, %dma_wait3A_138, %dma_wait3A_139] : memref<4x8x8x133xf32, #tpu.memory_space<vmem>> -> memref<1x8x8x128xf32, #tpu.memory_space<vmem>>
    %dma_wait3A_141 = tpu.memref_squeeze %dma_wait3A_140 : memref<1x8x8x128xf32, #tpu.memory_space<vmem>> -> memref<8x8x128xf32, #tpu.memory_space<vmem>>
    %dma_wait3A_142 = arith.constant 0 : i32
    %dma_wait3A_143 = arith.constant 0 : i32
    %dma_wait3A_144 = arith.constant 0 : i32
    %dma_wait3A_145 = tpu.memref_slice %arg5[%select_n3A_120, %dma_wait3A_142, %select_n3A_136, %dma_wait3A_143, %dma_wait3A_144] : memref<200x8x32x8x128xf32, #tpu.memory_space<hbm>> -> memref<1x8x1x8x128xf32, #tpu.memory_space<hbm>>
    %dma_wait3A_146 = tpu.memref_squeeze %dma_wait3A_145 : memref<1x8x1x8x128xf32, #tpu.memory_space<hbm>> -> memref<8x8x128xf32, #tpu.memory_space<hbm>>
    %dma_wait3A_147 = arith.constant 0 : i32
    %dma_wait3A_148 = arith.constant 0 : i32
    %dma_wait3A_149 = arith.constant 0 : i32
    %dma_wait3A_150 = tpu.memref_slice %arg5[%select_n3A_120, %dma_wait3A_147, %select_n3A_136, %dma_wait3A_148, %dma_wait3A_149] : memref<200x8x32x8x128xf32, #tpu.memory_space<hbm>> -> memref<1x8x1x8x128xf32, #tpu.memory_space<hbm>>
    %dma_wait3A_151 = tpu.memref_squeeze %dma_wait3A_150 : memref<1x8x1x8x128xf32, #tpu.memory_space<hbm>> -> memref<8x8x128xf32, #tpu.memory_space<hbm>>
    %dma_wait3A_152 = arith.constant 0 : i32
    %dma_wait3A_153 = arith.constant 0 : i32
    %dma_wait3A_154 = arith.constant 0 : i32
    %dma_wait3A_155 = tpu.memref_slice %arg9[%dma_wait3A, %dma_wait3A_152, %dma_wait3A_153, %dma_wait3A_154] : memref<4x8x8x133xf32, #tpu.memory_space<vmem>> -> memref<1x8x8x128xf32, #tpu.memory_space<vmem>>
    %dma_wait3A_156 = tpu.memref_squeeze %dma_wait3A_155 : memref<1x8x8x128xf32, #tpu.memory_space<vmem>> -> memref<8x8x128xf32, #tpu.memory_space<vmem>>
    tpu.wait_dma2 semaphore(%arg14 : memref<!tpu.dma_semaphore, #tpu.memory_space<semaphore_mem>>) src(%dma_wait3A_156 : memref<8x8x128xf32, #tpu.memory_space<vmem>>) dst(%dma_wait3A_151 : memref<8x8x128xf32, #tpu.memory_space<hbm>>)
    %add3A_157 = arith.constant 197 : i32
    %add3A_158 = arith.addi %mul3A_2, %add3A_157 : i32
    %jit3A_159 = arith.constant 32 : i32
    %div3A_160 = arith.divsi %add3A_158, %jit3A_159 : i32
    %sign3A_161 = arith.constant 0 : i32
    %sign3A_162 = arith.cmpi sgt, %add3A_158, %sign3A_161 : i32
    %sign3A_163 = arith.extui %sign3A_162 : i1 to i32
    %sign3A_164 = arith.constant 0 : i32
    %sign3A_165 = arith.cmpi slt, %add3A_158, %sign3A_164 : i32
    %sign3A_166 = arith.extui %sign3A_165 : i1 to i32
    %sign3A_167 = arith.subi %sign3A_163, %sign3A_166 : i32
    %sign3A_168 = arith.constant 0 : i32
    %sign3A_169 = arith.cmpi sgt, %jit3A_159, %sign3A_168 : i32
    %sign3A_170 = arith.extui %sign3A_169 : i1 to i32
    %sign3A_171 = arith.constant 0 : i32
    %sign3A_172 = arith.cmpi slt, %jit3A_159, %sign3A_171 : i32
    %sign3A_173 = arith.extui %sign3A_172 : i1 to i32
    %sign3A_174 = arith.subi %sign3A_170, %sign3A_173 : i32
    %ne3A_175 = arith.cmpi ne, %sign3A_167, %sign3A_174 : i32
    %rem3A_176 = arith.remsi %add3A_158, %jit3A_159 : i32
    %ne3A_177 = arith.constant 0 : i32
    %ne3A_178 = arith.cmpi ne, %rem3A_176, %ne3A_177 : i32
    %and3A_179 = arith.andi %ne3A_175, %ne3A_178 : i1
    %sub3A_180 = arith.constant 1 : i32
    %sub3A_181 = arith.subi %div3A_160, %sub3A_180 : i32
    %select_n3A_182 = arith.select %and3A_179, %sub3A_181, %div3A_160 : i32
    %jit3A_183 = arith.constant 32 : i32
    %eq3A_184 = arith.constant 0 : i32
    %eq3A_185 = arith.cmpi eq, %jit3A_183, %eq3A_184 : i32
    %jit3A_186 = arith.constant 1 : i32
    %select_n3A_187 = arith.select %eq3A_185, %jit3A_186, %jit3A_183 : i32
    %rem3A_188 = arith.remsi %add3A_158, %select_n3A_187 : i32
    %ne3A_189 = arith.constant 0 : i32
    %ne3A_190 = arith.cmpi ne, %rem3A_188, %ne3A_189 : i32
    %lt3A_191 = arith.constant 0 : i32
    %lt3A_192 = arith.cmpi slt, %rem3A_188, %lt3A_191 : i32
    %lt3A_193 = arith.constant 0 : i32
    %lt3A_194 = arith.cmpi slt, %select_n3A_187, %lt3A_193 : i32
    %ne3A_195 = arith.xori %lt3A_192, %lt3A_194 : i1
    %and3A_196 = arith.andi %ne3A_195, %ne3A_190 : i1
    %add3A_197 = arith.addi %rem3A_188, %select_n3A_187 : i32
    %select_n3A_198 = arith.select %and3A_196, %add3A_197, %rem3A_188 : i32
    %dma_wait3A_199 = arith.constant 1 : i32
    %dma_wait3A_200 = arith.constant 0 : i32
    %dma_wait3A_201 = arith.constant 0 : i32
    %dma_wait3A_202 = arith.constant 0 : i32
    %dma_wait3A_203 = tpu.memref_slice %arg9[%dma_wait3A_199, %dma_wait3A_200, %dma_wait3A_201, %dma_wait3A_202] : memref<4x8x8x133xf32, #tpu.memory_space<vmem>> -> memref<1x8x8x128xf32, #tpu.memory_space<vmem>>
    %dma_wait3A_204 = tpu.memref_squeeze %dma_wait3A_203 : memref<1x8x8x128xf32, #tpu.memory_space<vmem>> -> memref<8x8x128xf32, #tpu.memory_space<vmem>>
    %dma_wait3A_205 = arith.constant 0 : i32
    %dma_wait3A_206 = arith.constant 0 : i32
    %dma_wait3A_207 = arith.constant 0 : i32
    %dma_wait3A_208 = tpu.memref_slice %arg5[%select_n3A_182, %dma_wait3A_205, %select_n3A_198, %dma_wait3A_206, %dma_wait3A_207] : memref<200x8x32x8x128xf32, #tpu.memory_space<hbm>> -> memref<1x8x1x8x128xf32, #tpu.memory_space<hbm>>
    %dma_wait3A_209 = tpu.memref_squeeze %dma_wait3A_208 : memref<1x8x1x8x128xf32, #tpu.memory_space<hbm>> -> memref<8x8x128xf32, #tpu.memory_space<hbm>>
    %dma_wait3A_210 = arith.constant 0 : i32
    %dma_wait3A_211 = arith.constant 0 : i32
    %dma_wait3A_212 = arith.constant 0 : i32
    %dma_wait3A_213 = tpu.memref_slice %arg5[%select_n3A_182, %dma_wait3A_210, %select_n3A_198, %dma_wait3A_211, %dma_wait3A_212] : memref<200x8x32x8x128xf32, #tpu.memory_space<hbm>> -> memref<1x8x1x8x128xf32, #tpu.memory_space<hbm>>
    %dma_wait3A_214 = tpu.memref_squeeze %dma_wait3A_213 : memref<1x8x1x8x128xf32, #tpu.memory_space<hbm>> -> memref<8x8x128xf32, #tpu.memory_space<hbm>>
    %dma_wait3A_215 = arith.constant 0 : i32
    %dma_wait3A_216 = arith.constant 0 : i32
    %dma_wait3A_217 = arith.constant 0 : i32
    %dma_wait3A_218 = tpu.memref_slice %arg9[%dma_wait3A_199, %dma_wait3A_215, %dma_wait3A_216, %dma_wait3A_217] : memref<4x8x8x133xf32, #tpu.memory_space<vmem>> -> memref<1x8x8x128xf32, #tpu.memory_space<vmem>>
    %dma_wait3A_219 = tpu.memref_squeeze %dma_wait3A_218 : memref<1x8x8x128xf32, #tpu.memory_space<vmem>> -> memref<8x8x128xf32, #tpu.memory_space<vmem>>
    tpu.wait_dma2 semaphore(%arg15 : memref<!tpu.dma_semaphore, #tpu.memory_space<semaphore_mem>>) src(%dma_wait3A_219 : memref<8x8x128xf32, #tpu.memory_space<vmem>>) dst(%dma_wait3A_214 : memref<8x8x128xf32, #tpu.memory_space<hbm>>)
    %add3A_220 = arith.constant 198 : i32
    %add3A_221 = arith.addi %mul3A_2, %add3A_220 : i32
    %jit3A_222 = arith.constant 32 : i32
    %div3A_223 = arith.divsi %add3A_221, %jit3A_222 : i32
    %sign3A_224 = arith.constant 0 : i32
    %sign3A_225 = arith.cmpi sgt, %add3A_221, %sign3A_224 : i32
    %sign3A_226 = arith.extui %sign3A_225 : i1 to i32
    %sign3A_227 = arith.constant 0 : i32
    %sign3A_228 = arith.cmpi slt, %add3A_221, %sign3A_227 : i32
    %sign3A_229 = arith.extui %sign3A_228 : i1 to i32
    %sign3A_230 = arith.subi %sign3A_226, %sign3A_229 : i32
    %sign3A_231 = arith.constant 0 : i32
    %sign3A_232 = arith.cmpi sgt, %jit3A_222, %sign3A_231 : i32
    %sign3A_233 = arith.extui %sign3A_232 : i1 to i32
    %sign3A_234 = arith.constant 0 : i32
    %sign3A_235 = arith.cmpi slt, %jit3A_222, %sign3A_234 : i32
    %sign3A_236 = arith.extui %sign3A_235 : i1 to i32
    %sign3A_237 = arith.subi %sign3A_233, %sign3A_236 : i32
    %ne3A_238 = arith.cmpi ne, %sign3A_230, %sign3A_237 : i32
    %rem3A_239 = arith.remsi %add3A_221, %jit3A_222 : i32
    %ne3A_240 = arith.constant 0 : i32
    %ne3A_241 = arith.cmpi ne, %rem3A_239, %ne3A_240 : i32
    %and3A_242 = arith.andi %ne3A_238, %ne3A_241 : i1
    %sub3A_243 = arith.constant 1 : i32
    %sub3A_244 = arith.subi %div3A_223, %sub3A_243 : i32
    %select_n3A_245 = arith.select %and3A_242, %sub3A_244, %div3A_223 : i32
    %jit3A_246 = arith.constant 32 : i32
    %eq3A_247 = arith.constant 0 : i32
    %eq3A_248 = arith.cmpi eq, %jit3A_246, %eq3A_247 : i32
    %jit3A_249 = arith.constant 1 : i32
    %select_n3A_250 = arith.select %eq3A_248, %jit3A_249, %jit3A_246 : i32
    %rem3A_251 = arith.remsi %add3A_221, %select_n3A_250 : i32
    %ne3A_252 = arith.constant 0 : i32
    %ne3A_253 = arith.cmpi ne, %rem3A_251, %ne3A_252 : i32
    %lt3A_254 = arith.constant 0 : i32
    %lt3A_255 = arith.cmpi slt, %rem3A_251, %lt3A_254 : i32
    %lt3A_256 = arith.constant 0 : i32
    %lt3A_257 = arith.cmpi slt, %select_n3A_250, %lt3A_256 : i32
    %ne3A_258 = arith.xori %lt3A_255, %lt3A_257 : i1
    %and3A_259 = arith.andi %ne3A_258, %ne3A_253 : i1
    %add3A_260 = arith.addi %rem3A_251, %select_n3A_250 : i32
    %select_n3A_261 = arith.select %and3A_259, %add3A_260, %rem3A_251 : i32
    %dma_wait3A_262 = arith.constant 2 : i32
    %dma_wait3A_263 = arith.constant 0 : i32
    %dma_wait3A_264 = arith.constant 0 : i32
    %dma_wait3A_265 = arith.constant 0 : i32
    %dma_wait3A_266 = tpu.memref_slice %arg9[%dma_wait3A_262, %dma_wait3A_263, %dma_wait3A_264, %dma_wait3A_265] : memref<4x8x8x133xf32, #tpu.memory_space<vmem>> -> memref<1x8x8x128xf32, #tpu.memory_space<vmem>>
    %dma_wait3A_267 = tpu.memref_squeeze %dma_wait3A_266 : memref<1x8x8x128xf32, #tpu.memory_space<vmem>> -> memref<8x8x128xf32, #tpu.memory_space<vmem>>
    %dma_wait3A_268 = arith.constant 0 : i32
    %dma_wait3A_269 = arith.constant 0 : i32
    %dma_wait3A_270 = arith.constant 0 : i32
    %dma_wait3A_271 = tpu.memref_slice %arg5[%select_n3A_245, %dma_wait3A_268, %select_n3A_261, %dma_wait3A_269, %dma_wait3A_270] : memref<200x8x32x8x128xf32, #tpu.memory_space<hbm>> -> memref<1x8x1x8x128xf32, #tpu.memory_space<hbm>>
    %dma_wait3A_272 = tpu.memref_squeeze %dma_wait3A_271 : memref<1x8x1x8x128xf32, #tpu.memory_space<hbm>> -> memref<8x8x128xf32, #tpu.memory_space<hbm>>
    %dma_wait3A_273 = arith.constant 0 : i32
    %dma_wait3A_274 = arith.constant 0 : i32
    %dma_wait3A_275 = arith.constant 0 : i32
    %dma_wait3A_276 = tpu.memref_slice %arg5[%select_n3A_245, %dma_wait3A_273, %select_n3A_261, %dma_wait3A_274, %dma_wait3A_275] : memref<200x8x32x8x128xf32, #tpu.memory_space<hbm>> -> memref<1x8x1x8x128xf32, #tpu.memory_space<hbm>>
    %dma_wait3A_277 = tpu.memref_squeeze %dma_wait3A_276 : memref<1x8x1x8x128xf32, #tpu.memory_space<hbm>> -> memref<8x8x128xf32, #tpu.memory_space<hbm>>
    %dma_wait3A_278 = arith.constant 0 : i32
    %dma_wait3A_279 = arith.constant 0 : i32
    %dma_wait3A_280 = arith.constant 0 : i32
    %dma_wait3A_281 = tpu.memref_slice %arg9[%dma_wait3A_262, %dma_wait3A_278, %dma_wait3A_279, %dma_wait3A_280] : memref<4x8x8x133xf32, #tpu.memory_space<vmem>> -> memref<1x8x8x128xf32, #tpu.memory_space<vmem>>
    %dma_wait3A_282 = tpu.memref_squeeze %dma_wait3A_281 : memref<1x8x8x128xf32, #tpu.memory_space<vmem>> -> memref<8x8x128xf32, #tpu.memory_space<vmem>>
    tpu.wait_dma2 semaphore(%arg16 : memref<!tpu.dma_semaphore, #tpu.memory_space<semaphore_mem>>) src(%dma_wait3A_282 : memref<8x8x128xf32, #tpu.memory_space<vmem>>) dst(%dma_wait3A_277 : memref<8x8x128xf32, #tpu.memory_space<hbm>>)
    %add3A_283 = arith.constant 199 : i32
    %add3A_284 = arith.addi %mul3A_2, %add3A_283 : i32
    %jit3A_285 = arith.constant 32 : i32
    %div3A_286 = arith.divsi %add3A_284, %jit3A_285 : i32
    %sign3A_287 = arith.constant 0 : i32
    %sign3A_288 = arith.cmpi sgt, %add3A_284, %sign3A_287 : i32
    %sign3A_289 = arith.extui %sign3A_288 : i1 to i32
    %sign3A_290 = arith.constant 0 : i32
    %sign3A_291 = arith.cmpi slt, %add3A_284, %sign3A_290 : i32
    %sign3A_292 = arith.extui %sign3A_291 : i1 to i32
    %sign3A_293 = arith.subi %sign3A_289, %sign3A_292 : i32
    %sign3A_294 = arith.constant 0 : i32
    %sign3A_295 = arith.cmpi sgt, %jit3A_285, %sign3A_294 : i32
    %sign3A_296 = arith.extui %sign3A_295 : i1 to i32
    %sign3A_297 = arith.constant 0 : i32
    %sign3A_298 = arith.cmpi slt, %jit3A_285, %sign3A_297 : i32
    %sign3A_299 = arith.extui %sign3A_298 : i1 to i32
    %sign3A_300 = arith.subi %sign3A_296, %sign3A_299 : i32
    %ne3A_301 = arith.cmpi ne, %sign3A_293, %sign3A_300 : i32
    %rem3A_302 = arith.remsi %add3A_284, %jit3A_285 : i32
    %ne3A_303 = arith.constant 0 : i32
    %ne3A_304 = arith.cmpi ne, %rem3A_302, %ne3A_303 : i32
    %and3A_305 = arith.andi %ne3A_301, %ne3A_304 : i1
    %sub3A_306 = arith.constant 1 : i32
    %sub3A_307 = arith.subi %div3A_286, %sub3A_306 : i32
    %select_n3A_308 = arith.select %and3A_305, %sub3A_307, %div3A_286 : i32
    %jit3A_309 = arith.constant 32 : i32
    %eq3A_310 = arith.constant 0 : i32
    %eq3A_311 = arith.cmpi eq, %jit3A_309, %eq3A_310 : i32
    %jit3A_312 = arith.constant 1 : i32
    %select_n3A_313 = arith.select %eq3A_311, %jit3A_312, %jit3A_309 : i32
    %rem3A_314 = arith.remsi %add3A_284, %select_n3A_313 : i32
    %ne3A_315 = arith.constant 0 : i32
    %ne3A_316 = arith.cmpi ne, %rem3A_314, %ne3A_315 : i32
    %lt3A_317 = arith.constant 0 : i32
    %lt3A_318 = arith.cmpi slt, %rem3A_314, %lt3A_317 : i32
    %lt3A_319 = arith.constant 0 : i32
    %lt3A_320 = arith.cmpi slt, %select_n3A_313, %lt3A_319 : i32
    %ne3A_321 = arith.xori %lt3A_318, %lt3A_320 : i1
    %and3A_322 = arith.andi %ne3A_321, %ne3A_316 : i1
    %add3A_323 = arith.addi %rem3A_314, %select_n3A_313 : i32
    %select_n3A_324 = arith.select %and3A_322, %add3A_323, %rem3A_314 : i32
    %dma_wait3A_325 = arith.constant 3 : i32
    %dma_wait3A_326 = arith.constant 0 : i32
    %dma_wait3A_327 = arith.constant 0 : i32
    %dma_wait3A_328 = arith.constant 0 : i32
    %dma_wait3A_329 = tpu.memref_slice %arg9[%dma_wait3A_325, %dma_wait3A_326, %dma_wait3A_327, %dma_wait3A_328] : memref<4x8x8x133xf32, #tpu.memory_space<vmem>> -> memref<1x8x8x128xf32, #tpu.memory_space<vmem>>
    %dma_wait3A_330 = tpu.memref_squeeze %dma_wait3A_329 : memref<1x8x8x128xf32, #tpu.memory_space<vmem>> -> memref<8x8x128xf32, #tpu.memory_space<vmem>>
    %dma_wait3A_331 = arith.constant 0 : i32
    %dma_wait3A_332 = arith.constant 0 : i32
    %dma_wait3A_333 = arith.constant 0 : i32
    %dma_wait3A_334 = tpu.memref_slice %arg5[%select_n3A_308, %dma_wait3A_331, %select_n3A_324, %dma_wait3A_332, %dma_wait3A_333] : memref<200x8x32x8x128xf32, #tpu.memory_space<hbm>> -> memref<1x8x1x8x128xf32, #tpu.memory_space<hbm>>
    %dma_wait3A_335 = tpu.memref_squeeze %dma_wait3A_334 : memref<1x8x1x8x128xf32, #tpu.memory_space<hbm>> -> memref<8x8x128xf32, #tpu.memory_space<hbm>>
    %dma_wait3A_336 = arith.constant 0 : i32
    %dma_wait3A_337 = arith.constant 0 : i32
    %dma_wait3A_338 = arith.constant 0 : i32
    %dma_wait3A_339 = tpu.memref_slice %arg5[%select_n3A_308, %dma_wait3A_336, %select_n3A_324, %dma_wait3A_337, %dma_wait3A_338] : memref<200x8x32x8x128xf32, #tpu.memory_space<hbm>> -> memref<1x8x1x8x128xf32, #tpu.memory_space<hbm>>
    %dma_wait3A_340 = tpu.memref_squeeze %dma_wait3A_339 : memref<1x8x1x8x128xf32, #tpu.memory_space<hbm>> -> memref<8x8x128xf32, #tpu.memory_space<hbm>>
    %dma_wait3A_341 = arith.constant 0 : i32
    %dma_wait3A_342 = arith.constant 0 : i32
    %dma_wait3A_343 = arith.constant 0 : i32
    %dma_wait3A_344 = tpu.memref_slice %arg9[%dma_wait3A_325, %dma_wait3A_341, %dma_wait3A_342, %dma_wait3A_343] : memref<4x8x8x133xf32, #tpu.memory_space<vmem>> -> memref<1x8x8x128xf32, #tpu.memory_space<vmem>>
    %dma_wait3A_345 = tpu.memref_squeeze %dma_wait3A_344 : memref<1x8x8x128xf32, #tpu.memory_space<vmem>> -> memref<8x8x128xf32, #tpu.memory_space<vmem>>
    tpu.wait_dma2 semaphore(%arg17 : memref<!tpu.dma_semaphore, #tpu.memory_space<semaphore_mem>>) src(%dma_wait3A_345 : memref<8x8x128xf32, #tpu.memory_space<vmem>>) dst(%dma_wait3A_340 : memref<8x8x128xf32, #tpu.memory_space<hbm>>)
    return
  }
}

</mosaic_0001>

<sc_bundles>
// kernel: kernel.3.cloned.1.call-start
scs
__scs_entry_jumppad:
0x0: {  	(pc) =	sbr.rel $0x88, $3  }
0x1: {  	(tag) =	ssettag $0x0;
	lr =	simm.s32 $0x1  }
0x2: {  	[smem:$0x3F9E] =	sst lr;
	_ =	strace $0xD0000000  }
0x3: {  	_ = 	snop  }
0x4: {  	_ = 	snop  }
0x5: {  	_ = 	snop  }
0x6: {  	_ = 	snop  }
0x7: {  	_ = 	snop  }
__scs_overlays_trampoline_lowered:
0x8: {  	[smem:$0x3FAD] =	sst s0  }
0x9: {  	[smem:$0x3FAE] =	sst s1  }
0xa: {  	[smem:$0x3FAF] =	sst s2  }
0xb: {  	[smem:$0x3FB0] =	sst s3  }
0xc: {  	[smem:$0x3FB1] =	sst s4  }
0xd: {  	[smem:$0x3FB2] =	sst s5  }
0xe: {  	[smem:$0x3FB3] =	sst s6  }
0xf: {  	[smem:$0x3FB4] =	sst s7  }
0x10: {  	[smem:$0x3FB5] =	sst s8  }
0x11: {  	[smem:$0x3FB6] =	sst s9;
	s0 =	simm.s32 @!p0 $0x0  }
0x12: {  	s1 =	sld [smem:$0x3F9C];
	s0 =	simm.s32 @p0 $0x1  }
0x13: {  	[smem:$0x3FB7] =	sst s0;
	s0 =	simm.s32 @!p1 $0x0  }
0x14: {  	s2 =	sld [smem:$0x3F9B];
	s0 =	simm.s32 @p1 $0x1  }
0x15: {  	[smem:$0x3FB8] =	sst s0;
	s0 =	simm.s32 @!p2 $0x0  }
0x16: {  	s3 =	sld [smem:$0x3FDB];
	s0 =	simm.s32 @p2 $0x1  }
0x17: {  	s4 =	simm.s32 $0x1BF5;
	[smem:$0x3FBA] =	sst s0  }
0x18: {  	s0 =	sld [smem:$0x3F9D];
	_ =	swait.ge [sflag:s4], $0x0  }
0x19: {  	s7 =	sld [smem:$0x3F9E]  }
0x1a: {  	s8 =	sadd.s32 $0xFFFFE003, lr  }
0x1b: {  	s9 =	sadd.s32 $0xFFFFFEF7, lr;
	s5 =	simm.s32 $0xFFFFFFFF;
	p2 =	slt.u32 s8, $0xFFFFF086  }
0x1c: {  	p1 =	slt.u32 s9, $0xF7A;
	s5 =	simm.s32 @!p2 $0x0  }
0x1d: {  	s5 =	simm.s32 @p1 $0x1;
	p0 =	seq.s32 s7, s2  }
0x1e: {  	s7 =	smul.u32 @!p0 $0xF7A, s2;
	p2 =	seq.s32 @!p0 s5, $0x0  }
0x1f: {  	s9 =	smul.u32 $0xF7A, s1;
	s8 =	simm.s32 @!p0 $0x1BF5;
	p2 =	por !p2, p0  }
0x20: {  	[sflag:s8] =	ssyncset.s32 @!p0 $0xFFFFF086;
	s6 =	sadd.s32 @!p0 s3, s7;
	s7 =	simm.s32 @!p0 $0x108  }
0x21: {  	s3 =	sadd.s32 s3, s9;
	s6 =	sadd.s32 @!p0 $0x88, s6;
	s7 =	simm.s32 @p2 $0x1082  }
0x22: {  	[simem:s7], [sflag:s8] =	dma.local @!p0 [hbm:s6], $0xF7A  }
0x23: {  	s9 =	sor.u32 $0xD0000000, s2;
	s6 =	simm.s32 $0x108;
	_ =	swait.ge @!p0 [sflag:s8], $0x0  }
0x24: {  	s3 =	sadd.s32 $0x88, s3;
	s6 =	simm.s32 @!p1 $0x1082;
	[sflag:s4] =	ssyncset.s32 $0xFFFFF086  }
0x25: {  	[simem:s6], [sflag:s4] =	dma.local [hbm:s3], $0xF7A  }
0x26: {  	[smem:$0x3F9E] =	sst s1;
	(tag) =	ssettag s2;
	_ =	strace s9  }
0x27: {  	s1 =	sld [smem:$0x3FAE]  }
0x28: {  	s2 =	sld [smem:$0x3FAF]  }
0x29: {  	s4 =	sld [smem:$0x3FB1]  }
0x2a: {  	p0 =	seq.s32 s5, $0x0;
	s5 =	sld [smem:$0x3FB2]  }
0x2b: {  	s6 =	sld [smem:$0x3FB3]  }
0x2c: {  	s7 =	sld [smem:$0x3FB4]  }
0x2d: {  	s3 =	simm.s32 $0x108;
	s8 =	sld [smem:$0x3FB5]  }
0x2e: {  	s3 =	simm.s32 @!p0 $0x1082;
	s9 =	sld [smem:$0x3FB6]  }
0x2f: {  	lr =	sadd.s32 s0, s3;
	s0 =	sld [smem:$0x3FAD]  }
0x30: {  	s3 =	sld [smem:$0x3FB0]  }
0x31: {  	[smem:$0x3FB9] =	sst s10  }
0x32: {  	s10 =	sld [smem:$0x3FB7];
	_ =	sdelay $0x3  }
0x33: {  	p0 =	seq.s32 s10, $0x1;
	s10 =	sld [smem:$0x3FB9];
	_ =	sdelay $0x3  }
0x34: {  	[smem:$0x3FB9] =	sst s10  }
0x35: {  	s10 =	sld [smem:$0x3FB8];
	_ =	sdelay $0x3  }
0x36: {  	p1 =	seq.s32 s10, $0x1;
	s10 =	sld [smem:$0x3FB9];
	_ =	sdelay $0x3  }
0x37: {  	[smem:$0x3FB9] =	sst s10  }
0x38: {  	s10 =	sld [smem:$0x3FBA]  }
0x39: {  	_ = 	snop;
	(pc) =	sbr.ind lr, $3  }
0x3a: {  	_ = 	snop  }
0x3b: {  	_ = 	snop  }
0x3c: {  	p2 =	seq.s32 s10, $0x1;
	s10 =	sld [smem:$0x3FB9]  }
0x3d: {  	_ =	shalt  }
0x3e: {  	_ =	shalt  }
0x3f: {  	_ =	shalt  }
0x40: {  	_ =	shalt  }
0x41: {  	_ =	shalt  }
0x42: {  	_ =	shalt  }
0x43: {  	_ =	shalt  }
0x44: {  	_ =	shalt  }
0x45: {  	_ =	shalt  }
0x46: {  	_ =	shalt  }
0x47: {  	_ =	shalt  }
0x48: {  	_ =	shalt  }
0x49: {  	_ =	shalt  }
0x4a: {  	_ =	shalt  }
0x4b: {  	_ =	shalt  }
0x4c: {  	_ =	shalt  }
0x4d: {  	_ =	shalt  }
0x4e: {  	_ =	shalt  }
0x4f: {  	_ =	shalt  }
0x50: {  	_ =	shalt  }
0x51: {  	_ =	shalt  }
0x52: {  	_ =	shalt  }
0x53: {  	_ =	shalt  }
0x54: {  	_ =	shalt  }
0x55: {  	_ =	shalt  }
0x56: {  	_ =	shalt  }
0x57: {  	_ =	shalt  }
0x58: {  	_ =	shalt  }
0x59: {  	_ =	shalt  }
0x5a: {  	_ =	shalt  }
0x5b: {  	_ =	shalt  }
0x5c: {  	_ =	shalt  }
0x5d: {  	_ =	shalt  }
0x5e: {  	_ =	shalt  }
0x5f: {  	_ =	shalt  }
0x60: {  	_ =	shalt  }
0x61: {  	_ =	shalt  }
0x62: {  	_ =	shalt  }
0x63: {  	_ =	shalt  }
0x64: {  	_ =	shalt  }
0x65: {  	_ =	shalt  }
0x66: {  	_ =	shalt  }
0x67: {  	_ =	shalt  }
0x68: {  	_ =	shalt  }
0x69: {  	_ =	shalt  }
0x6a: {  	_ =	shalt  }
0x6b: {  	_ =	shalt  }
0x6c: {  	_ =	shalt  }
0x6d: {  	_ =	shalt  }
0x6e: {  	_ =	shalt  }
0x6f: {  	_ =	shalt  }
0x70: {  	_ =	shalt  }
0x71: {  	_ =	shalt  }
0x72: {  	_ =	shalt  }
0x73: {  	_ =	shalt  }
0x74: {  	_ =	shalt  }
0x75: {  	_ =	shalt  }
0x76: {  	_ =	shalt  }
0x77: {  	_ =	shalt  }
0x78: {  	_ =	shalt  }
0x79: {  	_ =	shalt  }
0x7a: {  	_ =	shalt  }
0x7b: {  	_ =	shalt  }
0x7c: {  	_ =	shalt  }
0x7d: {  	_ =	shalt  }
0x7e: {  	_ =	shalt  }
0x7f: {  	_ =	shalt  }
0x80: {  	_ =	shalt  }
0x81: {  	_ =	shalt  }
0x82: {  	_ =	shalt  }
0x83: {  	_ =	shalt  }
0x84: {  	_ =	shalt  }
0x85: {  	_ =	shalt  }
0x86: {  	_ =	shalt  }
0x87: {  	_ =	shalt  }
.Lfunc_end0:
.L_simem_size_0:
called_computation_lowered:
.L_overlay_start_0:
0x88: {  	s2 =	sld [smem:$0x3FD9]  }
0x89: {  	s3 =	sld [smem:$0x3FFE];
	_ =	sdelay $0x1  }
0x8a: {  	s1 =	srdreg.scid  }
0x8b: {  	s0 =	sand.u32 $0x1, s1  }
0x8c: {  	s17 =	sshll.u32 s0, $0xA;
	s2 =	sadd.s32 s3, s2  }
0x8d: {  	s2 =	sadd.s32 s2, s17  }
0x8e: {  	[smem:$0x3FC5] =	sst s2  }
0x8f: {  	_ = 	snop  }
0x90: {  	s2 =	sld [smem:$0x3FD0];
	(tm) =	ssettm $0x1  }
0x91: {  	s18 =	sld [smem:$0x3FFB];
	_ =	sdelay $0x3  }
0x92: {  	_ =	strace s18  }
0x93: {  	s3 =	sld [smem:$0x3FFC];
	_ =	sdelay $0x3  }
0x94: {  	_ =	strace s3  }
0x95: {  	s3 =	sld [smem:$0x3FFD];
	_ =	sdelay $0x3  }
0x96: {  	_ =	strace s3  }
0x97: {  	_ =	strace $0x8FFFFFFF  }
0x98: {  	s19 =	sld [smem:$0x3FDB];
	_ =	sdelay $0x1  }
0x99: {  	s4 =	simm.s32 $_scs_section_size  }
0x9a: {  	s5 =	simm.s32 $_size__tile_overlayer_lowered;
	s6 =	simm.s32 $_tile_overlayer_lowered  }
0x9b: {  	s22 =	simm.s32 $0x1BFF;
	s21 =	sshll.u32 s6, $0x1;
	s3 =	sadd.s32 s4, s19  }
0x9c: {  	s7 =	simm.s32 $0x0;
	s20 =	sshll.u32 s5, $0x1;
	s5 =	sadd.s32 s21, s3  }
0x9d: {  	[timem:s7], [sflag:s22] =	dma.local [hbm:s5], s20  }
0x9e: {  	_ =	swait.ge [sflag:s22], s20  }
0x9f: {  	s4 =	ssub.s32 $0x0, s20;
	[sflag:s22] =	ssyncset.done $0x0  }
0xa0: {  	[sflag:s22] =	ssyncadd.s32 s4;
	_ =	sdelay $0x1  }
0xa1: {  	s23 =	simm.s32 $0x1B8B  }
0xa2: {  	_ =	swait.ge [sflag:s23], $0x1  }
0xa3: {  	[sflag:s23] =	ssyncset.done $0x0  }
0xa4: {  	s25 =	simm.s32 $0x1B8E;
	s24 =	sld [smem:$0x3FFE];
	[sflag:s23] =	ssyncadd.s32 $0xFFFFFFFF  }
0xa5: {  	s26 =	simm.s32 $execute0_lowered;
	[smem:$0x3FD2] =	sst s25  }
0xa6: {  	s5 =	sshll.u32 s26, $0x1;
	_ =	strace $0x80000046;
	[dreg:$0x1] =	wrdreg $0xFFFFFFFF  }
0xa7: {  	s28 =	simm.s32 $_size_execute0_lowered;
	s3 =	sadd.s32 s3, s5;
	[dreg:$0x0] =	wrdreg $0x0  }
0xa8: {  	s5 =	sshll.u32 s28, $0x1;
	[dreg:$0x2] =	wrdreg s3  }
0xa9: {  	[dreg:$0x3] =	wrdreg s5  }
0xaa: {  	[dreg:$0x4] =	wrdreg $0xC0  }
0xab: {  	_ =	task [dreg:s7], $0x5FFFF  }
0xac: {  	[dreg:$0x1] =	wrdreg $0xFFFFFFFF  }
0xad: {  	[dreg:$0x0] =	wrdreg $0x60  }
0xae: {  	[dreg:$0x2] =	wrdreg s24  }
0xaf: {  	[dreg:$0x3] =	wrdreg s2  }
0xb0: {  	[dreg:$0x4] =	wrdreg $0x9  }
0xb1: {  	_ =	task.clear_ibuf [dreg:s7], $0x5FFFF;
	_ =	strace $0x90000046  }
0xb2: {  	s29 =	simm.s32 $0x9;
	_ =	strace $0x80000048  }
0xb3: {  	_ =	swait.ge [sflag:s29], $0x1  }
0xb4: {  	[sflag:s29] =	ssyncadd.s32 $0xFFFFFFFF  }
0xb5: {  	_ =	strace $0x90000048  }
0xb6: {  	_ =	sfence  }
0xb7: {  	s30 =	sld [smem:$0x0];
	_ =	sdelay $0x2  }
0xb8: {  	s31 =	sshll.u32 s1, $0xD;
	s1 =	sshrl.u32 s1, $0x2  }
0xb9: {  	s3 =	sand.u32 $0x4000, s31;
	s1 =	sadd.s32 s1, s30  }
0xba: {  	s0 =	sor.u32 s3, s0;
	s1 =	sshll.u32 s1, $0x11  }
0xbb: {  	s0 =	sor.u32 s1, s0  }
0xbc: {  	s0 =	sadd.s32 $0x8F2B, s0  }
0xbd: {  	[sflag:s0] =	ssyncadd.remote.s32 $0x1  }
0xbe: {  	_ =	sfence.sel $0xFFFF  }
0xbf: {  	[dreg:$0x0] =	wrdreg $0xFFFFFFFF;
	(pc) =	sbr.abs _section_cstart, $3  }
0xc0: {  	[dreg:$0x1] =	wrdreg $0xFFFFFFFF  }
0xc1: {  	_ =	task.clear_ibuf [dreg:s7], $0x2FFFF;
	_ =	strace $0x9FFFFFFF  }
0xc2: {  	(tm) =	ssettm $0x7FFFFFFF  }
0xc3: {  	_ =	shalt  }
tec
execute0_lowered:
.L_overlay_start_1:
0x0: {  	(tag) =	ssettag $0x1  }
0x1: {  	s0 =	srdreg.scid  }
0x2: {  	s2 =	stileid.u32;
	s1 =	rddreg [dreg:$0x0];
	s13 =	simm.s32 $0x80  }
0x3: {  	s17 =	simm.s32 $0xD600;
	s18 =	simm.s32 $0xF600;
	s19 =	simm.s32 $0x1  }
0x4: {  	s20 =	simm.s32 $0x11600;
	s21 =	simm.s32 $0x2;
	s22 =	simm.s32 $0x6  }
0x5: {  	s23 =	simm.s32 $0x13800;
	s28 =	simm.s32 $0x4;
	s29 =	simm.s32 $0x8  }
0x6: {  	s30 =	simm.s32 $0x17C00;
	s0 =	sand.u32 $0x1, s0;
	s3 =	sshll.u32 s2, $0x1  }
0x7: {  	s2 =	rddreg [dreg:$0x1];
	s4 =	sor.u32 s0, s3;
	s3 =	simm.s32 $0x0  }
0x8: {  	s0 =	ssub.s32 $0x2, s0;
	s5 =	smul.u32 $0xC80, s4;
	[smem:$0x7FF] =	sst s3  }
0x9: {  	s4 =	smul.u32 $0xC8, s4;
	s24 =	sshrl.u32 s0, $0x1;
	_ =	strace $0x80000047  }
0xa: {  	s0 =	ssub.s32 s0, s24;
	s24 =	simm.s32 $0x3;
	s6 =	sadd.s32 s5, s1  }
0xb: {  	s5 =	sadd.s32 $0xF42C00, s1;
	s7 =	sadd.s32 $0xC7, s4;
	s1 =	sadd.s32 $0x19800, s1  }
0xc: {  	s0 =	smax.u32 s0, $0x1;
	[dreg:$0x3] =	wrdreg s1;
	s8 =	sshll.u32 s7, $0x7  }
0xd: {  	v0 =	vlaneseq.u32;
	s25 =	sshll.u32 s7, $0xA;
	s6 =	sadd.s32 $0x800, s6;
	[dreg:$0x5] =	wrdreg s0  }
0xe: {  	v0 =	vmul.u32 $0x88, v0;
	s26 =	sand.u32 $0xF80, s8;
	[dreg:$0x4] =	wrdreg s6;
	s1 =	sand.u32 $0xFF8000, s25  }
0xf: {  	s8 =	sadd.s32 $0xFFFFFFFF, s4;
	s25 =	simm.s32 $0x7;
	s31 =	sadd.s32 s2, s26  }
0x10: {  	v1 =	vadd.s32 $0x880, v0;
	v2 =	vadd.s32 $0x1100, v0;
	v3 =	vadd.s32 $0x1980, v0;
	s26 =	simm.s32 $0x15A00;
	s9 =	sadd.s32 s1, s31;
	s1 =	simm.s32 $0x0  }
.LBB2_1:
0x11: {  	[dreg:$0x6] =	wrdreg s1  }
0x12: {  	s0 =	rddreg [dreg:$0x4];
	s12 =	simm.s32 $0x9  }
0x13: {  	[tilespmem:s3], [sflag:$0x9] =	stream.linear.gather [hbm4b:s0+s3], $0x6400, $0x38;
	[tilespmem:$0x19E00] =	vst v63  }
0x14: {  	_ =	swait.ge [sflag:s12], $0x6400  }
0x15: {  	[sflag:s12] =	ssyncset.done $0x0  }
0x16: {  	s6 =	simm.s32 $0x6400;
	s14 =	rddreg [dreg:$0x3];
	[sflag:s12] =	ssyncadd.s32 $0xFFFF9C00  }
0x17: {  	[tilespmem:s6], [sflag:$0x9] =	stream.linear.gather [hbm4b:s14+s3], $0x3200, $0x38;
	[tilespmem:$0x19E00] =	vst v63  }
0x18: {  	_ =	swait.ge [sflag:s12], $0x3200  }
0x19: {  	[sflag:s12] =	ssyncset.done $0x0  }
0x1a: {  	s15 =	simm.s32 $0x9600;
	[sflag:s12] =	ssyncadd.s32 $0xFFFFCE00  }
0x1b: {  	[tilespmem:s15], [sflag:$0x1] =	stream.indirect.gather [hbm4b:s5+s13], $0x40, s3, s13, $0xb8;
	[tilespmem:$0x19E00] =	vst v63  }
0x1c: {  	s16 =	simm.s32 $0xB600  }
0x1d: {  	[tilespmem:s16], [sflag:$0x2] =	stream.indirect.gather [hbm4b:s5+s13], $0x40, s13, s13, $0xb8;
	[tilespmem:$0x19E00] =	vst v63  }
0x1e: {  	s31 =	simm.s32 $0x100;
	s0 =	simm.s32 $0x0  }
0x1f: {  	[tilespmem:s17], [sflag:$0x3] =	stream.indirect.gather [hbm4b:s5+s13], $0x40, s31, s13, $0xb8;
	[tilespmem:$0x19E00] =	vst v63  }
.LBB2_2:
0x20: {  	p0 =	seq.s32 s0, $0x0  }
.Ltmp0:
0x21: {  	_ = 	snop;
	(pc) =	sbr.rel @p0 .LBB2_6-.Ltmp0, $2  }
0x22: {  	_ =	sdelay $0x2  }
0x23: {  	s6 =	sshll.u32 s0, $0x2  }
0x24: {  	s1 =	sadd.s32 s6, s8  }
0x25: {  	s7 =	sshra.s32 s1, $0x1F  }
0x26: {  	s10 =	sshrl.u32 s7, $0x1B  }
0x27: {  	s10 =	sadd.s32 s10, s1  }
0x28: {  	s10 =	sshrl.u32 s10, $0x5  }
0x29: {  	s1 =	sshll.u32 s1, $0xA;
	s7 =	sadd.s32 s7, s10  }
0x2a: {  	s1 =	sand.u32 $0x7C00, s1;
	s7 =	sshll.u32 s7, $0x12  }
0x2b: {  	s1 =	sor.u32 s1, s7  }
0x2c: {  	s1 =	sshrl.u32 s1, $0x3  }
0x2d: {  	s10 =	simm.s32 $0x17C00;
	s7 =	sadd.s32 s2, s1  }
0x2e: {  	[hbm4b:s7+s3] =	stream.linear.scatter [tilespmem:s10], [sflag:$0x8], $0x80, $0x38;
	[tilespmem:$0x19E00] =	vst v63  }
0x2f: {  	s11 =	simm.s32 $0x17C88;
	s12 =	sadd.s32 $0x10, s7  }
0x30: {  	[hbm4b:s12+s3] =	stream.linear.scatter [tilespmem:s11], [sflag:$0x8], $0x80, $0x38;
	[tilespmem:$0x19E00] =	vst v63  }
0x31: {  	s14 =	simm.s32 $0x17D10;
	s16 =	simm.s32 $0x17D98;
	s15 =	sadd.s32 $0x20, s7  }
0x32: {  	[hbm4b:s15+s3] =	stream.linear.scatter [tilespmem:s14], [sflag:$0x8], $0x80, $0x38;
	[tilespmem:$0x19E00] =	vst v63  }
0x33: {  	s1 =	simm.s32 $0x440;
	s31 =	sadd.s32 $0x30, s7;
	s10 =	simm.s32 $0x2200  }
0x34: {  	[hbm4b:s31+s3] =	stream.linear.scatter [tilespmem:s16], [sflag:$0x8], $0x80, $0x38;
	[tilespmem:$0x19E00] =	vst v63  }
0x35: {  	s11 =	simm.s32 $0x17E20;
	s12 =	sadd.s32 $0x40, s7;
	s14 =	simm.s32 $0x17EA8  }
0x36: {  	[hbm4b:s12+s3] =	stream.linear.scatter [tilespmem:s11], [sflag:$0x8], $0x80, $0x38;
	[tilespmem:$0x19E00] =	vst v63  }
0x37: {  	s15 =	sadd.s32 $0x50, s7;
	s16 =	simm.s32 $0x17F30;
	s31 =	sadd.s32 $0x60, s7  }
0x38: {  	[hbm4b:s15+s3] =	stream.linear.scatter [tilespmem:s14], [sflag:$0x8], $0x80, $0x38;
	[tilespmem:$0x19E00] =	vst v63  }
0x39: {  	s11 =	simm.s32 $0x17FB8;
	s12 =	sadd.s32 $0x70, s7;
	s7 =	sadd.s32 $0x1000, s7  }
0x3a: {  	[hbm4b:s31+s3] =	stream.linear.scatter [tilespmem:s16], [sflag:$0x8], $0x80, $0x38;
	[tilespmem:$0x19E00] =	vst v63  }
.LBB2_4:
0x3b: {  	[hbm4b:s12+s3] =	stream.linear.scatter [tilespmem:s11], [sflag:$0x8], $0x80, $0x38;
	[tilespmem:$0x19E00] =	vst v63  }
0x3c: {  	s11 =	smov.u32 s1;
	s1 =	smov.u32 s10  }
0x3d: {  	s14 =	sadd.s32 $0x1100, s10;
	s1 =	sshra.s32 s1, $0x2;
	s12 =	sadd.s32 $0x17C00, s11  }
0x3e: {  	[hbm4b:s7+s3] =	stream.linear.scatter [tilespmem:s12], [sflag:$0x8], $0x80, $0x38;
	[tilespmem:$0x19E00] =	vst v63  }
0x3f: {  	p1 =	sne.s32 s10, $0x7700;
	s10 =	sadd.s32 $0x17C88, s11;
	s12 =	sadd.s32 $0x10, s7  }
0x40: {  	[hbm4b:s12+s3] =	stream.linear.scatter [tilespmem:s10], [sflag:$0x8], $0x80, $0x38;
	[tilespmem:$0x19E00] =	vst v63  }
0x41: {  	s10 =	sadd.s32 $0x17D10, s11;
	s12 =	sadd.s32 $0x20, s7  }
0x42: {  	[hbm4b:s12+s3] =	stream.linear.scatter [tilespmem:s10], [sflag:$0x8], $0x80, $0x38;
	[tilespmem:$0x19E00] =	vst v63  }
0x43: {  	s10 =	sadd.s32 $0x17D98, s11;
	s12 =	sadd.s32 $0x30, s7  }
0x44: {  	[hbm4b:s12+s3] =	stream.linear.scatter [tilespmem:s10], [sflag:$0x8], $0x80, $0x38;
	[tilespmem:$0x19E00] =	vst v63  }
0x45: {  	s10 =	sadd.s32 $0x17E20, s11;
	s12 =	sadd.s32 $0x40, s7  }
0x46: {  	[hbm4b:s12+s3] =	stream.linear.scatter [tilespmem:s10], [sflag:$0x8], $0x80, $0x38;
	[tilespmem:$0x19E00] =	vst v63  }
.Ltmp1:
0x47: {  	s10 =	sadd.s32 $0x17EA8, s11;
	s12 =	sadd.s32 $0x50, s7;
	(pc) =	sbr.rel @p1 .LBB2_4-.Ltmp1, $4  }
0x48: {  	[hbm4b:s12+s3] =	stream.linear.scatter [tilespmem:s10], [sflag:$0x8], $0x80, $0x38;
	[tilespmem:$0x19E00] =	vst v63  }
0x49: {  	s10 =	sadd.s32 $0x17F30, s11;
	s12 =	sadd.s32 $0x60, s7;
	s11 =	sadd.s32 $0x17FB8, s11  }
0x4a: {  	[hbm4b:s12+s3] =	stream.linear.scatter [tilespmem:s10], [sflag:$0x8], $0x80, $0x38;
	[tilespmem:$0x19E00] =	vst v63  }
0x4b: {  	s12 =	sadd.s32 $0x70, s7;
	s7 =	sadd.s32 $0x1000, s7;
	s10 =	smov.u32 s14  }
0x4c: {  	[hbm4b:s12+s3] =	stream.linear.scatter [tilespmem:s11], [sflag:$0x8], $0x80, $0x38;
	[tilespmem:$0x19E00] =	vst v63  }
0x4d: {  	s10 =	sadd.s32 $0x17C00, s1  }
0x4e: {  	[hbm4b:s7+s3] =	stream.linear.scatter [tilespmem:s10], [sflag:$0x8], $0x80, $0x38;
	[tilespmem:$0x19E00] =	vst v63  }
0x4f: {  	s16 =	sadd.s32 $0x17C88, s1;
	s31 =	sadd.s32 $0x10, s7  }
0x50: {  	[hbm4b:s31+s3] =	stream.linear.scatter [tilespmem:s16], [sflag:$0x8], $0x80, $0x38;
	[tilespmem:$0x19E00] =	vst v63  }
0x51: {  	s11 =	sadd.s32 $0x17D10, s1;
	s12 =	sadd.s32 $0x20, s7  }
0x52: {  	[hbm4b:s12+s3] =	stream.linear.scatter [tilespmem:s11], [sflag:$0x8], $0x80, $0x38;
	[tilespmem:$0x19E00] =	vst v63  }
0x53: {  	s14 =	sadd.s32 $0x17D98, s1;
	s15 =	sadd.s32 $0x30, s7  }
0x54: {  	[hbm4b:s15+s3] =	stream.linear.scatter [tilespmem:s14], [sflag:$0x8], $0x80, $0x38;
	[tilespmem:$0x19E00] =	vst v63  }
0x55: {  	s16 =	sadd.s32 $0x17E20, s1;
	s31 =	sadd.s32 $0x40, s7  }
0x56: {  	[hbm4b:s31+s3] =	stream.linear.scatter [tilespmem:s16], [sflag:$0x8], $0x80, $0x38;
	[tilespmem:$0x19E00] =	vst v63  }
0x57: {  	s11 =	sadd.s32 $0x17EA8, s1;
	s12 =	sadd.s32 $0x50, s7  }
0x58: {  	[hbm4b:s12+s3] =	stream.linear.scatter [tilespmem:s11], [sflag:$0x8], $0x80, $0x38;
	[tilespmem:$0x19E00] =	vst v63  }
0x59: {  	s14 =	sadd.s32 $0x17F30, s1;
	s15 =	sadd.s32 $0x60, s7  }
0x5a: {  	[hbm4b:s15+s3] =	stream.linear.scatter [tilespmem:s14], [sflag:$0x8], $0x80, $0x38;
	[tilespmem:$0x19E00] =	vst v63  }
0x5b: {  	s16 =	sadd.s32 $0x17FB8, s1;
	s31 =	sadd.s32 $0x70, s7  }
0x5c: {  	[hbm4b:s31+s3] =	stream.linear.scatter [tilespmem:s16], [sflag:$0x8], $0x80, $0x38;
	[tilespmem:$0x19E00] =	vst v63  }
.LBB2_6:
0x5d: {  	s1 =	sshll.u32 s0, $0xB  }
0x5e: {  	s16 =	sshra.s32 s1, $0x2  }
0x5f: {  	s1 =	sor.u32 $0x180, s16  }
0x60: {  	[tilespmem:s18], [sflag:$0x4] =	stream.indirect.gather [hbm4b:s5+s13], $0x40, s1, s13, $0xb8;
	[tilespmem:$0x19E00] =	vst v63  }
0x61: {  	_ =	swait.ge [sflag:s19], $0x2000  }
0x62: {  	[sflag:s19] =	ssyncset.done $0x0  }
0x63: {  	s1 =	simm.s32 @!p0 $0x5;
	[sflag:s19] =	ssyncadd.s32 $0xFFFFE000  }
0x64: {  	s7 =	sadd.s32 s4, s6;
	_ =	swait.ge @!p0 [sflag:s1], $0x2000  }
0x65: {  	s12 =	sshll.u32 s7, $0x1;
	[sflag:s1] =	ssyncset.done @!p0 $0x0  }
0x66: {  	[sflag:s1] =	ssyncadd.s32 @!p0 $0xFFFFE000;
	s1 =	sand.u32 $0x3FFFFFC0, s12  }
0x67: {  	s31 =	simm.s32 $0x9680;
	s10 =	simm.s32 $0x3;
	v9 =	vld [tilespmem:s1+$0x6400]  }
0x68: {  	v4 =	vmov s10;
	v7 =	vld [tilespmem:s31+$0x40]  }
0x69: {  	v13 =	vand.u32 $0x7F, v4  }
0x6a: {  	s14 =	simm.s32 $0x0;
	v8 =	vadd.s32 v0, v13;
	v6 =	vld [tilespmem:s1+$0x6410]  }
0x6b: {  	s15 =	simm.s32 $0x1;
	s11 =	simm.s32 $0x2;
	v4 =	vmov s14;
	v10 =	vld [tilespmem:s31+$0xFFFFFF80]  }
0x6c: {  	v14 =	vmov s11;
	v12 =	vand.u32 $0x7C, v4;
	v4 =	vmov s15;
	v11 =	vld [tilespmem:s31+$0xFFFFFFC0]  }
0x6d: {  	v15 =	vadd.s32 v0, v12;
	v19 =	vand.u32 $0x7D, v4;
	v16 =	vld [tilespmem:s31+$0x0];
	v7 =	vadd.f32 v7, v9  }
0x6e: {  	v20 =	vand.u32 $0x7E, v14;
	v17 =	vadd.s32 v0, v19;
	v5 =	vld [tilespmem:s1+$0x6420]  }
0x6f: {  	v14 =	vadd.s32 v0, v20;
	v4 =	vld [tilespmem:s1+$0x6430];
	[tilespmem:v8+s20+$0x0] =	vst.idx.msk $0xffff, v7  }
0x70: {  	v7 =	vadd.f32 v10, v9;
	v8 =	vld [tilespmem:s31+$0x50]  }
0x71: {  	v10 =	vadd.f32 v11, v9  }
0x72: {  	v11 =	vadd.s32 v1, v13;
	[tilespmem:v15+s20+$0x0] =	vst.idx.msk $0xffff, v7;
	v7 =	vadd.f32 v16, v9  }
0x73: {  	[tilespmem:v17+s20+$0x0] =	vst.idx.msk $0xffff, v10;
	v15 =	vld [tilespmem:s31+$0xFFFFFF90]  }
0x74: {  	v10 =	vld [tilespmem:s31+$0xFFFFFFD0];
	[tilespmem:v14+s20+$0x0] =	vst.idx.msk $0xffff, v7  }
0x75: {  	v14 =	vld [tilespmem:s31+$0x10];
	v7 =	vadd.f32 v8, v6  }
0x76: {  	s10 =	simm.s32 $0x9780;
	s15 =	simm.s32 $0x7;
	v16 =	vadd.s32 v1, v19  }
0x77: {  	s14 =	simm.s32 $0x4;
	v26 =	vadd.s32 v2, v13;
	v18 =	vld [tilespmem:s10+$0x40];
	v17 =	vadd.s32 v1, v20;
	[tilespmem:v11+s20+$0x0] =	vst.idx.msk $0xffff, v7;
	v7 =	vmov s15  }
0x78: {  	v21 =	vadd.s32 v1, v12;
	v8 =	vmov s14;
	v7 =	vand.u32 $0x7F, v7;
	v22 =	vld [tilespmem:s31+$0x60]  }
0x79: {  	v23 =	vld [tilespmem:s10+$0xFFFFFF80];
	s14 =	simm.s32 $0x5;
	v8 =	vand.u32 $0x7C, v8;
	v10 =	vadd.f32 v10, v6;
	v24 =	vadd.s32 v0, v7  }
0x7a: {  	v25 =	vld [tilespmem:s10+$0xFFFFFFC0];
	v15 =	vadd.f32 v15, v6;
	s15 =	simm.s32 $0x6;
	v11 =	vadd.f32 v14, v6;
	v14 =	vmov s14  }
0x7b: {  	v27 =	vadd.s32 v0, v8;
	[tilespmem:v16+s20+$0x0] =	vst.idx.msk $0xffff, v10;
	v16 =	vmov s15;
	v10 =	vand.u32 $0x7D, v14;
	v14 =	vld [tilespmem:s10+$0x0]  }
0x7c: {  	[tilespmem:v17+s20+$0x0] =	vst.idx.msk $0xffff, v11;
	v17 =	vadd.s32 v0, v10;
	v11 =	vand.u32 $0x7E, v16;
	v16 =	vadd.f32 v18, v9;
	v18 =	vld [tilespmem:s31+$0xFFFFFFE0]  }
0x7d: {  	[tilespmem:v21+s20+$0x0] =	vst.idx.msk $0xffff, v15;
	v15 =	vadd.s32 v0, v11;
	v21 =	vld [tilespmem:s31+$0x20];
	v22 =	vadd.f32 v22, v5  }
0x7e: {  	v23 =	vadd.f32 v23, v9;
	[tilespmem:v24+s20+$0x0] =	vst.idx.msk $0xffff, v16;
	v16 =	vld [tilespmem:s31+$0xFFFFFFA0];
	v24 =	vadd.s32 v2, v19  }
0x7f: {  	v29 =	vadd.s32 v2, v20;
	v25 =	vadd.f32 v25, v9;
	v28 =	vld [tilespmem:s10+$0x50];
	[tilespmem:v26+s20+$0x0] =	vst.idx.msk $0xffff, v22  }
0x80: {  	[tilespmem:v27+s20+$0x0] =	vst.idx.msk $0xffff, v23;
	v23 =	vadd.s32 v2, v12;
	v14 =	vadd.f32 v14, v9;
	v26 =	vld [tilespmem:s31+$0x70]  }
0x81: {  	v27 =	vld [tilespmem:s10+$0xFFFFFF90];
	[tilespmem:v17+s20+$0x0] =	vst.idx.msk $0xffff, v25;
	v25 =	vadd.s32 v1, v7;
	v18 =	vadd.f32 v18, v5  }
0x82: {  	v31 =	vadd.s32 v3, v13;
	v30 =	vld [tilespmem:s10+$0xFFFFFFD0];
	[tilespmem:v15+s20+$0x0] =	vst.idx.msk $0xffff, v14;
	v14 =	vadd.f32 v21, v5  }
0x83: {  	v22 =	vadd.s32 v1, v8;
	v17 =	vld [tilespmem:s10+$0x10];
	v13 =	vadd.f32 v16, v5;
	[tilespmem:v24+s20+$0x0] =	vst.idx.msk $0xffff, v18  }
0x84: {  	s1 =	simm.s32 $0x8;
	v21 =	vadd.s32 v1, v10;
	[tilespmem:v29+s20+$0x0] =	vst.idx.msk $0xffff, v14;
	v18 =	vadd.f32 v28, v6;
	v16 =	vld [tilespmem:s31+$0xFFFFFFF0]  }
0x85: {  	v24 =	vmov s1;
	v14 =	vadd.s32 v1, v11;
	v15 =	vld [tilespmem:s31+$0x30];
	[tilespmem:v23+s20+$0x0] =	vst.idx.msk $0xffff, v13;
	v63 =	vadd.f32 v26, v4  }
0x86: {  	s11 =	simm.s32 $0x9880;
	s14 =	simm.s32 $0xB;
	v19 =	vadd.s32 v3, v19;
	v13 =	vand.u32 $0x7C, v24;
	v24 =	vadd.f32 v27, v6;
	[tilespmem:v25+s20+$0x0] =	vst.idx.msk $0xffff, v18;
	v18 =	vld [tilespmem:s31+$0xFFFFFFB0]  }
0x87: {  	v20 =	vadd.s32 v3, v20;
	v26 =	vmov s14;
	v23 =	vld [tilespmem:s11+$0x40];
	s14 =	simm.s32 $0xC;
	s31 =	sshrl.u32 s7, $0x5;
	v25 =	vadd.f32 v30, v6;
	[tilespmem:v31+s20+$0x0] =	vst.idx.msk $0xffff, v63  }
.LBB2_7:
0x88: {  	p1 =	slt.u32 s14, $0x7C;
	s15 =	sadd.s32 $0x1, s1;
	v26 =	vand.u32 $0x7F, v26;
	[tilespmem:v22+s20+$0x0] =	vst.idx.msk $0xffff, v24;
	v17 =	vadd.f32 v17, v6;
	v22 =	vld [tilespmem:s10+$0x60];
	v24 =	vadd.s32 v3, v12  }
0x89: {  	v30 =	vmovc v11;
	v27 =	vld [tilespmem:s11+$0xFFFFFF80];
	v28 =	vmov s15;
	s15 =	sadd.s32 $0x2, s1;
	v29 =	vadd.s32 v0, v26;
	[tilespmem:v21+s20+$0x0] =	vst.idx.msk $0xffff, v25;
	v16 =	vadd.f32 v16, v4;
	s1 =	smov.u32 s14  }
0x8a: {  	v12 =	vmovc v8;
	v21 =	vld [tilespmem:s11+$0xFFFFFFC0];
	v11 =	vmov s15;
	[tilespmem:v14+s20+$0x0] =	vst.idx.msk $0xffff, v17;
	v14 =	vadd.s32 v2, v7;
	v15 =	vadd.f32 v15, v4  }
0x8b: {  	v17 =	vadd.s32 v0, v13;
	v28 =	vand.u32 $0x7D, v28;
	v25 =	vld [tilespmem:s11+$0x0];
	v31 =	vadd.f32 v18, v4;
	[tilespmem:v19+s20+$0x0] =	vst.idx.msk $0xffff, v16  }
0x8c: {  	v16 =	vadd.s32 v0, v28;
	v11 =	vand.u32 $0x7E, v11;
	v18 =	vadd.f32 v23, v9;
	v19 =	vld [tilespmem:s10+$0xFFFFFFE0];
	[tilespmem:v20+s20+$0x0] =	vst.idx.msk $0xffff, v15  }
0x8d: {  	v8 =	vmov v13;
	v15 =	vadd.s32 v0, v11;
	v20 =	vld [tilespmem:s10+$0x20];
	v22 =	vadd.f32 v22, v5;
	[tilespmem:v24+s20+$0x0] =	vst.idx.msk $0xffff, v31  }
0x8e: {  	v23 =	vadd.s32 v2, v10;
	v13 =	vadd.f32 v27, v9;
	[tilespmem:v29+s20+$0x0] =	vst.idx.msk $0xffff, v18;
	v18 =	vld [tilespmem:s10+$0xFFFFFFA0]  }
0x8f: {  	v27 =	vadd.s32 v2, v30;
	v21 =	vadd.f32 v21, v9;
	v24 =	vld [tilespmem:s11+$0x50];
	[tilespmem:v14+s20+$0x0] =	vst.idx.msk $0xffff, v22  }
0x90: {  	[tilespmem:v17+s20+$0x0] =	vst.idx.msk $0xffff, v13;
	v13 =	vadd.f32 v25, v9;
	v25 =	vadd.s32 v2, v12;
	v29 =	vld [tilespmem:s10+$0x70]  }
0x91: {  	v32 =	vadd.s32 v1, v26;
	v31 =	vld [tilespmem:s11+$0xFFFFFF90];
	[tilespmem:v16+s20+$0x0] =	vst.idx.msk $0xffff, v21;
	v14 =	vadd.f32 v19, v5  }
0x92: {  	v34 =	vadd.s32 v3, v7;
	v7 =	vmov v26;
	v33 =	vld [tilespmem:s11+$0xFFFFFFD0];
	[tilespmem:v15+s20+$0x0] =	vst.idx.msk $0xffff, v13;
	v13 =	vadd.f32 v20, v5  }
.Ltmp2:
0x93: {  	v22 =	vadd.s32 v1, v8;
	v17 =	vld [tilespmem:s11+$0x10];
	v15 =	vadd.f32 v18, v5;
	[tilespmem:v23+s20+$0x0] =	vst.idx.msk $0xffff, v14;
	(pc) =	sbr.rel @p1 .LBB2_7-.Ltmp2, $4  }
0x94: {  	v21 =	vadd.s32 v1, v28;
	v18 =	vadd.f32 v24, v6;
	v16 =	vld [tilespmem:s10+$0xFFFFFFF0];
	[tilespmem:v27+s20+$0x0] =	vst.idx.msk $0xffff, v13  }
0x95: {  	v14 =	vadd.s32 v1, v11;
	v13 =	vmov s14;
	[tilespmem:v25+s20+$0x0] =	vst.idx.msk $0xffff, v15;
	v15 =	vld [tilespmem:s10+$0x30];
	v27 =	vadd.f32 v29, v4  }
0x96: {  	s15 =	sadd.s32 $0x3, s14;
	v19 =	vadd.s32 v3, v10;
	v13 =	vand.u32 $0x7C, v13;
	v24 =	vadd.f32 v31, v6;
	[tilespmem:v32+s20+$0x0] =	vst.idx.msk $0xffff, v18;
	v18 =	vld [tilespmem:s10+$0xFFFFFFB0];
	s10 =	smov.u32 s11;
	s11 =	sadd.s32 $0x100, s11  }
0x97: {  	v26 =	vmov s15;
	v10 =	vmovc v28;
	v20 =	vadd.s32 v3, v30;
	s14 =	sadd.s32 $0x4, s14;
	v23 =	vld [tilespmem:s11+$0x40];
	v25 =	vadd.f32 v33, v6;
	[tilespmem:v34+s20+$0x0] =	vst.idx.msk $0xffff, v27  }
0x98: {  	s14 =	sadd.s32 $0x1, s1  }
0x99: {  	v26 =	vand.u32 $0x7F, v26;
	v28 =	vld [tilespmem:s11+$0xFFFFFFC0];
	v27 =	vmov s14;
	s14 =	sadd.s32 $0x2, s1  }
0x9a: {  	v31 =	vld [tilespmem:s11+$0x0];
	v29 =	vadd.s32 v0, v26;
	v30 =	vmov s14;
	v27 =	vand.u32 $0x7D, v27  }
0x9b: {  	v32 =	vld [tilespmem:s11+$0xFFFFFF80];
	v33 =	vadd.s32 v0, v27;
	v30 =	vand.u32 $0x7E, v30  }
0x9c: {  	v34 =	vadd.s32 v0, v30  }
0x9d: {  	[tilespmem:v22+s20+$0x0] =	vst.idx.msk $0xffff, v24;
	v44 =	vadd.s32 v0, v13;
	v23 =	vadd.f32 v23, v9  }
0x9e: {  	[tilespmem:v21+s20+$0x0] =	vst.idx.msk $0xffff, v25;
	v45 =	vadd.f32 v28, v9  }
0x9f: {  	v46 =	vadd.f32 v31, v9;
	[tilespmem:v29+s20+$0x0] =	vst.idx.msk $0xffff, v23  }
0xa0: {  	v47 =	vadd.f32 v32, v9;
	v48 =	vld [tilespmem:s11+$0x50];
	[tilespmem:v33+s20+$0x0] =	vst.idx.msk $0xffff, v45  }
0xa1: {  	v17 =	vadd.f32 v17, v6;
	v12 =	vadd.s32 v3, v12;
	v21 =	vld [tilespmem:s11+$0xFFFFFFD0];
	[tilespmem:v34+s20+$0x0] =	vst.idx.msk $0xffff, v46  }
0xa2: {  	v16 =	vadd.f32 v16, v4;
	v49 =	vadd.s32 v1, v26;
	[tilespmem:v44+s20+$0x0] =	vst.idx.msk $0xffff, v47;
	v50 =	vld [tilespmem:s11+$0x10]  }
0xa3: {  	[tilespmem:v14+s20+$0x0] =	vst.idx.msk $0xffff, v17;
	v51 =	vadd.f32 v15, v4;
	v53 =	vadd.s32 v1, v27;
	v52 =	vld [tilespmem:s11+$0xFFFFFF90]  }
0xa4: {  	v54 =	vld [tilespmem:s10+$0x60];
	v18 =	vadd.f32 v18, v4;
	[tilespmem:v19+s20+$0x0] =	vst.idx.msk $0xffff, v16;
	v55 =	vadd.s32 v1, v30  }
0xa5: {  	v57 =	vadd.s32 v1, v13;
	v60 =	vld [tilespmem:s10+$0x20];
	[tilespmem:v20+s20+$0x0] =	vst.idx.msk $0xffff, v51;
	v58 =	vadd.f32 v48, v6  }
0xa6: {  	v59 =	vadd.s32 v2, v7;
	v56 =	vld [tilespmem:s10+$0xFFFFFFE0];
	[tilespmem:v12+s20+$0x0] =	vst.idx.msk $0xffff, v18;
	v61 =	vadd.f32 v21, v6  }
0xa7: {  	v62 =	vld [tilespmem:s10+$0xFFFFFFA0];
	v29 =	vadd.s32 v2, v11;
	[tilespmem:v49+s20+$0x0] =	vst.idx.msk $0xffff, v58;
	v28 =	vadd.f32 v50, v6  }
0xa8: {  	v63 =	vadd.s32 v2, v10;
	v31 =	vadd.f32 v52, v6;
	v32 =	vld [tilespmem:s11+$0x60];
	[tilespmem:v53+s20+$0x0] =	vst.idx.msk $0xffff, v61  }
0xa9: {  	v33 =	vadd.f32 v54, v5;
	v34 =	vadd.s32 v2, v8;
	[tilespmem:v55+s20+$0x0] =	vst.idx.msk $0xffff, v28;
	v35 =	vld [tilespmem:s11+$0xFFFFFFE0]  }
0xaa: {  	v37 =	vadd.s32 v2, v26;
	v39 =	vadd.f32 v60, v5;
	[tilespmem:v57+s20+$0x0] =	vst.idx.msk $0xffff, v31;
	v38 =	vld [tilespmem:s11+$0x20]  }
0xab: {  	v41 =	vadd.s32 v2, v27;
	v36 =	vadd.f32 v56, v5;
	[tilespmem:v59+s20+$0x0] =	vst.idx.msk $0xffff, v33;
	v40 =	vld [tilespmem:s11+$0xFFFFFFA0]  }
0xac: {  	v43 =	vadd.s32 v2, v30;
	v18 =	vadd.f32 v62, v5;
	v42 =	vld [tilespmem:s10+$0x70];
	[tilespmem:v29+s20+$0x0] =	vst.idx.msk $0xffff, v39  }
0xad: {  	v45 =	vadd.s32 v2, v13;
	[tilespmem:v63+s20+$0x0] =	vst.idx.msk $0xffff, v36;
	v47 =	vld [tilespmem:s10+$0x30];
	v44 =	vadd.f32 v32, v5  }
0xae: {  	v46 =	vadd.s32 v3, v7;
	v21 =	vld [tilespmem:s10+$0xFFFFFFF0];
	[tilespmem:v34+s20+$0x0] =	vst.idx.msk $0xffff, v18;
	v9 =	vadd.f32 v35, v5  }
0xaf: {  	v18 =	vld [tilespmem:s10+$0xFFFFFFB0];
	v50 =	vadd.s32 v3, v11;
	[tilespmem:v37+s20+$0x0] =	vst.idx.msk $0xffff, v44;
	v49 =	vadd.f32 v38, v5  }
0xb0: {  	v48 =	vadd.s32 v3, v10;
	v12 =	vld [tilespmem:s11+$0x70];
	v5 =	vadd.f32 v40, v5;
	[tilespmem:v41+s20+$0x0] =	vst.idx.msk $0xffff, v9  }
0xb1: {  	v52 =	vadd.s32 v3, v8;
	v51 =	vadd.f32 v42, v4;
	v53 =	vld [tilespmem:s11+$0xFFFFFFF0];
	[tilespmem:v43+s20+$0x0] =	vst.idx.msk $0xffff, v49  }
0xb2: {  	v55 =	vadd.s32 v3, v26;
	v56 =	vadd.f32 v47, v4;
	[tilespmem:v45+s20+$0x0] =	vst.idx.msk $0xffff, v5;
	v5 =	vld [tilespmem:s11+$0x30]  }
0xb3: {  	v58 =	vadd.s32 v3, v27;
	[tilespmem:v46+s20+$0x0] =	vst.idx.msk $0xffff, v51;
	v54 =	vadd.f32 v21, v4;
	v57 =	vld [tilespmem:s11+$0xFFFFFFB0]  }
0xb4: {  	v60 =	vadd.s32 v3, v30;
	v59 =	vadd.f32 v18, v4;
	[tilespmem:v50+s20+$0x0] =	vst.idx.msk $0xffff, v56  }
0xb5: {  	v62 =	vadd.s32 v3, v13;
	[tilespmem:v48+s20+$0x0] =	vst.idx.msk $0xffff, v54;
	v61 =	vadd.f32 v12, v4  }
0xb6: {  	[tilespmem:v52+s20+$0x0] =	vst.idx.msk $0xffff, v59;
	v63 =	vadd.f32 v53, v4  }
0xb7: {  	s15 =	sshll.u32 s7, $0x7;
	[tilespmem:v55+s20+$0x0] =	vst.idx.msk $0xffff, v61;
	v5 =	vadd.f32 v5, v4  }
0xb8: {  	s1 =	sand.u32 $0xE00, s15;
	v4 =	vadd.f32 v57, v4;
	[tilespmem:v58+s20+$0x0] =	vst.idx.msk $0xffff, v63  }
0xb9: {  	s31 =	sshll.u32 s31, $0xF;
	s1 =	sadd.s32 s2, s1;
	[tilespmem:v60+s20+$0x0] =	vst.idx.msk $0xffff, v5  }
0xba: {  	s7 =	sadd.s32 s31, s1;
	s10 =	simm.s32 $0x11600;
	[tilespmem:v62+s20+$0x0] =	vst.idx.msk $0xffff, v4  }
0xbb: {  	[hbm4b:s7+s3] =	stream.linear.scatter [tilespmem:s10], [sflag:$0x5], $0x80, $0x38;
	[tilespmem:$0x19E00] =	vst v63  }
0xbc: {  	s14 =	sadd.s32 $0x10, s7;
	s11 =	simm.s32 $0x11688  }
0xbd: {  	[hbm4b:s14+s3] =	stream.linear.scatter [tilespmem:s11], [sflag:$0x5], $0x80, $0x38;
	[tilespmem:$0x19E00] =	vst v63  }
0xbe: {  	s15 =	simm.s32 $0x11710;
	s1 =	simm.s32 $0x440;
	s31 =	sadd.s32 $0x20, s7  }
0xbf: {  	[hbm4b:s31+s3] =	stream.linear.scatter [tilespmem:s15], [sflag:$0x5], $0x80, $0x38;
	[tilespmem:$0x19E00] =	vst v63  }
0xc0: {  	s10 =	simm.s32 $0x2200;
	s11 =	simm.s32 $0x11798;
	s14 =	sadd.s32 $0x30, s7  }
0xc1: {  	[hbm4b:s14+s3] =	stream.linear.scatter [tilespmem:s11], [sflag:$0x5], $0x80, $0x38;
	[tilespmem:$0x19E00] =	vst v63  }
0xc2: {  	s15 =	simm.s32 $0x11820;
	s31 =	sadd.s32 $0x40, s7;
	s11 =	simm.s32 $0x118A8  }
0xc3: {  	[hbm4b:s31+s3] =	stream.linear.scatter [tilespmem:s15], [sflag:$0x5], $0x80, $0x38;
	[tilespmem:$0x19E00] =	vst v63  }
0xc4: {  	s14 =	sadd.s32 $0x50, s7;
	s15 =	simm.s32 $0x11930;
	s31 =	sadd.s32 $0x60, s7  }
0xc5: {  	[hbm4b:s14+s3] =	stream.linear.scatter [tilespmem:s11], [sflag:$0x5], $0x80, $0x38;
	[tilespmem:$0x19E00] =	vst v63  }
0xc6: {  	s11 =	simm.s32 $0x119B8;
	s14 =	sadd.s32 $0x70, s7;
	s7 =	sadd.s32 $0x1000, s7  }
0xc7: {  	[hbm4b:s31+s3] =	stream.linear.scatter [tilespmem:s15], [sflag:$0x5], $0x80, $0x38;
	[tilespmem:$0x19E00] =	vst v63  }
.LBB2_9:
0xc8: {  	[hbm4b:s14+s3] =	stream.linear.scatter [tilespmem:s11], [sflag:$0x5], $0x80, $0x38;
	[tilespmem:$0x19E00] =	vst v63  }
0xc9: {  	s11 =	smov.u32 s1;
	s1 =	smov.u32 s10  }
0xca: {  	s15 =	sadd.s32 $0x1100, s10;
	s1 =	sshra.s32 s1, $0x2;
	s14 =	sadd.s32 $0x11600, s11  }
0xcb: {  	[hbm4b:s7+s3] =	stream.linear.scatter [tilespmem:s14], [sflag:$0x5], $0x80, $0x38;
	[tilespmem:$0x19E00] =	vst v63  }
0xcc: {  	p1 =	sne.s32 s10, $0x7700;
	s10 =	sadd.s32 $0x11688, s11;
	s14 =	sadd.s32 $0x10, s7  }
0xcd: {  	[hbm4b:s14+s3] =	stream.linear.scatter [tilespmem:s10], [sflag:$0x5], $0x80, $0x38;
	[tilespmem:$0x19E00] =	vst v63  }
0xce: {  	s10 =	sadd.s32 $0x11710, s11;
	s14 =	sadd.s32 $0x20, s7  }
0xcf: {  	[hbm4b:s14+s3] =	stream.linear.scatter [tilespmem:s10], [sflag:$0x5], $0x80, $0x38;
	[tilespmem:$0x19E00] =	vst v63  }
0xd0: {  	s10 =	sadd.s32 $0x11798, s11;
	s14 =	sadd.s32 $0x30, s7  }
0xd1: {  	[hbm4b:s14+s3] =	stream.linear.scatter [tilespmem:s10], [sflag:$0x5], $0x80, $0x38;
	[tilespmem:$0x19E00] =	vst v63  }
0xd2: {  	s10 =	sadd.s32 $0x11820, s11;
	s14 =	sadd.s32 $0x40, s7  }
0xd3: {  	[hbm4b:s14+s3] =	stream.linear.scatter [tilespmem:s10], [sflag:$0x5], $0x80, $0x38;
	[tilespmem:$0x19E00] =	vst v63  }
.Ltmp3:
0xd4: {  	s10 =	sadd.s32 $0x118A8, s11;
	s14 =	sadd.s32 $0x50, s7;
	(pc) =	sbr.rel @p1 .LBB2_9-.Ltmp3, $4  }
0xd5: {  	[hbm4b:s14+s3] =	stream.linear.scatter [tilespmem:s10], [sflag:$0x5], $0x80, $0x38;
	[tilespmem:$0x19E00] =	vst v63  }
0xd6: {  	s10 =	sadd.s32 $0x11930, s11;
	s14 =	sadd.s32 $0x60, s7;
	s11 =	sadd.s32 $0x119B8, s11  }
0xd7: {  	[hbm4b:s14+s3] =	stream.linear.scatter [tilespmem:s10], [sflag:$0x5], $0x80, $0x38;
	[tilespmem:$0x19E00] =	vst v63  }
0xd8: {  	s14 =	sadd.s32 $0x70, s7;
	s7 =	sadd.s32 $0x1000, s7;
	s10 =	smov.u32 s15  }
0xd9: {  	[hbm4b:s14+s3] =	stream.linear.scatter [tilespmem:s11], [sflag:$0x5], $0x80, $0x38;
	[tilespmem:$0x19E00] =	vst v63  }
0xda: {  	s10 =	sadd.s32 $0x11600, s1  }
0xdb: {  	[hbm4b:s7+s3] =	stream.linear.scatter [tilespmem:s10], [sflag:$0x5], $0x80, $0x38;
	[tilespmem:$0x19E00] =	vst v63  }
0xdc: {  	s15 =	sadd.s32 $0x11688, s1;
	s31 =	sadd.s32 $0x10, s7  }
0xdd: {  	[hbm4b:s31+s3] =	stream.linear.scatter [tilespmem:s15], [sflag:$0x5], $0x80, $0x38;
	[tilespmem:$0x19E00] =	vst v63  }
0xde: {  	s11 =	sadd.s32 $0x11710, s1;
	s14 =	sadd.s32 $0x20, s7  }
0xdf: {  	[hbm4b:s14+s3] =	stream.linear.scatter [tilespmem:s11], [sflag:$0x5], $0x80, $0x38;
	[tilespmem:$0x19E00] =	vst v63  }
0xe0: {  	s15 =	sadd.s32 $0x11798, s1;
	s31 =	sadd.s32 $0x30, s7  }
0xe1: {  	[hbm4b:s31+s3] =	stream.linear.scatter [tilespmem:s15], [sflag:$0x5], $0x80, $0x38;
	[tilespmem:$0x19E00] =	vst v63  }
0xe2: {  	s11 =	sadd.s32 $0x11820, s1;
	s14 =	sadd.s32 $0x40, s7  }
0xe3: {  	[hbm4b:s14+s3] =	stream.linear.scatter [tilespmem:s11], [sflag:$0x5], $0x80, $0x38;
	[tilespmem:$0x19E00] =	vst v63  }
0xe4: {  	p1 =	sne.s32 s0, $0x31;
	s15 =	sadd.s32 $0x118A8, s1;
	s31 =	sadd.s32 $0x50, s7  }
0xe5: {  	[hbm4b:s31+s3] =	stream.linear.scatter [tilespmem:s15], [sflag:$0x5], $0x80, $0x38;
	[tilespmem:$0x19E00] =	vst v63  }
.Ltmp4:
0xe6: {  	_ = 	snop;
	(pc) =	sbr.rel @p1 .LBB2_12-.Ltmp4, $4  }
0xe7: {  	s11 =	sadd.s32 $0x11930, s1;
	s14 =	sadd.s32 $0x60, s7  }
0xe8: {  	[hbm4b:s14+s3] =	stream.linear.scatter [tilespmem:s11], [sflag:$0x5], $0x80, $0x38;
	[tilespmem:$0x19E00] =	vst v63  }
0xe9: {  	s15 =	sadd.s32 $0x119B8, s1;
	s31 =	sadd.s32 $0x70, s7  }
0xea: {  	[hbm4b:s31+s3] =	stream.linear.scatter [tilespmem:s15], [sflag:$0x5], $0x80, $0x38;
	[tilespmem:$0x19E00] =	vst v63  }
.Ltmp5:
0xeb: {  	(pc) =	sbr.rel .LBB2_13-.Ltmp5, $4  }
0xec: {  	_ = 	snop  }
0xed: {  	_ =	swait.ge [sflag:s21], $0x2000  }
0xee: {  	[sflag:s21] =	ssyncset.done $0x0  }
0xef: {  	[sflag:s21] =	ssyncadd.s32 $0xFFFFE000  }
.LBB2_12:
.Ltmp6:
0xf0: {  	s1 =	sadd.s32 $0x200, s16;
	s7 =	simm.s32 $0x9600;
	(pc) =	sbr.rel @p0 .LBB2_14-.Ltmp6, $4  }
0xf1: {  	[tilespmem:s7], [sflag:$0x1] =	stream.indirect.gather [hbm4b:s5+s13], $0x40, s1, s13, $0xb8;
	[tilespmem:$0x19E00] =	vst v63  }
0xf2: {  	_ =	swait.ge [sflag:s21], $0x2000  }
0xf3: {  	[sflag:s21] =	ssyncset.done $0x0  }
0xf4: {  	[sflag:s21] =	ssyncadd.s32 $0xFFFFE000  }
.LBB2_13:
0xf5: {  	_ =	swait.ge [sflag:s22], $0x2000  }
0xf6: {  	[sflag:s22] =	ssyncset.done $0x0  }
0xf7: {  	[sflag:s22] =	ssyncadd.s32 $0xFFFFE000  }
.LBB2_14:
0xf8: {  	s1 =	sor.u32 $0x1, s6  }
0xf9: {  	s7 =	sadd.s32 s4, s1  }
0xfa: {  	s31 =	simm.s32 $0xB6F0;
	s1 =	sshll.u32 s7, $0x1  }
0xfb: {  	s10 =	simm.s32 $0x3;
	v7 =	vld [tilespmem:s31+$0xFFFFFFD0];
	s1 =	sand.u32 $0x3FFFFFC0, s1  }
0xfc: {  	v4 =	vmov s10;
	v9 =	vld [tilespmem:s1+$0x6400]  }
0xfd: {  	v13 =	vand.u32 $0x7F, v4  }
0xfe: {  	s14 =	simm.s32 $0x0;
	v10 =	vld [tilespmem:s31+$0xFFFFFF10];
	v8 =	vadd.s32 v0, v13  }
0xff: {  	s15 =	simm.s32 $0x1;
	s11 =	simm.s32 $0x2;
	v11 =	vld [tilespmem:s31+$0xFFFFFF50];
	v4 =	vmov s14  }
0x100: {  	v14 =	vmov s11;
	v16 =	vld [tilespmem:s31+$0xFFFFFF90];
	v12 =	vand.u32 $0x7C, v4;
	v4 =	vmov s15  }
0x101: {  	v6 =	vld [tilespmem:s1+$0x6410];
	v15 =	vadd.s32 v0, v12;
	v19 =	vand.u32 $0x7D, v4;
	v7 =	vadd.f32 v7, v9  }
0x102: {  	v20 =	vand.u32 $0x7E, v14;
	v5 =	vld [tilespmem:s1+$0x6420];
	v17 =	vadd.s32 v0, v19  }
0x103: {  	v14 =	vadd.s32 v0, v20;
	v4 =	vld [tilespmem:s1+$0x6430];
	[tilespmem:v8+s23+$0x0] =	vst.idx.msk $0xffff, v7  }
0x104: {  	v7 =	vadd.f32 v10, v9;
	v8 =	vld [tilespmem:s31+$0xFFFFFFE0]  }
0x105: {  	v10 =	vadd.f32 v11, v9  }
0x106: {  	v11 =	vadd.s32 v1, v13;
	[tilespmem:v15+s23+$0x0] =	vst.idx.msk $0xffff, v7;
	v7 =	vadd.f32 v16, v9  }
0x107: {  	[tilespmem:v17+s23+$0x0] =	vst.idx.msk $0xffff, v10;
	v15 =	vld [tilespmem:s31+$0xFFFFFF20]  }
0x108: {  	v10 =	vld [tilespmem:s31+$0xFFFFFF60];
	[tilespmem:v14+s23+$0x0] =	vst.idx.msk $0xffff, v7  }
0x109: {  	v14 =	vld [tilespmem:s31+$0xFFFFFFA0];
	v7 =	vadd.f32 v8, v6  }
0x10a: {  	s10 =	simm.s32 $0xB7F0;
	s15 =	simm.s32 $0x7;
	v16 =	vadd.s32 v1, v19  }
0x10b: {  	s14 =	simm.s32 $0x4;
	v18 =	vld [tilespmem:s10+$0xFFFFFFD0];
	v26 =	vadd.s32 v2, v13;
	v17 =	vadd.s32 v1, v20;
	[tilespmem:v11+s23+$0x0] =	vst.idx.msk $0xffff, v7;
	v7 =	vmov s15  }
0x10c: {  	v21 =	vadd.s32 v1, v12;
	v8 =	vmov s14;
	v7 =	vand.u32 $0x7F, v7;
	v22 =	vld [tilespmem:s31+$0xFFFFFFF0]  }
0x10d: {  	v23 =	vld [tilespmem:s10+$0xFFFFFF10];
	s14 =	simm.s32 $0x5;
	v8 =	vand.u32 $0x7C, v8;
	v10 =	vadd.f32 v10, v6;
	v24 =	vadd.s32 v0, v7  }
0x10e: {  	v25 =	vld [tilespmem:s10+$0xFFFFFF50];
	v15 =	vadd.f32 v15, v6;
	s15 =	simm.s32 $0x6;
	v11 =	vadd.f32 v14, v6;
	v14 =	vmov s14  }
0x10f: {  	v27 =	vadd.s32 v0, v8;
	[tilespmem:v16+s23+$0x0] =	vst.idx.msk $0xffff, v10;
	v16 =	vmov s15;
	v10 =	vand.u32 $0x7D, v14;
	v14 =	vld [tilespmem:s10+$0xFFFFFF90]  }
0x110: {  	[tilespmem:v17+s23+$0x0] =	vst.idx.msk $0xffff, v11;
	v17 =	vadd.s32 v0, v10;
	v11 =	vand.u32 $0x7E, v16;
	v16 =	vadd.f32 v18, v9;
	v18 =	vld [tilespmem:s31+$0xFFFFFF70]  }
0x111: {  	[tilespmem:v21+s23+$0x0] =	vst.idx.msk $0xffff, v15;
	v15 =	vadd.s32 v0, v11;
	v21 =	vld [tilespmem:s31+$0xFFFFFFB0];
	v22 =	vadd.f32 v22, v5  }
0x112: {  	v23 =	vadd.f32 v23, v9;
	[tilespmem:v24+s23+$0x0] =	vst.idx.msk $0xffff, v16;
	v16 =	vld [tilespmem:s31+$0xFFFFFF30];
	v24 =	vadd.s32 v2, v19  }
0x113: {  	v29 =	vadd.s32 v2, v20;
	v25 =	vadd.f32 v25, v9;
	v28 =	vld [tilespmem:s10+$0xFFFFFFE0];
	[tilespmem:v26+s23+$0x0] =	vst.idx.msk $0xffff, v22  }
0x114: {  	[tilespmem:v27+s23+$0x0] =	vst.idx.msk $0xffff, v23;
	v23 =	vadd.s32 v2, v12;
	v14 =	vadd.f32 v14, v9;
	v26 =	vld [tilespmem:s31+$0x0]  }
0x115: {  	v27 =	vld [tilespmem:s10+$0xFFFFFF20];
	[tilespmem:v17+s23+$0x0] =	vst.idx.msk $0xffff, v25;
	v25 =	vadd.s32 v1, v7;
	v18 =	vadd.f32 v18, v5  }
0x116: {  	v31 =	vadd.s32 v3, v13;
	v30 =	vld [tilespmem:s10+$0xFFFFFF60];
	[tilespmem:v15+s23+$0x0] =	vst.idx.msk $0xffff, v14;
	v14 =	vadd.f32 v21, v5  }
0x117: {  	v22 =	vadd.s32 v1, v8;
	v17 =	vld [tilespmem:s10+$0xFFFFFFA0];
	v13 =	vadd.f32 v16, v5;
	[tilespmem:v24+s23+$0x0] =	vst.idx.msk $0xffff, v18  }
0x118: {  	s1 =	simm.s32 $0x8;
	v21 =	vadd.s32 v1, v10;
	[tilespmem:v29+s23+$0x0] =	vst.idx.msk $0xffff, v14;
	v18 =	vadd.f32 v28, v6;
	v16 =	vld [tilespmem:s31+$0xFFFFFF80]  }
0x119: {  	v24 =	vmov s1;
	v14 =	vadd.s32 v1, v11;
	v15 =	vld [tilespmem:s31+$0xFFFFFFC0];
	[tilespmem:v23+s23+$0x0] =	vst.idx.msk $0xffff, v13;
	v63 =	vadd.f32 v26, v4  }
0x11a: {  	s11 =	simm.s32 $0xB8F0;
	s14 =	simm.s32 $0xB;
	v19 =	vadd.s32 v3, v19;
	v13 =	vand.u32 $0x7C, v24;
	v24 =	vadd.f32 v27, v6;
	[tilespmem:v25+s23+$0x0] =	vst.idx.msk $0xffff, v18;
	v18 =	vld [tilespmem:s31+$0xFFFFFF40]  }
0x11b: {  	v20 =	vadd.s32 v3, v20;
	v26 =	vmov s14;
	v23 =	vld [tilespmem:s11+$0xFFFFFFD0];
	s14 =	simm.s32 $0xC;
	s31 =	sshrl.u32 s7, $0x5;
	v25 =	vadd.f32 v30, v6;
	[tilespmem:v31+s23+$0x0] =	vst.idx.msk $0xffff, v63  }
.LBB2_15:
0x11c: {  	p2 =	slt.u32 s14, $0x7C;
	s15 =	sadd.s32 $0x1, s1;
	v26 =	vand.u32 $0x7F, v26;
	[tilespmem:v22+s23+$0x0] =	vst.idx.msk $0xffff, v24;
	v17 =	vadd.f32 v17, v6;
	v22 =	vld [tilespmem:s10+$0xFFFFFFF0];
	v24 =	vadd.s32 v3, v12  }
0x11d: {  	v30 =	vmovc v11;
	v27 =	vld [tilespmem:s11+$0xFFFFFF10];
	v28 =	vmov s15;
	s15 =	sadd.s32 $0x2, s1;
	v29 =	vadd.s32 v0, v26;
	[tilespmem:v21+s23+$0x0] =	vst.idx.msk $0xffff, v25;
	v16 =	vadd.f32 v16, v4;
	s1 =	smov.u32 s14  }
0x11e: {  	v12 =	vmovc v8;
	v21 =	vld [tilespmem:s11+$0xFFFFFF50];
	v11 =	vmov s15;
	[tilespmem:v14+s23+$0x0] =	vst.idx.msk $0xffff, v17;
	v14 =	vadd.s32 v2, v7;
	v15 =	vadd.f32 v15, v4  }
0x11f: {  	v17 =	vadd.s32 v0, v13;
	v28 =	vand.u32 $0x7D, v28;
	v25 =	vld [tilespmem:s11+$0xFFFFFF90];
	v31 =	vadd.f32 v18, v4;
	[tilespmem:v19+s23+$0x0] =	vst.idx.msk $0xffff, v16  }
0x120: {  	v16 =	vadd.s32 v0, v28;
	v11 =	vand.u32 $0x7E, v11;
	v18 =	vadd.f32 v23, v9;
	v19 =	vld [tilespmem:s10+$0xFFFFFF70];
	[tilespmem:v20+s23+$0x0] =	vst.idx.msk $0xffff, v15  }
0x121: {  	v8 =	vmov v13;
	v15 =	vadd.s32 v0, v11;
	v20 =	vld [tilespmem:s10+$0xFFFFFFB0];
	v22 =	vadd.f32 v22, v5;
	[tilespmem:v24+s23+$0x0] =	vst.idx.msk $0xffff, v31  }
0x122: {  	v23 =	vadd.s32 v2, v10;
	v13 =	vadd.f32 v27, v9;
	[tilespmem:v29+s23+$0x0] =	vst.idx.msk $0xffff, v18;
	v18 =	vld [tilespmem:s10+$0xFFFFFF30]  }
0x123: {  	v27 =	vadd.s32 v2, v30;
	v21 =	vadd.f32 v21, v9;
	v24 =	vld [tilespmem:s11+$0xFFFFFFE0];
	[tilespmem:v14+s23+$0x0] =	vst.idx.msk $0xffff, v22  }
0x124: {  	[tilespmem:v17+s23+$0x0] =	vst.idx.msk $0xffff, v13;
	v13 =	vadd.f32 v25, v9;
	v25 =	vadd.s32 v2, v12;
	v29 =	vld [tilespmem:s10+$0x0]  }
0x125: {  	v32 =	vadd.s32 v1, v26;
	v31 =	vld [tilespmem:s11+$0xFFFFFF20];
	[tilespmem:v16+s23+$0x0] =	vst.idx.msk $0xffff, v21;
	v14 =	vadd.f32 v19, v5  }
0x126: {  	v34 =	vadd.s32 v3, v7;
	v7 =	vmov v26;
	v33 =	vld [tilespmem:s11+$0xFFFFFF60];
	[tilespmem:v15+s23+$0x0] =	vst.idx.msk $0xffff, v13;
	v13 =	vadd.f32 v20, v5  }
.Ltmp7:
0x127: {  	v22 =	vadd.s32 v1, v8;
	v17 =	vld [tilespmem:s11+$0xFFFFFFA0];
	v15 =	vadd.f32 v18, v5;
	[tilespmem:v23+s23+$0x0] =	vst.idx.msk $0xffff, v14;
	(pc) =	sbr.rel @p2 .LBB2_15-.Ltmp7, $4  }
0x128: {  	v21 =	vadd.s32 v1, v28;
	v18 =	vadd.f32 v24, v6;
	v16 =	vld [tilespmem:s10+$0xFFFFFF80];
	[tilespmem:v27+s23+$0x0] =	vst.idx.msk $0xffff, v13  }
0x129: {  	v14 =	vadd.s32 v1, v11;
	v13 =	vmov s14;
	[tilespmem:v25+s23+$0x0] =	vst.idx.msk $0xffff, v15;
	v15 =	vld [tilespmem:s10+$0xFFFFFFC0];
	v27 =	vadd.f32 v29, v4  }
0x12a: {  	s15 =	sadd.s32 $0x3, s14;
	v19 =	vadd.s32 v3, v10;
	v13 =	vand.u32 $0x7C, v13;
	v24 =	vadd.f32 v31, v6;
	[tilespmem:v32+s23+$0x0] =	vst.idx.msk $0xffff, v18;
	v18 =	vld [tilespmem:s10+$0xFFFFFF40];
	s10 =	smov.u32 s11;
	s11 =	sadd.s32 $0x100, s11  }
0x12b: {  	v26 =	vmov s15;
	v10 =	vmovc v28;
	v20 =	vadd.s32 v3, v30;
	s14 =	sadd.s32 $0x4, s14;
	v23 =	vld [tilespmem:s11+$0xFFFFFFD0];
	v25 =	vadd.f32 v33, v6;
	[tilespmem:v34+s23+$0x0] =	vst.idx.msk $0xffff, v27  }
0x12c: {  	s14 =	sadd.s32 $0x1, s1  }
0x12d: {  	v26 =	vand.u32 $0x7F, v26;
	v28 =	vld [tilespmem:s11+$0xFFFFFF50];
	v27 =	vmov s14;
	s14 =	sadd.s32 $0x2, s1  }
0x12e: {  	v31 =	vld [tilespmem:s11+$0xFFFFFF90];
	v29 =	vadd.s32 v0, v26;
	v30 =	vmov s14;
	v27 =	vand.u32 $0x7D, v27  }
0x12f: {  	v32 =	vld [tilespmem:s11+$0xFFFFFF10];
	v33 =	vadd.s32 v0, v27;
	v30 =	vand.u32 $0x7E, v30  }
0x130: {  	v34 =	vadd.s32 v0, v30  }
0x131: {  	[tilespmem:v22+s23+$0x0] =	vst.idx.msk $0xffff, v24;
	v44 =	vadd.s32 v0, v13;
	v23 =	vadd.f32 v23, v9  }
0x132: {  	[tilespmem:v21+s23+$0x0] =	vst.idx.msk $0xffff, v25;
	v45 =	vadd.f32 v28, v9  }
0x133: {  	v46 =	vadd.f32 v31, v9;
	[tilespmem:v29+s23+$0x0] =	vst.idx.msk $0xffff, v23  }
0x134: {  	v47 =	vadd.f32 v32, v9;
	v48 =	vld [tilespmem:s11+$0xFFFFFFE0];
	[tilespmem:v33+s23+$0x0] =	vst.idx.msk $0xffff, v45  }
0x135: {  	v17 =	vadd.f32 v17, v6;
	v12 =	vadd.s32 v3, v12;
	v21 =	vld [tilespmem:s11+$0xFFFFFF60];
	[tilespmem:v34+s23+$0x0] =	vst.idx.msk $0xffff, v46  }
0x136: {  	v16 =	vadd.f32 v16, v4;
	v49 =	vadd.s32 v1, v26;
	[tilespmem:v44+s23+$0x0] =	vst.idx.msk $0xffff, v47;
	v50 =	vld [tilespmem:s11+$0xFFFFFFA0]  }
0x137: {  	[tilespmem:v14+s23+$0x0] =	vst.idx.msk $0xffff, v17;
	v51 =	vadd.f32 v15, v4;
	v53 =	vadd.s32 v1, v27;
	v52 =	vld [tilespmem:s11+$0xFFFFFF20]  }
0x138: {  	v54 =	vld [tilespmem:s10+$0xFFFFFFF0];
	v18 =	vadd.f32 v18, v4;
	[tilespmem:v19+s23+$0x0] =	vst.idx.msk $0xffff, v16;
	v55 =	vadd.s32 v1, v30  }
0x139: {  	v57 =	vadd.s32 v1, v13;
	v60 =	vld [tilespmem:s10+$0xFFFFFFB0];
	[tilespmem:v20+s23+$0x0] =	vst.idx.msk $0xffff, v51;
	v58 =	vadd.f32 v48, v6  }
0x13a: {  	v59 =	vadd.s32 v2, v7;
	v56 =	vld [tilespmem:s10+$0xFFFFFF70];
	[tilespmem:v12+s23+$0x0] =	vst.idx.msk $0xffff, v18;
	v61 =	vadd.f32 v21, v6  }
0x13b: {  	v62 =	vld [tilespmem:s10+$0xFFFFFF30];
	v29 =	vadd.s32 v2, v11;
	[tilespmem:v49+s23+$0x0] =	vst.idx.msk $0xffff, v58;
	v28 =	vadd.f32 v50, v6  }
0x13c: {  	v63 =	vadd.s32 v2, v10;
	v31 =	vadd.f32 v52, v6;
	v32 =	vld [tilespmem:s11+$0xFFFFFFF0];
	[tilespmem:v53+s23+$0x0] =	vst.idx.msk $0xffff, v61  }
0x13d: {  	v33 =	vadd.f32 v54, v5;
	v34 =	vadd.s32 v2, v8;
	[tilespmem:v55+s23+$0x0] =	vst.idx.msk $0xffff, v28;
	v35 =	vld [tilespmem:s11+$0xFFFFFF70]  }
0x13e: {  	v37 =	vadd.s32 v2, v26;
	v39 =	vadd.f32 v60, v5;
	[tilespmem:v57+s23+$0x0] =	vst.idx.msk $0xffff, v31;
	v38 =	vld [tilespmem:s11+$0xFFFFFFB0]  }
0x13f: {  	v41 =	vadd.s32 v2, v27;
	v36 =	vadd.f32 v56, v5;
	[tilespmem:v59+s23+$0x0] =	vst.idx.msk $0xffff, v33;
	v40 =	vld [tilespmem:s11+$0xFFFFFF30]  }
0x140: {  	v43 =	vadd.s32 v2, v30;
	v18 =	vadd.f32 v62, v5;
	v42 =	vld [tilespmem:s10+$0x0];
	[tilespmem:v29+s23+$0x0] =	vst.idx.msk $0xffff, v39  }
0x141: {  	v45 =	vadd.s32 v2, v13;
	[tilespmem:v63+s23+$0x0] =	vst.idx.msk $0xffff, v36;
	v47 =	vld [tilespmem:s10+$0xFFFFFFC0];
	v44 =	vadd.f32 v32, v5  }
0x142: {  	v46 =	vadd.s32 v3, v7;
	v21 =	vld [tilespmem:s10+$0xFFFFFF80];
	[tilespmem:v34+s23+$0x0] =	vst.idx.msk $0xffff, v18;
	v9 =	vadd.f32 v35, v5  }
0x143: {  	v18 =	vld [tilespmem:s10+$0xFFFFFF40];
	v50 =	vadd.s32 v3, v11;
	[tilespmem:v37+s23+$0x0] =	vst.idx.msk $0xffff, v44;
	v49 =	vadd.f32 v38, v5  }
0x144: {  	v48 =	vadd.s32 v3, v10;
	v12 =	vld [tilespmem:s11+$0x0];
	v5 =	vadd.f32 v40, v5;
	[tilespmem:v41+s23+$0x0] =	vst.idx.msk $0xffff, v9  }
0x145: {  	v52 =	vadd.s32 v3, v8;
	v51 =	vadd.f32 v42, v4;
	v53 =	vld [tilespmem:s11+$0xFFFFFF80];
	[tilespmem:v43+s23+$0x0] =	vst.idx.msk $0xffff, v49  }
0x146: {  	v55 =	vadd.s32 v3, v26;
	v56 =	vadd.f32 v47, v4;
	[tilespmem:v45+s23+$0x0] =	vst.idx.msk $0xffff, v5;
	v5 =	vld [tilespmem:s11+$0xFFFFFFC0]  }
0x147: {  	v58 =	vadd.s32 v3, v27;
	[tilespmem:v46+s23+$0x0] =	vst.idx.msk $0xffff, v51;
	v54 =	vadd.f32 v21, v4;
	v57 =	vld [tilespmem:s11+$0xFFFFFF40]  }
0x148: {  	v60 =	vadd.s32 v3, v30;
	v59 =	vadd.f32 v18, v4;
	[tilespmem:v50+s23+$0x0] =	vst.idx.msk $0xffff, v56  }
0x149: {  	v62 =	vadd.s32 v3, v13;
	[tilespmem:v48+s23+$0x0] =	vst.idx.msk $0xffff, v54;
	v61 =	vadd.f32 v12, v4  }
0x14a: {  	[tilespmem:v52+s23+$0x0] =	vst.idx.msk $0xffff, v59;
	v63 =	vadd.f32 v53, v4  }
0x14b: {  	s15 =	sshll.u32 s7, $0x7;
	[tilespmem:v55+s23+$0x0] =	vst.idx.msk $0xffff, v61;
	v5 =	vadd.f32 v5, v4  }
0x14c: {  	s1 =	sand.u32 $0xE80, s15;
	v4 =	vadd.f32 v57, v4;
	[tilespmem:v58+s23+$0x0] =	vst.idx.msk $0xffff, v63  }
0x14d: {  	s31 =	sshll.u32 s31, $0xF;
	s1 =	sadd.s32 s2, s1;
	[tilespmem:v60+s23+$0x0] =	vst.idx.msk $0xffff, v5  }
0x14e: {  	s7 =	sadd.s32 s31, s1;
	s10 =	simm.s32 $0x13800;
	[tilespmem:v62+s23+$0x0] =	vst.idx.msk $0xffff, v4  }
0x14f: {  	[hbm4b:s7+s3] =	stream.linear.scatter [tilespmem:s10], [sflag:$0x6], $0x80, $0x38;
	[tilespmem:$0x19E00] =	vst v63  }
0x150: {  	s14 =	sadd.s32 $0x10, s7;
	s11 =	simm.s32 $0x13888  }
0x151: {  	[hbm4b:s14+s3] =	stream.linear.scatter [tilespmem:s11], [sflag:$0x6], $0x80, $0x38;
	[tilespmem:$0x19E00] =	vst v63  }
0x152: {  	s15 =	simm.s32 $0x13910;
	s1 =	simm.s32 $0x440;
	s31 =	sadd.s32 $0x20, s7  }
0x153: {  	[hbm4b:s31+s3] =	stream.linear.scatter [tilespmem:s15], [sflag:$0x6], $0x80, $0x38;
	[tilespmem:$0x19E00] =	vst v63  }
0x154: {  	s10 =	simm.s32 $0x2200;
	s11 =	simm.s32 $0x13998;
	s14 =	sadd.s32 $0x30, s7  }
0x155: {  	[hbm4b:s14+s3] =	stream.linear.scatter [tilespmem:s11], [sflag:$0x6], $0x80, $0x38;
	[tilespmem:$0x19E00] =	vst v63  }
0x156: {  	s15 =	simm.s32 $0x13A20;
	s31 =	sadd.s32 $0x40, s7;
	s11 =	simm.s32 $0x13AA8  }
0x157: {  	[hbm4b:s31+s3] =	stream.linear.scatter [tilespmem:s15], [sflag:$0x6], $0x80, $0x38;
	[tilespmem:$0x19E00] =	vst v63  }
0x158: {  	s14 =	sadd.s32 $0x50, s7;
	s15 =	simm.s32 $0x13B30;
	s31 =	sadd.s32 $0x60, s7  }
0x159: {  	[hbm4b:s14+s3] =	stream.linear.scatter [tilespmem:s11], [sflag:$0x6], $0x80, $0x38;
	[tilespmem:$0x19E00] =	vst v63  }
0x15a: {  	s11 =	simm.s32 $0x13BB8;
	s14 =	sadd.s32 $0x70, s7;
	s7 =	sadd.s32 $0x1000, s7  }
0x15b: {  	[hbm4b:s31+s3] =	stream.linear.scatter [tilespmem:s15], [sflag:$0x6], $0x80, $0x38;
	[tilespmem:$0x19E00] =	vst v63  }
.LBB2_17:
0x15c: {  	[hbm4b:s14+s3] =	stream.linear.scatter [tilespmem:s11], [sflag:$0x6], $0x80, $0x38;
	[tilespmem:$0x19E00] =	vst v63  }
0x15d: {  	s11 =	smov.u32 s1;
	s1 =	smov.u32 s10  }
0x15e: {  	s15 =	sadd.s32 $0x1100, s10;
	s1 =	sshra.s32 s1, $0x2;
	s14 =	sadd.s32 $0x13800, s11  }
0x15f: {  	[hbm4b:s7+s3] =	stream.linear.scatter [tilespmem:s14], [sflag:$0x6], $0x80, $0x38;
	[tilespmem:$0x19E00] =	vst v63  }
0x160: {  	p2 =	sne.s32 s10, $0x7700;
	s10 =	sadd.s32 $0x13888, s11;
	s14 =	sadd.s32 $0x10, s7  }
0x161: {  	[hbm4b:s14+s3] =	stream.linear.scatter [tilespmem:s10], [sflag:$0x6], $0x80, $0x38;
	[tilespmem:$0x19E00] =	vst v63  }
0x162: {  	s10 =	sadd.s32 $0x13910, s11;
	s14 =	sadd.s32 $0x20, s7  }
0x163: {  	[hbm4b:s14+s3] =	stream.linear.scatter [tilespmem:s10], [sflag:$0x6], $0x80, $0x38;
	[tilespmem:$0x19E00] =	vst v63  }
0x164: {  	s10 =	sadd.s32 $0x13998, s11;
	s14 =	sadd.s32 $0x30, s7  }
0x165: {  	[hbm4b:s14+s3] =	stream.linear.scatter [tilespmem:s10], [sflag:$0x6], $0x80, $0x38;
	[tilespmem:$0x19E00] =	vst v63  }
0x166: {  	s10 =	sadd.s32 $0x13A20, s11;
	s14 =	sadd.s32 $0x40, s7  }
0x167: {  	[hbm4b:s14+s3] =	stream.linear.scatter [tilespmem:s10], [sflag:$0x6], $0x80, $0x38;
	[tilespmem:$0x19E00] =	vst v63  }
.Ltmp8:
0x168: {  	s10 =	sadd.s32 $0x13AA8, s11;
	s14 =	sadd.s32 $0x50, s7;
	(pc) =	sbr.rel @p2 .LBB2_17-.Ltmp8, $4  }
0x169: {  	[hbm4b:s14+s3] =	stream.linear.scatter [tilespmem:s10], [sflag:$0x6], $0x80, $0x38;
	[tilespmem:$0x19E00] =	vst v63  }
0x16a: {  	s10 =	sadd.s32 $0x13B30, s11;
	s14 =	sadd.s32 $0x60, s7;
	s11 =	sadd.s32 $0x13BB8, s11  }
0x16b: {  	[hbm4b:s14+s3] =	stream.linear.scatter [tilespmem:s10], [sflag:$0x6], $0x80, $0x38;
	[tilespmem:$0x19E00] =	vst v63  }
0x16c: {  	s14 =	sadd.s32 $0x70, s7;
	s7 =	sadd.s32 $0x1000, s7;
	s10 =	smov.u32 s15  }
0x16d: {  	[hbm4b:s14+s3] =	stream.linear.scatter [tilespmem:s11], [sflag:$0x6], $0x80, $0x38;
	[tilespmem:$0x19E00] =	vst v63  }
0x16e: {  	s10 =	sadd.s32 $0x13800, s1  }
0x16f: {  	[hbm4b:s7+s3] =	stream.linear.scatter [tilespmem:s10], [sflag:$0x6], $0x80, $0x38;
	[tilespmem:$0x19E00] =	vst v63  }
0x170: {  	s15 =	sadd.s32 $0x13888, s1;
	s31 =	sadd.s32 $0x10, s7  }
0x171: {  	[hbm4b:s31+s3] =	stream.linear.scatter [tilespmem:s15], [sflag:$0x6], $0x80, $0x38;
	[tilespmem:$0x19E00] =	vst v63  }
0x172: {  	s11 =	sadd.s32 $0x13910, s1;
	s14 =	sadd.s32 $0x20, s7  }
0x173: {  	[hbm4b:s14+s3] =	stream.linear.scatter [tilespmem:s11], [sflag:$0x6], $0x80, $0x38;
	[tilespmem:$0x19E00] =	vst v63  }
0x174: {  	s15 =	sadd.s32 $0x13998, s1;
	s31 =	sadd.s32 $0x30, s7  }
0x175: {  	[hbm4b:s31+s3] =	stream.linear.scatter [tilespmem:s15], [sflag:$0x6], $0x80, $0x38;
	[tilespmem:$0x19E00] =	vst v63  }
0x176: {  	s11 =	sadd.s32 $0x13A20, s1;
	s14 =	sadd.s32 $0x40, s7  }
0x177: {  	[hbm4b:s14+s3] =	stream.linear.scatter [tilespmem:s11], [sflag:$0x6], $0x80, $0x38;
	[tilespmem:$0x19E00] =	vst v63  }
0x178: {  	s15 =	sadd.s32 $0x13AA8, s1;
	s31 =	sadd.s32 $0x50, s7  }
0x179: {  	[hbm4b:s31+s3] =	stream.linear.scatter [tilespmem:s15], [sflag:$0x6], $0x80, $0x38;
	[tilespmem:$0x19E00] =	vst v63  }
.Ltmp9:
0x17a: {  	_ = 	snop;
	(pc) =	sbr.rel @p1 .LBB2_20-.Ltmp9, $4  }
0x17b: {  	s11 =	sadd.s32 $0x13B30, s1;
	s14 =	sadd.s32 $0x60, s7  }
0x17c: {  	[hbm4b:s14+s3] =	stream.linear.scatter [tilespmem:s11], [sflag:$0x6], $0x80, $0x38;
	[tilespmem:$0x19E00] =	vst v63  }
0x17d: {  	s15 =	sadd.s32 $0x13BB8, s1;
	s31 =	sadd.s32 $0x70, s7  }
0x17e: {  	[hbm4b:s31+s3] =	stream.linear.scatter [tilespmem:s15], [sflag:$0x6], $0x80, $0x38;
	[tilespmem:$0x19E00] =	vst v63  }
.Ltmp10:
0x17f: {  	(pc) =	sbr.rel .LBB2_21-.Ltmp10, $4  }
0x180: {  	_ = 	snop  }
0x181: {  	_ =	swait.ge [sflag:s24], $0x2000  }
0x182: {  	[sflag:s24] =	ssyncset.done $0x0  }
0x183: {  	[sflag:s24] =	ssyncadd.s32 $0xFFFFE000  }
.LBB2_20:
.Ltmp11:
0x184: {  	s1 =	sadd.s32 $0x280, s16;
	s7 =	simm.s32 $0xB600;
	(pc) =	sbr.rel @p0 .LBB2_22-.Ltmp11, $4  }
0x185: {  	[tilespmem:s7], [sflag:$0x2] =	stream.indirect.gather [hbm4b:s5+s13], $0x40, s1, s13, $0xb8;
	[tilespmem:$0x19E00] =	vst v63  }
0x186: {  	_ =	swait.ge [sflag:s24], $0x2000  }
0x187: {  	[sflag:s24] =	ssyncset.done $0x0  }
0x188: {  	[sflag:s24] =	ssyncadd.s32 $0xFFFFE000  }
.LBB2_21:
0x189: {  	_ =	swait.ge [sflag:s25], $0x2000  }
0x18a: {  	[sflag:s25] =	ssyncset.done $0x0  }
0x18b: {  	[sflag:s25] =	ssyncadd.s32 $0xFFFFE000  }
.LBB2_22:
0x18c: {  	s1 =	sor.u32 $0x2, s6  }
0x18d: {  	s6 =	sadd.s32 s4, s1  }
0x18e: {  	s10 =	simm.s32 $0xD6F0;
	s1 =	sshll.u32 s6, $0x1  }
0x18f: {  	s7 =	simm.s32 $0x3;
	v7 =	vld [tilespmem:s10+$0xFFFFFFD0];
	s1 =	sand.u32 $0x3FFFFFC0, s1  }
0x190: {  	v4 =	vmov s7;
	v9 =	vld [tilespmem:s1+$0x6400]  }
0x191: {  	v13 =	vand.u32 $0x7F, v4  }
0x192: {  	s15 =	simm.s32 $0x0;
	v10 =	vld [tilespmem:s10+$0xFFFFFF10];
	v8 =	vadd.s32 v0, v13  }
0x193: {  	s31 =	simm.s32 $0x1;
	s11 =	simm.s32 $0x2;
	v11 =	vld [tilespmem:s10+$0xFFFFFF50];
	v4 =	vmov s15  }
0x194: {  	v14 =	vmov s11;
	v16 =	vld [tilespmem:s10+$0xFFFFFF90];
	v12 =	vand.u32 $0x7C, v4;
	v4 =	vmov s31  }
0x195: {  	v6 =	vld [tilespmem:s1+$0x6410];
	v15 =	vadd.s32 v0, v12;
	v19 =	vand.u32 $0x7D, v4;
	v7 =	vadd.f32 v7, v9  }
0x196: {  	v20 =	vand.u32 $0x7E, v14;
	v5 =	vld [tilespmem:s1+$0x6420];
	v17 =	vadd.s32 v0, v19  }
0x197: {  	v14 =	vadd.s32 v0, v20;
	v4 =	vld [tilespmem:s1+$0x6430];
	[tilespmem:v8+s26+$0x0] =	vst.idx.msk $0xffff, v7  }
0x198: {  	v7 =	vadd.f32 v10, v9;
	v8 =	vld [tilespmem:s10+$0xFFFFFFE0]  }
0x199: {  	v10 =	vadd.f32 v11, v9  }
0x19a: {  	v11 =	vadd.s32 v1, v13;
	[tilespmem:v15+s26+$0x0] =	vst.idx.msk $0xffff, v7;
	v7 =	vadd.f32 v16, v9  }
0x19b: {  	[tilespmem:v17+s26+$0x0] =	vst.idx.msk $0xffff, v10;
	v15 =	vld [tilespmem:s10+$0xFFFFFF20]  }
0x19c: {  	v10 =	vld [tilespmem:s10+$0xFFFFFF60];
	[tilespmem:v14+s26+$0x0] =	vst.idx.msk $0xffff, v7  }
0x19d: {  	v14 =	vld [tilespmem:s10+$0xFFFFFFA0];
	v7 =	vadd.f32 v8, v6  }
0x19e: {  	s14 =	simm.s32 $0x7;
	s7 =	simm.s32 $0xD7F0;
	v16 =	vadd.s32 v1, v19  }
0x19f: {  	s11 =	simm.s32 $0x4;
	v18 =	vld [tilespmem:s7+$0xFFFFFFD0];
	v26 =	vadd.s32 v2, v13;
	v17 =	vadd.s32 v1, v20;
	[tilespmem:v11+s26+$0x0] =	vst.idx.msk $0xffff, v7;
	v7 =	vmov s14  }
0x1a0: {  	v21 =	vadd.s32 v1, v12;
	v8 =	vmov s11;
	v7 =	vand.u32 $0x7F, v7;
	v22 =	vld [tilespmem:s10+$0xFFFFFFF0]  }
0x1a1: {  	s15 =	simm.s32 $0x5;
	v23 =	vld [tilespmem:s7+$0xFFFFFF10];
	v8 =	vand.u32 $0x7C, v8;
	v10 =	vadd.f32 v10, v6;
	v24 =	vadd.s32 v0, v7  }
0x1a2: {  	v25 =	vld [tilespmem:s7+$0xFFFFFF50];
	s31 =	simm.s32 $0x6;
	v15 =	vadd.f32 v15, v6;
	v11 =	vadd.f32 v14, v6;
	v14 =	vmov s15  }
0x1a3: {  	v27 =	vadd.s32 v0, v8;
	[tilespmem:v16+s26+$0x0] =	vst.idx.msk $0xffff, v10;
	v16 =	vmov s31;
	v10 =	vand.u32 $0x7D, v14;
	v14 =	vld [tilespmem:s7+$0xFFFFFF90]  }
0x1a4: {  	[tilespmem:v17+s26+$0x0] =	vst.idx.msk $0xffff, v11;
	v17 =	vadd.s32 v0, v10;
	v11 =	vand.u32 $0x7E, v16;
	v16 =	vadd.f32 v18, v9;
	v18 =	vld [tilespmem:s10+$0xFFFFFF70]  }
0x1a5: {  	[tilespmem:v21+s26+$0x0] =	vst.idx.msk $0xffff, v15;
	v15 =	vadd.s32 v0, v11;
	v21 =	vld [tilespmem:s10+$0xFFFFFFB0];
	v22 =	vadd.f32 v22, v5  }
0x1a6: {  	v23 =	vadd.f32 v23, v9;
	[tilespmem:v24+s26+$0x0] =	vst.idx.msk $0xffff, v16;
	v16 =	vld [tilespmem:s10+$0xFFFFFF30];
	v24 =	vadd.s32 v2, v19  }
0x1a7: {  	v29 =	vadd.s32 v2, v20;
	v25 =	vadd.f32 v25, v9;
	v28 =	vld [tilespmem:s7+$0xFFFFFFE0];
	[tilespmem:v26+s26+$0x0] =	vst.idx.msk $0xffff, v22  }
0x1a8: {  	[tilespmem:v27+s26+$0x0] =	vst.idx.msk $0xffff, v23;
	v23 =	vadd.s32 v2, v12;
	v14 =	vadd.f32 v14, v9;
	v26 =	vld [tilespmem:s10+$0x0]  }
0x1a9: {  	v27 =	vld [tilespmem:s7+$0xFFFFFF20];
	[tilespmem:v17+s26+$0x0] =	vst.idx.msk $0xffff, v25;
	v25 =	vadd.s32 v1, v7;
	v18 =	vadd.f32 v18, v5  }
0x1aa: {  	v31 =	vadd.s32 v3, v13;
	v30 =	vld [tilespmem:s7+$0xFFFFFF60];
	[tilespmem:v15+s26+$0x0] =	vst.idx.msk $0xffff, v14;
	v14 =	vadd.f32 v21, v5  }
0x1ab: {  	v22 =	vadd.s32 v1, v8;
	v17 =	vld [tilespmem:s7+$0xFFFFFFA0];
	v13 =	vadd.f32 v16, v5;
	[tilespmem:v24+s26+$0x0] =	vst.idx.msk $0xffff, v18  }
0x1ac: {  	s1 =	simm.s32 $0x8;
	v21 =	vadd.s32 v1, v10;
	[tilespmem:v29+s26+$0x0] =	vst.idx.msk $0xffff, v14;
	v18 =	vadd.f32 v28, v6;
	v16 =	vld [tilespmem:s10+$0xFFFFFF80]  }
0x1ad: {  	v24 =	vmov s1;
	v14 =	vadd.s32 v1, v11;
	v15 =	vld [tilespmem:s10+$0xFFFFFFC0];
	[tilespmem:v23+s26+$0x0] =	vst.idx.msk $0xffff, v13;
	v63 =	vadd.f32 v26, v4  }
0x1ae: {  	s11 =	simm.s32 $0xD8F0;
	s14 =	simm.s32 $0xB;
	v19 =	vadd.s32 v3, v19;
	v13 =	vand.u32 $0x7C, v24;
	v24 =	vadd.f32 v27, v6;
	[tilespmem:v25+s26+$0x0] =	vst.idx.msk $0xffff, v18;
	v18 =	vld [tilespmem:s10+$0xFFFFFF40]  }
0x1af: {  	v20 =	vadd.s32 v3, v20;
	v26 =	vmov s14;
	v23 =	vld [tilespmem:s11+$0xFFFFFFD0];
	s14 =	simm.s32 $0xC;
	s10 =	sshrl.u32 s6, $0x5;
	v25 =	vadd.f32 v30, v6;
	[tilespmem:v31+s26+$0x0] =	vst.idx.msk $0xffff, v63  }
.LBB2_23:
0x1b0: {  	p2 =	slt.u32 s14, $0x7C;
	s15 =	sadd.s32 $0x1, s1;
	v26 =	vand.u32 $0x7F, v26;
	[tilespmem:v22+s26+$0x0] =	vst.idx.msk $0xffff, v24;
	v17 =	vadd.f32 v17, v6;
	v22 =	vld [tilespmem:s7+$0xFFFFFFF0];
	v24 =	vadd.s32 v3, v12  }
0x1b1: {  	v30 =	vmovc v11;
	v27 =	vld [tilespmem:s11+$0xFFFFFF10];
	v28 =	vmov s15;
	s15 =	sadd.s32 $0x2, s1;
	v29 =	vadd.s32 v0, v26;
	[tilespmem:v21+s26+$0x0] =	vst.idx.msk $0xffff, v25;
	v16 =	vadd.f32 v16, v4;
	s1 =	smov.u32 s14  }
0x1b2: {  	v12 =	vmovc v8;
	v21 =	vld [tilespmem:s11+$0xFFFFFF50];
	v11 =	vmov s15;
	[tilespmem:v14+s26+$0x0] =	vst.idx.msk $0xffff, v17;
	v14 =	vadd.s32 v2, v7;
	v15 =	vadd.f32 v15, v4  }
0x1b3: {  	v17 =	vadd.s32 v0, v13;
	v28 =	vand.u32 $0x7D, v28;
	v25 =	vld [tilespmem:s11+$0xFFFFFF90];
	v31 =	vadd.f32 v18, v4;
	[tilespmem:v19+s26+$0x0] =	vst.idx.msk $0xffff, v16  }
0x1b4: {  	v16 =	vadd.s32 v0, v28;
	v11 =	vand.u32 $0x7E, v11;
	v18 =	vadd.f32 v23, v9;
	v19 =	vld [tilespmem:s7+$0xFFFFFF70];
	[tilespmem:v20+s26+$0x0] =	vst.idx.msk $0xffff, v15  }
0x1b5: {  	v8 =	vmov v13;
	v15 =	vadd.s32 v0, v11;
	v20 =	vld [tilespmem:s7+$0xFFFFFFB0];
	v22 =	vadd.f32 v22, v5;
	[tilespmem:v24+s26+$0x0] =	vst.idx.msk $0xffff, v31  }
0x1b6: {  	v23 =	vadd.s32 v2, v10;
	v13 =	vadd.f32 v27, v9;
	[tilespmem:v29+s26+$0x0] =	vst.idx.msk $0xffff, v18;
	v18 =	vld [tilespmem:s7+$0xFFFFFF30]  }
0x1b7: {  	v27 =	vadd.s32 v2, v30;
	v21 =	vadd.f32 v21, v9;
	v24 =	vld [tilespmem:s11+$0xFFFFFFE0];
	[tilespmem:v14+s26+$0x0] =	vst.idx.msk $0xffff, v22  }
0x1b8: {  	[tilespmem:v17+s26+$0x0] =	vst.idx.msk $0xffff, v13;
	v13 =	vadd.f32 v25, v9;
	v25 =	vadd.s32 v2, v12;
	v29 =	vld [tilespmem:s7+$0x0]  }
0x1b9: {  	v32 =	vadd.s32 v1, v26;
	v31 =	vld [tilespmem:s11+$0xFFFFFF20];
	[tilespmem:v16+s26+$0x0] =	vst.idx.msk $0xffff, v21;
	v14 =	vadd.f32 v19, v5  }
0x1ba: {  	v34 =	vadd.s32 v3, v7;
	v7 =	vmov v26;
	v33 =	vld [tilespmem:s11+$0xFFFFFF60];
	[tilespmem:v15+s26+$0x0] =	vst.idx.msk $0xffff, v13;
	v13 =	vadd.f32 v20, v5  }
.Ltmp12:
0x1bb: {  	v22 =	vadd.s32 v1, v8;
	v17 =	vld [tilespmem:s11+$0xFFFFFFA0];
	v15 =	vadd.f32 v18, v5;
	[tilespmem:v23+s26+$0x0] =	vst.idx.msk $0xffff, v14;
	(pc) =	sbr.rel @p2 .LBB2_23-.Ltmp12, $4  }
0x1bc: {  	v21 =	vadd.s32 v1, v28;
	v18 =	vadd.f32 v24, v6;
	v16 =	vld [tilespmem:s7+$0xFFFFFF80];
	[tilespmem:v27+s26+$0x0] =	vst.idx.msk $0xffff, v13  }
0x1bd: {  	v14 =	vadd.s32 v1, v11;
	v13 =	vmov s14;
	[tilespmem:v25+s26+$0x0] =	vst.idx.msk $0xffff, v15;
	v15 =	vld [tilespmem:s7+$0xFFFFFFC0];
	v27 =	vadd.f32 v29, v4  }
0x1be: {  	s15 =	sadd.s32 $0x3, s14;
	v19 =	vadd.s32 v3, v10;
	v13 =	vand.u32 $0x7C, v13;
	v24 =	vadd.f32 v31, v6;
	[tilespmem:v32+s26+$0x0] =	vst.idx.msk $0xffff, v18;
	v18 =	vld [tilespmem:s7+$0xFFFFFF40];
	s7 =	smov.u32 s11;
	s11 =	sadd.s32 $0x100, s11  }
0x1bf: {  	v26 =	vmov s15;
	v10 =	vmovc v28;
	v20 =	vadd.s32 v3, v30;
	s14 =	sadd.s32 $0x4, s14;
	v23 =	vld [tilespmem:s11+$0xFFFFFFD0];
	v25 =	vadd.f32 v33, v6;
	[tilespmem:v34+s26+$0x0] =	vst.idx.msk $0xffff, v27  }
0x1c0: {  	s14 =	sadd.s32 $0x1, s1  }
0x1c1: {  	v26 =	vand.u32 $0x7F, v26;
	s31 =	sadd.s32 $0x2, s1;
	v28 =	vld [tilespmem:s11+$0xFFFFFF50];
	v27 =	vmov s14  }
0x1c2: {  	v31 =	vld [tilespmem:s11+$0xFFFFFF90];
	v29 =	vadd.s32 v0, v26;
	v30 =	vmov s31;
	v27 =	vand.u32 $0x7D, v27  }
0x1c3: {  	v32 =	vld [tilespmem:s11+$0xFFFFFF10];
	v30 =	vand.u32 $0x7E, v30;
	v33 =	vadd.s32 v0, v27  }
0x1c4: {  	v34 =	vadd.s32 v0, v30  }
0x1c5: {  	[tilespmem:v22+s26+$0x0] =	vst.idx.msk $0xffff, v24;
	v44 =	vadd.s32 v0, v13;
	v23 =	vadd.f32 v23, v9  }
0x1c6: {  	[tilespmem:v21+s26+$0x0] =	vst.idx.msk $0xffff, v25;
	v45 =	vadd.f32 v28, v9  }
0x1c7: {  	v46 =	vadd.f32 v31, v9;
	[tilespmem:v29+s26+$0x0] =	vst.idx.msk $0xffff, v23  }
0x1c8: {  	v47 =	vadd.f32 v32, v9;
	v48 =	vld [tilespmem:s11+$0xFFFFFFE0];
	[tilespmem:v33+s26+$0x0] =	vst.idx.msk $0xffff, v45  }
0x1c9: {  	v17 =	vadd.f32 v17, v6;
	v12 =	vadd.s32 v3, v12;
	[tilespmem:v34+s26+$0x0] =	vst.idx.msk $0xffff, v46;
	v21 =	vld [tilespmem:s11+$0xFFFFFF60]  }
0x1ca: {  	v16 =	vadd.f32 v16, v4;
	v49 =	vadd.s32 v1, v26;
	[tilespmem:v44+s26+$0x0] =	vst.idx.msk $0xffff, v47;
	v50 =	vld [tilespmem:s11+$0xFFFFFFA0]  }
0x1cb: {  	[tilespmem:v14+s26+$0x0] =	vst.idx.msk $0xffff, v17;
	v51 =	vadd.f32 v15, v4;
	v53 =	vadd.s32 v1, v27;
	v52 =	vld [tilespmem:s11+$0xFFFFFF20]  }
0x1cc: {  	v54 =	vld [tilespmem:s7+$0xFFFFFFF0];
	v18 =	vadd.f32 v18, v4;
	[tilespmem:v19+s26+$0x0] =	vst.idx.msk $0xffff, v16;
	v55 =	vadd.s32 v1, v30  }
0x1cd: {  	v57 =	vadd.s32 v1, v13;
	v60 =	vld [tilespmem:s7+$0xFFFFFFB0];
	[tilespmem:v20+s26+$0x0] =	vst.idx.msk $0xffff, v51;
	v58 =	vadd.f32 v48, v6  }
0x1ce: {  	v59 =	vadd.s32 v2, v7;
	v56 =	vld [tilespmem:s7+$0xFFFFFF70];
	[tilespmem:v12+s26+$0x0] =	vst.idx.msk $0xffff, v18;
	v61 =	vadd.f32 v21, v6  }
0x1cf: {  	v62 =	vld [tilespmem:s7+$0xFFFFFF30];
	v29 =	vadd.s32 v2, v11;
	[tilespmem:v49+s26+$0x0] =	vst.idx.msk $0xffff, v58;
	v28 =	vadd.f32 v50, v6  }
0x1d0: {  	v63 =	vadd.s32 v2, v10;
	v31 =	vadd.f32 v52, v6;
	v32 =	vld [tilespmem:s11+$0xFFFFFFF0];
	[tilespmem:v53+s26+$0x0] =	vst.idx.msk $0xffff, v61  }
0x1d1: {  	v33 =	vadd.f32 v54, v5;
	v34 =	vadd.s32 v2, v8;
	[tilespmem:v55+s26+$0x0] =	vst.idx.msk $0xffff, v28;
	v35 =	vld [tilespmem:s11+$0xFFFFFF70]  }
0x1d2: {  	v37 =	vadd.s32 v2, v26;
	v39 =	vadd.f32 v60, v5;
	[tilespmem:v57+s26+$0x0] =	vst.idx.msk $0xffff, v31;
	v38 =	vld [tilespmem:s11+$0xFFFFFFB0]  }
0x1d3: {  	v41 =	vadd.s32 v2, v27;
	v36 =	vadd.f32 v56, v5;
	[tilespmem:v59+s26+$0x0] =	vst.idx.msk $0xffff, v33;
	v40 =	vld [tilespmem:s11+$0xFFFFFF30]  }
0x1d4: {  	v43 =	vadd.s32 v2, v30;
	v18 =	vadd.f32 v62, v5;
	v42 =	vld [tilespmem:s7+$0x0];
	[tilespmem:v29+s26+$0x0] =	vst.idx.msk $0xffff, v39  }
0x1d5: {  	v45 =	vadd.s32 v2, v13;
	[tilespmem:v63+s26+$0x0] =	vst.idx.msk $0xffff, v36;
	v47 =	vld [tilespmem:s7+$0xFFFFFFC0];
	v44 =	vadd.f32 v32, v5  }
0x1d6: {  	v46 =	vadd.s32 v3, v7;
	[tilespmem:v34+s26+$0x0] =	vst.idx.msk $0xffff, v18;
	v21 =	vld [tilespmem:s7+$0xFFFFFF80];
	v9 =	vadd.f32 v35, v5  }
0x1d7: {  	v18 =	vld [tilespmem:s7+$0xFFFFFF40];
	v50 =	vadd.s32 v3, v11;
	[tilespmem:v37+s26+$0x0] =	vst.idx.msk $0xffff, v44;
	v49 =	vadd.f32 v38, v5  }
0x1d8: {  	v48 =	vadd.s32 v3, v10;
	v5 =	vadd.f32 v40, v5;
	v12 =	vld [tilespmem:s11+$0x0];
	[tilespmem:v41+s26+$0x0] =	vst.idx.msk $0xffff, v9  }
0x1d9: {  	v52 =	vadd.s32 v3, v8;
	v51 =	vadd.f32 v42, v4;
	[tilespmem:v43+s26+$0x0] =	vst.idx.msk $0xffff, v49;
	v53 =	vld [tilespmem:s11+$0xFFFFFF80]  }
0x1da: {  	v55 =	vadd.s32 v3, v26;
	v56 =	vadd.f32 v47, v4;
	[tilespmem:v45+s26+$0x0] =	vst.idx.msk $0xffff, v5;
	v5 =	vld [tilespmem:s11+$0xFFFFFFC0]  }
0x1db: {  	v58 =	vadd.s32 v3, v27;
	[tilespmem:v46+s26+$0x0] =	vst.idx.msk $0xffff, v51;
	v54 =	vadd.f32 v21, v4;
	v57 =	vld [tilespmem:s11+$0xFFFFFF40]  }
0x1dc: {  	v60 =	vadd.s32 v3, v30;
	v59 =	vadd.f32 v18, v4;
	[tilespmem:v50+s26+$0x0] =	vst.idx.msk $0xffff, v56  }
0x1dd: {  	v62 =	vadd.s32 v3, v13;
	[tilespmem:v48+s26+$0x0] =	vst.idx.msk $0xffff, v54;
	v61 =	vadd.f32 v12, v4  }
0x1de: {  	[tilespmem:v52+s26+$0x0] =	vst.idx.msk $0xffff, v59;
	v63 =	vadd.f32 v53, v4  }
0x1df: {  	s14 =	sshll.u32 s6, $0x7;
	[tilespmem:v55+s26+$0x0] =	vst.idx.msk $0xffff, v61;
	v5 =	vadd.f32 v5, v4  }
0x1e0: {  	s1 =	sand.u32 $0xF00, s14;
	v4 =	vadd.f32 v57, v4;
	[tilespmem:v58+s26+$0x0] =	vst.idx.msk $0xffff, v63  }
0x1e1: {  	s15 =	sshll.u32 s10, $0xF;
	s1 =	sadd.s32 s2, s1;
	[tilespmem:v60+s26+$0x0] =	vst.idx.msk $0xffff, v5  }
0x1e2: {  	s31 =	simm.s32 $0x15A00;
	s6 =	sadd.s32 s15, s1;
	[tilespmem:v62+s26+$0x0] =	vst.idx.msk $0xffff, v4  }
0x1e3: {  	[hbm4b:s6+s3] =	stream.linear.scatter [tilespmem:s31], [sflag:$0x7], $0x80, $0x38;
	[tilespmem:$0x19E00] =	vst v63  }
0x1e4: {  	s10 =	sadd.s32 $0x10, s6;
	s7 =	simm.s32 $0x15A88  }
0x1e5: {  	[hbm4b:s10+s3] =	stream.linear.scatter [tilespmem:s7], [sflag:$0x7], $0x80, $0x38;
	[tilespmem:$0x19E00] =	vst v63  }
0x1e6: {  	s15 =	simm.s32 $0x15B98;
	s14 =	sadd.s32 $0x20, s6;
	s11 =	simm.s32 $0x15B10  }
0x1e7: {  	[hbm4b:s14+s3] =	stream.linear.scatter [tilespmem:s11], [sflag:$0x7], $0x80, $0x38;
	[tilespmem:$0x19E00] =	vst v63  }
0x1e8: {  	s1 =	simm.s32 $0x440;
	s31 =	sadd.s32 $0x30, s6;
	s7 =	simm.s32 $0x15C20  }
0x1e9: {  	[hbm4b:s31+s3] =	stream.linear.scatter [tilespmem:s15], [sflag:$0x7], $0x80, $0x38;
	[tilespmem:$0x19E00] =	vst v63  }
0x1ea: {  	s10 =	sadd.s32 $0x40, s6;
	s11 =	simm.s32 $0x15CA8;
	s14 =	sadd.s32 $0x50, s6  }
0x1eb: {  	[hbm4b:s10+s3] =	stream.linear.scatter [tilespmem:s7], [sflag:$0x7], $0x80, $0x38;
	[tilespmem:$0x19E00] =	vst v63  }
0x1ec: {  	s15 =	simm.s32 $0x15D30;
	s31 =	sadd.s32 $0x60, s6;
	s7 =	simm.s32 $0x2200  }
0x1ed: {  	[hbm4b:s14+s3] =	stream.linear.scatter [tilespmem:s11], [sflag:$0x7], $0x80, $0x38;
	[tilespmem:$0x19E00] =	vst v63  }
0x1ee: {  	s10 =	simm.s32 $0x15DB8;
	s11 =	sadd.s32 $0x70, s6;
	s6 =	sadd.s32 $0x1000, s6  }
0x1ef: {  	[hbm4b:s31+s3] =	stream.linear.scatter [tilespmem:s15], [sflag:$0x7], $0x80, $0x38;
	[tilespmem:$0x19E00] =	vst v63  }
.LBB2_25:
0x1f0: {  	[hbm4b:s11+s3] =	stream.linear.scatter [tilespmem:s10], [sflag:$0x7], $0x80, $0x38;
	[tilespmem:$0x19E00] =	vst v63  }
0x1f1: {  	s10 =	smov.u32 s1;
	s1 =	smov.u32 s7  }
0x1f2: {  	s14 =	sadd.s32 $0x1100, s7;
	s1 =	sshra.s32 s1, $0x2;
	s11 =	sadd.s32 $0x15A00, s10  }
0x1f3: {  	[hbm4b:s6+s3] =	stream.linear.scatter [tilespmem:s11], [sflag:$0x7], $0x80, $0x38;
	[tilespmem:$0x19E00] =	vst v63  }
0x1f4: {  	p2 =	sne.s32 s7, $0x7700;
	s7 =	sadd.s32 $0x15A88, s10;
	s11 =	sadd.s32 $0x10, s6  }
0x1f5: {  	[hbm4b:s11+s3] =	stream.linear.scatter [tilespmem:s7], [sflag:$0x7], $0x80, $0x38;
	[tilespmem:$0x19E00] =	vst v63  }
0x1f6: {  	s7 =	sadd.s32 $0x15B10, s10;
	s11 =	sadd.s32 $0x20, s6  }
0x1f7: {  	[hbm4b:s11+s3] =	stream.linear.scatter [tilespmem:s7], [sflag:$0x7], $0x80, $0x38;
	[tilespmem:$0x19E00] =	vst v63  }
0x1f8: {  	s7 =	sadd.s32 $0x15B98, s10;
	s11 =	sadd.s32 $0x30, s6  }
0x1f9: {  	[hbm4b:s11+s3] =	stream.linear.scatter [tilespmem:s7], [sflag:$0x7], $0x80, $0x38;
	[tilespmem:$0x19E00] =	vst v63  }
0x1fa: {  	s7 =	sadd.s32 $0x15C20, s10;
	s11 =	sadd.s32 $0x40, s6  }
0x1fb: {  	[hbm4b:s11+s3] =	stream.linear.scatter [tilespmem:s7], [sflag:$0x7], $0x80, $0x38;
	[tilespmem:$0x19E00] =	vst v63  }
.Ltmp13:
0x1fc: {  	s7 =	sadd.s32 $0x15CA8, s10;
	s11 =	sadd.s32 $0x50, s6;
	(pc) =	sbr.rel @p2 .LBB2_25-.Ltmp13, $4  }
0x1fd: {  	[hbm4b:s11+s3] =	stream.linear.scatter [tilespmem:s7], [sflag:$0x7], $0x80, $0x38;
	[tilespmem:$0x19E00] =	vst v63  }
0x1fe: {  	s7 =	sadd.s32 $0x15D30, s10;
	s11 =	sadd.s32 $0x60, s6;
	s10 =	sadd.s32 $0x15DB8, s10  }
0x1ff: {  	[hbm4b:s11+s3] =	stream.linear.scatter [tilespmem:s7], [sflag:$0x7], $0x80, $0x38;
	[tilespmem:$0x19E00] =	vst v63  }
0x200: {  	s11 =	sadd.s32 $0x70, s6;
	s6 =	sadd.s32 $0x1000, s6;
	s7 =	smov.u32 s14  }
0x201: {  	[hbm4b:s11+s3] =	stream.linear.scatter [tilespmem:s10], [sflag:$0x7], $0x80, $0x38;
	[tilespmem:$0x19E00] =	vst v63  }
0x202: {  	s7 =	sadd.s32 $0x15A00, s1  }
0x203: {  	[hbm4b:s6+s3] =	stream.linear.scatter [tilespmem:s7], [sflag:$0x7], $0x80, $0x38;
	[tilespmem:$0x19E00] =	vst v63  }
0x204: {  	s15 =	sadd.s32 $0x15A88, s1;
	s31 =	sadd.s32 $0x10, s6  }
0x205: {  	[hbm4b:s31+s3] =	stream.linear.scatter [tilespmem:s15], [sflag:$0x7], $0x80, $0x38;
	[tilespmem:$0x19E00] =	vst v63  }
0x206: {  	s11 =	sadd.s32 $0x15B10, s1;
	s14 =	sadd.s32 $0x20, s6  }
0x207: {  	[hbm4b:s14+s3] =	stream.linear.scatter [tilespmem:s11], [sflag:$0x7], $0x80, $0x38;
	[tilespmem:$0x19E00] =	vst v63  }
0x208: {  	s15 =	sadd.s32 $0x15B98, s1;
	s31 =	sadd.s32 $0x30, s6  }
0x209: {  	[hbm4b:s31+s3] =	stream.linear.scatter [tilespmem:s15], [sflag:$0x7], $0x80, $0x38;
	[tilespmem:$0x19E00] =	vst v63  }
0x20a: {  	s11 =	sadd.s32 $0x15C20, s1;
	s14 =	sadd.s32 $0x40, s6  }
0x20b: {  	[hbm4b:s14+s3] =	stream.linear.scatter [tilespmem:s11], [sflag:$0x7], $0x80, $0x38;
	[tilespmem:$0x19E00] =	vst v63  }
0x20c: {  	s15 =	sadd.s32 $0x15CA8, s1;
	s31 =	sadd.s32 $0x50, s6  }
0x20d: {  	[hbm4b:s31+s3] =	stream.linear.scatter [tilespmem:s15], [sflag:$0x7], $0x80, $0x38;
	[tilespmem:$0x19E00] =	vst v63  }
.Ltmp14:
0x20e: {  	_ = 	snop;
	(pc) =	sbr.rel @p1 .LBB2_28-.Ltmp14, $4  }
0x20f: {  	s11 =	sadd.s32 $0x15D30, s1;
	s14 =	sadd.s32 $0x60, s6  }
0x210: {  	[hbm4b:s14+s3] =	stream.linear.scatter [tilespmem:s11], [sflag:$0x7], $0x80, $0x38;
	[tilespmem:$0x19E00] =	vst v63  }
0x211: {  	s15 =	sadd.s32 $0x15DB8, s1;
	s31 =	sadd.s32 $0x70, s6  }
0x212: {  	[hbm4b:s31+s3] =	stream.linear.scatter [tilespmem:s15], [sflag:$0x7], $0x80, $0x38;
	[tilespmem:$0x19E00] =	vst v63  }
.Ltmp15:
0x213: {  	(pc) =	sbr.rel .LBB2_29-.Ltmp15, $4  }
0x214: {  	_ = 	snop  }
0x215: {  	_ =	swait.ge [sflag:s28], $0x2000  }
0x216: {  	[sflag:s28] =	ssyncset.done $0x0  }
0x217: {  	[sflag:s28] =	ssyncadd.s32 $0xFFFFE000  }
.LBB2_28:
.Ltmp16:
0x218: {  	s1 =	sadd.s32 $0x300, s16;
	(pc) =	sbr.rel @p0 .LBB2_30-.Ltmp16, $4  }
0x219: {  	[tilespmem:s17], [sflag:$0x3] =	stream.indirect.gather [hbm4b:s5+s13], $0x40, s1, s13, $0xb8;
	[tilespmem:$0x19E00] =	vst v63  }
0x21a: {  	_ =	swait.ge [sflag:s28], $0x2000  }
0x21b: {  	[sflag:s28] =	ssyncset.done $0x0  }
0x21c: {  	[sflag:s28] =	ssyncadd.s32 $0xFFFFE000  }
.LBB2_29:
0x21d: {  	_ =	swait.ge [sflag:s29], $0x2000  }
0x21e: {  	[sflag:s29] =	ssyncset.done $0x0  }
0x21f: {  	[sflag:s29] =	ssyncadd.s32 $0xFFFFE000  }
.LBB2_30:
0x220: {  	s1 =	sand.u32 $0x7FFFFFC0, s12  }
0x221: {  	s10 =	simm.s32 $0xF6F0;
	s6 =	simm.s32 $0x3;
	v9 =	vld [tilespmem:s1+$0x6400]  }
0x222: {  	v4 =	vmov s6;
	v7 =	vld [tilespmem:s10+$0xFFFFFFD0]  }
0x223: {  	v13 =	vand.u32 $0x7F, v4  }
0x224: {  	s11 =	simm.s32 $0x0;
	v6 =	vld [tilespmem:s1+$0x6410];
	v8 =	vadd.s32 v0, v13  }
0x225: {  	s12 =	simm.s32 $0x1;
	s7 =	simm.s32 $0x2;
	v10 =	vld [tilespmem:s10+$0xFFFFFF10];
	v4 =	vmov s11  }
0x226: {  	v11 =	vld [tilespmem:s10+$0xFFFFFF50];
	v14 =	vmov s7;
	v12 =	vand.u32 $0x7C, v4;
	v4 =	vmov s12  }
0x227: {  	v16 =	vld [tilespmem:s10+$0xFFFFFF90];
	v15 =	vadd.s32 v0, v12;
	v19 =	vand.u32 $0x7D, v4;
	v7 =	vadd.f32 v7, v9  }
0x228: {  	v5 =	vld [tilespmem:s1+$0x6420];
	v20 =	vand.u32 $0x7E, v14;
	v17 =	vadd.s32 v0, v19  }
0x229: {  	v14 =	vadd.s32 v0, v20;
	v4 =	vld [tilespmem:s1+$0x6430];
	[tilespmem:v8+s30+$0x0] =	vst.idx.msk $0xffff, v7  }
0x22a: {  	v7 =	vadd.f32 v10, v9;
	v8 =	vld [tilespmem:s10+$0xFFFFFFE0]  }
0x22b: {  	v10 =	vadd.f32 v11, v9  }
0x22c: {  	v11 =	vadd.s32 v1, v13;
	[tilespmem:v15+s30+$0x0] =	vst.idx.msk $0xffff, v7;
	v7 =	vadd.f32 v16, v9  }
0x22d: {  	[tilespmem:v17+s30+$0x0] =	vst.idx.msk $0xffff, v10;
	v15 =	vld [tilespmem:s10+$0xFFFFFF20]  }
0x22e: {  	v10 =	vld [tilespmem:s10+$0xFFFFFF60];
	[tilespmem:v14+s30+$0x0] =	vst.idx.msk $0xffff, v7  }
0x22f: {  	v14 =	vld [tilespmem:s10+$0xFFFFFFA0];
	v7 =	vadd.f32 v8, v6  }
0x230: {  	s15 =	simm.s32 $0x7;
	s6 =	simm.s32 $0xF7F0;
	v16 =	vadd.s32 v1, v19  }
0x231: {  	s14 =	simm.s32 $0x4;
	v18 =	vld [tilespmem:s6+$0xFFFFFFD0];
	v26 =	vadd.s32 v2, v13;
	v17 =	vadd.s32 v1, v20;
	[tilespmem:v11+s30+$0x0] =	vst.idx.msk $0xffff, v7;
	v7 =	vmov s15  }
0x232: {  	v21 =	vadd.s32 v1, v12;
	v8 =	vmov s14;
	v7 =	vand.u32 $0x7F, v7;
	v22 =	vld [tilespmem:s10+$0xFFFFFFF0]  }
0x233: {  	s16 =	simm.s32 $0x5;
	v23 =	vld [tilespmem:s6+$0xFFFFFF10];
	v8 =	vand.u32 $0x7C, v8;
	v10 =	vadd.f32 v10, v6;
	v24 =	vadd.s32 v0, v7  }
0x234: {  	s31 =	simm.s32 $0x6;
	v25 =	vld [tilespmem:s6+$0xFFFFFF50];
	v15 =	vadd.f32 v15, v6;
	v11 =	vadd.f32 v14, v6;
	v14 =	vmov s16  }
0x235: {  	v27 =	vadd.s32 v0, v8;
	[tilespmem:v16+s30+$0x0] =	vst.idx.msk $0xffff, v10;
	v16 =	vmov s31;
	v10 =	vand.u32 $0x7D, v14;
	v14 =	vld [tilespmem:s6+$0xFFFFFF90]  }
0x236: {  	[tilespmem:v17+s30+$0x0] =	vst.idx.msk $0xffff, v11;
	v17 =	vadd.s32 v0, v10;
	v11 =	vand.u32 $0x7E, v16;
	v16 =	vadd.f32 v18, v9;
	v18 =	vld [tilespmem:s10+$0xFFFFFF70]  }
0x237: {  	[tilespmem:v21+s30+$0x0] =	vst.idx.msk $0xffff, v15;
	v15 =	vadd.s32 v0, v11;
	v21 =	vld [tilespmem:s10+$0xFFFFFFB0];
	v22 =	vadd.f32 v22, v5  }
0x238: {  	v23 =	vadd.f32 v23, v9;
	[tilespmem:v24+s30+$0x0] =	vst.idx.msk $0xffff, v16;
	v16 =	vld [tilespmem:s10+$0xFFFFFF30];
	v24 =	vadd.s32 v2, v19  }
0x239: {  	v29 =	vadd.s32 v2, v20;
	v25 =	vadd.f32 v25, v9;
	v28 =	vld [tilespmem:s6+$0xFFFFFFE0];
	[tilespmem:v26+s30+$0x0] =	vst.idx.msk $0xffff, v22  }
0x23a: {  	[tilespmem:v27+s30+$0x0] =	vst.idx.msk $0xffff, v23;
	v23 =	vadd.s32 v2, v12;
	v14 =	vadd.f32 v14, v9;
	v26 =	vld [tilespmem:s10+$0x0]  }
0x23b: {  	v27 =	vld [tilespmem:s6+$0xFFFFFF20];
	[tilespmem:v17+s30+$0x0] =	vst.idx.msk $0xffff, v25;
	v25 =	vadd.s32 v1, v7;
	v18 =	vadd.f32 v18, v5  }
0x23c: {  	v31 =	vadd.s32 v3, v13;
	v30 =	vld [tilespmem:s6+$0xFFFFFF60];
	[tilespmem:v15+s30+$0x0] =	vst.idx.msk $0xffff, v14;
	v14 =	vadd.f32 v21, v5  }
0x23d: {  	v22 =	vadd.s32 v1, v8;
	v17 =	vld [tilespmem:s6+$0xFFFFFFA0];
	v13 =	vadd.f32 v16, v5;
	[tilespmem:v24+s30+$0x0] =	vst.idx.msk $0xffff, v18  }
0x23e: {  	s1 =	simm.s32 $0x8;
	v21 =	vadd.s32 v1, v10;
	[tilespmem:v29+s30+$0x0] =	vst.idx.msk $0xffff, v14;
	v18 =	vadd.f32 v28, v6;
	v16 =	vld [tilespmem:s10+$0xFFFFFF80]  }
0x23f: {  	v24 =	vmov s1;
	v14 =	vadd.s32 v1, v11;
	v15 =	vld [tilespmem:s10+$0xFFFFFFC0];
	[tilespmem:v23+s30+$0x0] =	vst.idx.msk $0xffff, v13;
	v63 =	vadd.f32 v26, v4  }
0x240: {  	s7 =	simm.s32 $0xF8F0;
	s11 =	simm.s32 $0xB;
	v19 =	vadd.s32 v3, v19;
	v13 =	vand.u32 $0x7C, v24;
	v24 =	vadd.f32 v27, v6;
	[tilespmem:v25+s30+$0x0] =	vst.idx.msk $0xffff, v18;
	v18 =	vld [tilespmem:s10+$0xFFFFFF40]  }
0x241: {  	v20 =	vadd.s32 v3, v20;
	v26 =	vmov s11;
	v23 =	vld [tilespmem:s7+$0xFFFFFFD0];
	s10 =	simm.s32 $0xC;
	v25 =	vadd.f32 v30, v6;
	[tilespmem:v31+s30+$0x0] =	vst.idx.msk $0xffff, v63  }
.LBB2_31:
0x242: {  	p0 =	slt.u32 s10, $0x7C;
	s11 =	sadd.s32 $0x1, s1;
	v26 =	vand.u32 $0x7F, v26;
	[tilespmem:v22+s30+$0x0] =	vst.idx.msk $0xffff, v24;
	v17 =	vadd.f32 v17, v6;
	v22 =	vld [tilespmem:s6+$0xFFFFFFF0];
	v24 =	vadd.s32 v3, v12  }
0x243: {  	v30 =	vmovc v11;
	v27 =	vld [tilespmem:s7+$0xFFFFFF10];
	v28 =	vmov s11;
	s11 =	sadd.s32 $0x2, s1;
	v29 =	vadd.s32 v0, v26;
	[tilespmem:v21+s30+$0x0] =	vst.idx.msk $0xffff, v25;
	v16 =	vadd.f32 v16, v4;
	s1 =	smov.u32 s10  }
0x244: {  	v12 =	vmovc v8;
	v21 =	vld [tilespmem:s7+$0xFFFFFF50];
	v11 =	vmov s11;
	[tilespmem:v14+s30+$0x0] =	vst.idx.msk $0xffff, v17;
	v14 =	vadd.s32 v2, v7;
	v15 =	vadd.f32 v15, v4  }
0x245: {  	v17 =	vadd.s32 v0, v13;
	v28 =	vand.u32 $0x7D, v28;
	v25 =	vld [tilespmem:s7+$0xFFFFFF90];
	v31 =	vadd.f32 v18, v4;
	[tilespmem:v19+s30+$0x0] =	vst.idx.msk $0xffff, v16  }
0x246: {  	v16 =	vadd.s32 v0, v28;
	v11 =	vand.u32 $0x7E, v11;
	v18 =	vadd.f32 v23, v9;
	v19 =	vld [tilespmem:s6+$0xFFFFFF70];
	[tilespmem:v20+s30+$0x0] =	vst.idx.msk $0xffff, v15  }
0x247: {  	v8 =	vmov v13;
	v15 =	vadd.s32 v0, v11;
	v20 =	vld [tilespmem:s6+$0xFFFFFFB0];
	v22 =	vadd.f32 v22, v5;
	[tilespmem:v24+s30+$0x0] =	vst.idx.msk $0xffff, v31  }
0x248: {  	v23 =	vadd.s32 v2, v10;
	v13 =	vadd.f32 v27, v9;
	[tilespmem:v29+s30+$0x0] =	vst.idx.msk $0xffff, v18;
	v18 =	vld [tilespmem:s6+$0xFFFFFF30]  }
0x249: {  	v27 =	vadd.s32 v2, v30;
	v21 =	vadd.f32 v21, v9;
	v24 =	vld [tilespmem:s7+$0xFFFFFFE0];
	[tilespmem:v14+s30+$0x0] =	vst.idx.msk $0xffff, v22  }
0x24a: {  	[tilespmem:v17+s30+$0x0] =	vst.idx.msk $0xffff, v13;
	v13 =	vadd.f32 v25, v9;
	v25 =	vadd.s32 v2, v12;
	v29 =	vld [tilespmem:s6+$0x0]  }
0x24b: {  	v32 =	vadd.s32 v1, v26;
	v31 =	vld [tilespmem:s7+$0xFFFFFF20];
	[tilespmem:v16+s30+$0x0] =	vst.idx.msk $0xffff, v21;
	v14 =	vadd.f32 v19, v5  }
0x24c: {  	v34 =	vadd.s32 v3, v7;
	v7 =	vmov v26;
	v33 =	vld [tilespmem:s7+$0xFFFFFF60];
	[tilespmem:v15+s30+$0x0] =	vst.idx.msk $0xffff, v13;
	v13 =	vadd.f32 v20, v5  }
.Ltmp17:
0x24d: {  	v22 =	vadd.s32 v1, v8;
	v17 =	vld [tilespmem:s7+$0xFFFFFFA0];
	v15 =	vadd.f32 v18, v5;
	[tilespmem:v23+s30+$0x0] =	vst.idx.msk $0xffff, v14;
	(pc) =	sbr.rel @p0 .LBB2_31-.Ltmp17, $4  }
0x24e: {  	v21 =	vadd.s32 v1, v28;
	v18 =	vadd.f32 v24, v6;
	v16 =	vld [tilespmem:s6+$0xFFFFFF80];
	[tilespmem:v27+s30+$0x0] =	vst.idx.msk $0xffff, v13  }
0x24f: {  	v14 =	vadd.s32 v1, v11;
	v13 =	vmov s10;
	[tilespmem:v25+s30+$0x0] =	vst.idx.msk $0xffff, v15;
	v15 =	vld [tilespmem:s6+$0xFFFFFFC0];
	v27 =	vadd.f32 v29, v4  }
0x250: {  	s11 =	sadd.s32 $0x3, s10;
	v19 =	vadd.s32 v3, v10;
	v13 =	vand.u32 $0x7C, v13;
	v24 =	vadd.f32 v31, v6;
	[tilespmem:v32+s30+$0x0] =	vst.idx.msk $0xffff, v18;
	v18 =	vld [tilespmem:s6+$0xFFFFFF40];
	s6 =	smov.u32 s7;
	s7 =	sadd.s32 $0x100, s7  }
0x251: {  	v26 =	vmov s11;
	v10 =	vmovc v28;
	v20 =	vadd.s32 v3, v30;
	s10 =	sadd.s32 $0x4, s10;
	v23 =	vld [tilespmem:s7+$0xFFFFFFD0];
	v25 =	vadd.f32 v33, v6;
	[tilespmem:v34+s30+$0x0] =	vst.idx.msk $0xffff, v27  }
0x252: {  	s10 =	sadd.s32 $0x1, s1  }
0x253: {  	v26 =	vand.u32 $0x7F, v26;
	s31 =	sadd.s32 $0x2, s1;
	v28 =	vld [tilespmem:s7+$0xFFFFFF50];
	v27 =	vmov s10  }
0x254: {  	v31 =	vld [tilespmem:s7+$0xFFFFFF90];
	v29 =	vadd.s32 v0, v26;
	v30 =	vmov s31;
	v27 =	vand.u32 $0x7D, v27  }
0x255: {  	v32 =	vld [tilespmem:s7+$0xFFFFFF10];
	v30 =	vand.u32 $0x7E, v30;
	v33 =	vadd.s32 v0, v27  }
0x256: {  	v34 =	vadd.s32 v0, v30  }
0x257: {  	[tilespmem:v22+s30+$0x0] =	vst.idx.msk $0xffff, v24;
	v44 =	vadd.s32 v0, v13;
	v23 =	vadd.f32 v23, v9  }
0x258: {  	[tilespmem:v21+s30+$0x0] =	vst.idx.msk $0xffff, v25;
	v45 =	vadd.f32 v28, v9  }
0x259: {  	v46 =	vadd.f32 v31, v9;
	[tilespmem:v29+s30+$0x0] =	vst.idx.msk $0xffff, v23  }
0x25a: {  	v47 =	vadd.f32 v32, v9;
	v48 =	vld [tilespmem:s7+$0xFFFFFFE0];
	[tilespmem:v33+s30+$0x0] =	vst.idx.msk $0xffff, v45  }
0x25b: {  	v17 =	vadd.f32 v17, v6;
	v12 =	vadd.s32 v3, v12;
	[tilespmem:v34+s30+$0x0] =	vst.idx.msk $0xffff, v46;
	v21 =	vld [tilespmem:s7+$0xFFFFFF60]  }
0x25c: {  	v16 =	vadd.f32 v16, v4;
	v49 =	vadd.s32 v1, v26;
	[tilespmem:v44+s30+$0x0] =	vst.idx.msk $0xffff, v47;
	v50 =	vld [tilespmem:s7+$0xFFFFFFA0]  }
0x25d: {  	[tilespmem:v14+s30+$0x0] =	vst.idx.msk $0xffff, v17;
	v51 =	vadd.f32 v15, v4;
	v53 =	vadd.s32 v1, v27;
	v52 =	vld [tilespmem:s7+$0xFFFFFF20]  }
0x25e: {  	v54 =	vld [tilespmem:s6+$0xFFFFFFF0];
	v18 =	vadd.f32 v18, v4;
	[tilespmem:v19+s30+$0x0] =	vst.idx.msk $0xffff, v16;
	v55 =	vadd.s32 v1, v30  }
0x25f: {  	v57 =	vadd.s32 v1, v13;
	v60 =	vld [tilespmem:s6+$0xFFFFFFB0];
	[tilespmem:v20+s30+$0x0] =	vst.idx.msk $0xffff, v51;
	v58 =	vadd.f32 v48, v6  }
0x260: {  	v59 =	vadd.s32 v2, v7;
	v56 =	vld [tilespmem:s6+$0xFFFFFF70];
	[tilespmem:v12+s30+$0x0] =	vst.idx.msk $0xffff, v18;
	v61 =	vadd.f32 v21, v6  }
0x261: {  	v62 =	vld [tilespmem:s6+$0xFFFFFF30];
	v29 =	vadd.s32 v2, v11;
	[tilespmem:v49+s30+$0x0] =	vst.idx.msk $0xffff, v58;
	v28 =	vadd.f32 v50, v6  }
0x262: {  	v63 =	vadd.s32 v2, v10;
	v31 =	vadd.f32 v52, v6;
	v32 =	vld [tilespmem:s7+$0xFFFFFFF0];
	[tilespmem:v53+s30+$0x0] =	vst.idx.msk $0xffff, v61  }
0x263: {  	v33 =	vadd.f32 v54, v5;
	v34 =	vadd.s32 v2, v8;
	[tilespmem:v55+s30+$0x0] =	vst.idx.msk $0xffff, v28;
	v35 =	vld [tilespmem:s7+$0xFFFFFF70]  }
0x264: {  	v37 =	vadd.s32 v2, v26;
	v39 =	vadd.f32 v60, v5;
	[tilespmem:v57+s30+$0x0] =	vst.idx.msk $0xffff, v31;
	v38 =	vld [tilespmem:s7+$0xFFFFFFB0]  }
0x265: {  	v41 =	vadd.s32 v2, v27;
	v36 =	vadd.f32 v56, v5;
	[tilespmem:v59+s30+$0x0] =	vst.idx.msk $0xffff, v33;
	v40 =	vld [tilespmem:s7+$0xFFFFFF30]  }
0x266: {  	v43 =	vadd.s32 v2, v30;
	v18 =	vadd.f32 v62, v5;
	v42 =	vld [tilespmem:s6+$0x0];
	[tilespmem:v29+s30+$0x0] =	vst.idx.msk $0xffff, v39  }
0x267: {  	v45 =	vadd.s32 v2, v13;
	[tilespmem:v63+s30+$0x0] =	vst.idx.msk $0xffff, v36;
	v47 =	vld [tilespmem:s6+$0xFFFFFFC0];
	v44 =	vadd.f32 v32, v5  }
0x268: {  	v46 =	vadd.s32 v3, v7;
	[tilespmem:v34+s30+$0x0] =	vst.idx.msk $0xffff, v18;
	v21 =	vld [tilespmem:s6+$0xFFFFFF80];
	v9 =	vadd.f32 v35, v5  }
0x269: {  	v18 =	vld [tilespmem:s6+$0xFFFFFF40];
	v50 =	vadd.s32 v3, v11;
	[tilespmem:v37+s30+$0x0] =	vst.idx.msk $0xffff, v44;
	v49 =	vadd.f32 v38, v5  }
0x26a: {  	v48 =	vadd.s32 v3, v10;
	v5 =	vadd.f32 v40, v5;
	v12 =	vld [tilespmem:s7+$0x0];
	[tilespmem:v41+s30+$0x0] =	vst.idx.msk $0xffff, v9  }
0x26b: {  	v52 =	vadd.s32 v3, v8;
	v51 =	vadd.f32 v42, v4;
	[tilespmem:v43+s30+$0x0] =	vst.idx.msk $0xffff, v49;
	v53 =	vld [tilespmem:s7+$0xFFFFFF80]  }
0x26c: {  	v55 =	vadd.s32 v3, v26;
	v56 =	vadd.f32 v47, v4;
	[tilespmem:v45+s30+$0x0] =	vst.idx.msk $0xffff, v5;
	v5 =	vld [tilespmem:s7+$0xFFFFFFC0]  }
0x26d: {  	v58 =	vadd.s32 v3, v27;
	[tilespmem:v46+s30+$0x0] =	vst.idx.msk $0xffff, v51;
	v54 =	vadd.f32 v21, v4;
	v57 =	vld [tilespmem:s7+$0xFFFFFF40]  }
0x26e: {  	s0 =	sadd.s32 $0x1, s0;
	v60 =	vadd.s32 v3, v30;
	v59 =	vadd.f32 v18, v4;
	[tilespmem:v50+s30+$0x0] =	vst.idx.msk $0xffff, v56  }
0x26f: {  	p0 =	sne.s32 s0, $0x32;
	v62 =	vadd.s32 v3, v13;
	[tilespmem:v48+s30+$0x0] =	vst.idx.msk $0xffff, v54;
	v61 =	vadd.f32 v12, v4  }
.Ltmp18:
0x270: {  	[tilespmem:v52+s30+$0x0] =	vst.idx.msk $0xffff, v59;
	v63 =	vadd.f32 v53, v4;
	(pc) =	sbr.rel @p0 .LBB2_2-.Ltmp18, $4  }
0x271: {  	[tilespmem:v55+s30+$0x0] =	vst.idx.msk $0xffff, v61;
	v5 =	vadd.f32 v5, v4  }
0x272: {  	v4 =	vadd.f32 v57, v4;
	[tilespmem:v58+s30+$0x0] =	vst.idx.msk $0xffff, v63  }
0x273: {  	[tilespmem:v60+s30+$0x0] =	vst.idx.msk $0xffff, v5  }
0x274: {  	[tilespmem:v62+s30+$0x0] =	vst.idx.msk $0xffff, v4  }
0x275: {  	s0 =	simm.s32 $0x17C00  }
0x276: {  	[hbm4b:s9+s3] =	stream.linear.scatter [tilespmem:s0], [sflag:$0x8], $0x80, $0x38;
	[tilespmem:$0x19E00] =	vst v63  }
0x277: {  	s31 =	simm.s32 $0x17C88;
	s1 =	sadd.s32 $0x10, s9  }
0x278: {  	[hbm4b:s1+s3] =	stream.linear.scatter [tilespmem:s31], [sflag:$0x8], $0x80, $0x38;
	[tilespmem:$0x19E00] =	vst v63  }
0x279: {  	s6 =	sadd.s32 $0x20, s9;
	s7 =	simm.s32 $0x17D98;
	s1 =	simm.s32 $0x17D10  }
0x27a: {  	[hbm4b:s6+s3] =	stream.linear.scatter [tilespmem:s1], [sflag:$0x8], $0x80, $0x38;
	[tilespmem:$0x19E00] =	vst v63  }
0x27b: {  	s10 =	sadd.s32 $0x30, s9;
	s11 =	simm.s32 $0x17E20;
	s12 =	sadd.s32 $0x40, s9  }
0x27c: {  	[hbm4b:s10+s3] =	stream.linear.scatter [tilespmem:s7], [sflag:$0x8], $0x80, $0x38;
	[tilespmem:$0x19E00] =	vst v63  }
0x27d: {  	s14 =	simm.s32 $0x17EA8;
	s15 =	sadd.s32 $0x50, s9;
	s16 =	simm.s32 $0x17F30  }
0x27e: {  	[hbm4b:s12+s3] =	stream.linear.scatter [tilespmem:s11], [sflag:$0x8], $0x80, $0x38;
	[tilespmem:$0x19E00] =	vst v63  }
0x27f: {  	s0 =	simm.s32 $0x440;
	s31 =	sadd.s32 $0x60, s9;
	s6 =	simm.s32 $0x2200  }
0x280: {  	[hbm4b:s15+s3] =	stream.linear.scatter [tilespmem:s14], [sflag:$0x8], $0x80, $0x38;
	[tilespmem:$0x19E00] =	vst v63  }
0x281: {  	s1 =	sadd.s32 $0x1000, s9;
	s7 =	simm.s32 $0x17FB8;
	s10 =	sadd.s32 $0x70, s9  }
0x282: {  	[hbm4b:s31+s3] =	stream.linear.scatter [tilespmem:s16], [sflag:$0x8], $0x80, $0x38;
	[tilespmem:$0x19E00] =	vst v63  }
.LBB2_34:
0x283: {  	[hbm4b:s10+s3] =	stream.linear.scatter [tilespmem:s7], [sflag:$0x8], $0x80, $0x38;
	[tilespmem:$0x19E00] =	vst v63  }
0x284: {  	s7 =	smov.u32 s0;
	s0 =	smov.u32 s6  }
0x285: {  	s11 =	sadd.s32 $0x1100, s6;
	s0 =	sshra.s32 s0, $0x2;
	s10 =	sadd.s32 $0x17C00, s7  }
0x286: {  	[hbm4b:s1+s3] =	stream.linear.scatter [tilespmem:s10], [sflag:$0x8], $0x80, $0x38;
	[tilespmem:$0x19E00] =	vst v63  }
0x287: {  	p0 =	sne.s32 s6, $0x7700;
	s6 =	sadd.s32 $0x17C88, s7;
	s10 =	sadd.s32 $0x10, s1  }
0x288: {  	[hbm4b:s10+s3] =	stream.linear.scatter [tilespmem:s6], [sflag:$0x8], $0x80, $0x38;
	[tilespmem:$0x19E00] =	vst v63  }
0x289: {  	s6 =	sadd.s32 $0x17D10, s7;
	s10 =	sadd.s32 $0x20, s1  }
0x28a: {  	[hbm4b:s10+s3] =	stream.linear.scatter [tilespmem:s6], [sflag:$0x8], $0x80, $0x38;
	[tilespmem:$0x19E00] =	vst v63  }
0x28b: {  	s6 =	sadd.s32 $0x17D98, s7;
	s10 =	sadd.s32 $0x30, s1  }
0x28c: {  	[hbm4b:s10+s3] =	stream.linear.scatter [tilespmem:s6], [sflag:$0x8], $0x80, $0x38;
	[tilespmem:$0x19E00] =	vst v63  }
0x28d: {  	s6 =	sadd.s32 $0x17E20, s7;
	s10 =	sadd.s32 $0x40, s1  }
0x28e: {  	[hbm4b:s10+s3] =	stream.linear.scatter [tilespmem:s6], [sflag:$0x8], $0x80, $0x38;
	[tilespmem:$0x19E00] =	vst v63  }
.Ltmp19:
0x28f: {  	s6 =	sadd.s32 $0x17EA8, s7;
	s10 =	sadd.s32 $0x50, s1;
	(pc) =	sbr.rel @p0 .LBB2_34-.Ltmp19, $4  }
0x290: {  	[hbm4b:s10+s3] =	stream.linear.scatter [tilespmem:s6], [sflag:$0x8], $0x80, $0x38;
	[tilespmem:$0x19E00] =	vst v63  }
0x291: {  	s6 =	sadd.s32 $0x17F30, s7;
	s10 =	sadd.s32 $0x60, s1;
	s7 =	sadd.s32 $0x17FB8, s7  }
0x292: {  	[hbm4b:s10+s3] =	stream.linear.scatter [tilespmem:s6], [sflag:$0x8], $0x80, $0x38;
	[tilespmem:$0x19E00] =	vst v63  }
0x293: {  	s10 =	sadd.s32 $0x70, s1;
	s1 =	sadd.s32 $0x1000, s1;
	s6 =	smov.u32 s11  }
0x294: {  	[hbm4b:s10+s3] =	stream.linear.scatter [tilespmem:s7], [sflag:$0x8], $0x80, $0x38;
	[tilespmem:$0x19E00] =	vst v63  }
0x295: {  	s6 =	sadd.s32 $0x17C00, s0  }
0x296: {  	[hbm4b:s1+s3] =	stream.linear.scatter [tilespmem:s6], [sflag:$0x8], $0x80, $0x38;
	[tilespmem:$0x19E00] =	vst v63  }
0x297: {  	s16 =	sadd.s32 $0x17C88, s0;
	s31 =	sadd.s32 $0x10, s1  }
0x298: {  	[hbm4b:s31+s3] =	stream.linear.scatter [tilespmem:s16], [sflag:$0x8], $0x80, $0x38;
	[tilespmem:$0x19E00] =	vst v63  }
0x299: {  	s7 =	sadd.s32 $0x17D10, s0;
	s10 =	sadd.s32 $0x20, s1  }
0x29a: {  	[hbm4b:s10+s3] =	stream.linear.scatter [tilespmem:s7], [sflag:$0x8], $0x80, $0x38;
	[tilespmem:$0x19E00] =	vst v63  }
0x29b: {  	s11 =	sadd.s32 $0x17D98, s0;
	s12 =	sadd.s32 $0x30, s1  }
0x29c: {  	[hbm4b:s12+s3] =	stream.linear.scatter [tilespmem:s11], [sflag:$0x8], $0x80, $0x38;
	[tilespmem:$0x19E00] =	vst v63  }
0x29d: {  	s14 =	sadd.s32 $0x17E20, s0;
	s15 =	sadd.s32 $0x40, s1  }
0x29e: {  	[hbm4b:s15+s3] =	stream.linear.scatter [tilespmem:s14], [sflag:$0x8], $0x80, $0x38;
	[tilespmem:$0x19E00] =	vst v63  }
0x29f: {  	s16 =	sadd.s32 $0x17EA8, s0;
	s31 =	sadd.s32 $0x50, s1  }
0x2a0: {  	[hbm4b:s31+s3] =	stream.linear.scatter [tilespmem:s16], [sflag:$0x8], $0x80, $0x38;
	[tilespmem:$0x19E00] =	vst v63  }
0x2a1: {  	s10 =	sadd.s32 $0x17F30, s0;
	s11 =	sadd.s32 $0x60, s1  }
0x2a2: {  	[hbm4b:s11+s3] =	stream.linear.scatter [tilespmem:s10], [sflag:$0x8], $0x80, $0x38;
	[tilespmem:$0x19E00] =	vst v63  }
0x2a3: {  	s12 =	sadd.s32 $0x17FB8, s0;
	s14 =	sadd.s32 $0x70, s1;
	s15 =	simm.s32 $0x5  }
0x2a4: {  	[hbm4b:s14+s3] =	stream.linear.scatter [tilespmem:s12], [sflag:$0x8], $0x80, $0x38;
	[tilespmem:$0x19E00] =	vst v63  }
0x2a5: {  	_ =	swait.ge [sflag:s15], $0x2000  }
0x2a6: {  	[sflag:s15] =	ssyncset.done $0x0  }
0x2a7: {  	[sflag:s15] =	ssyncadd.s32 $0xFFFFE000  }
0x2a8: {  	_ =	swait.ge [sflag:s22], $0x2000  }
0x2a9: {  	[sflag:s22] =	ssyncset.done $0x0  }
0x2aa: {  	[sflag:s22] =	ssyncadd.s32 $0xFFFFE000  }
0x2ab: {  	_ =	swait.ge [sflag:s25], $0x2000  }
0x2ac: {  	[sflag:s25] =	ssyncset.done $0x0  }
0x2ad: {  	[sflag:s25] =	ssyncadd.s32 $0xFFFFE000  }
0x2ae: {  	_ =	swait.ge [sflag:s29], $0x2000  }
0x2af: {  	s16 =	rddreg [dreg:$0x6]  }
0x2b0: {  	s31 =	rddreg [dreg:$0x5];
	s1 =	sadd.s32 $0x1, s16  }
0x2b1: {  	p0 =	sne.s32 s1, s31  }
.Ltmp20:
0x2b2: {  	_ = 	snop;
	(pc) =	sbr.rel @p0 .LBB2_1-.Ltmp20, $3  }
0x2b3: {  	_ =	sdelay $0x1  }
0x2b4: {  	[sflag:s29] =	ssyncset.done $0x0  }
0x2b5: {  	[sflag:s29] =	ssyncadd.s32 $0xFFFFE000  }
0x2b6: {  	_ =	sfence.sel $0x180000  }
0x2b7: {  	[bflag:$0x0] =	sbarrier.arrive $0xFFFF  }
0x2b8: {  	_ =	strace $0x90000047  }
0x2b9: {  	s0 =	stileid.u32;
	[bflag:$0x2] =	sbarrier.arrive $0xFFFF  }
0x2ba: {  	p0 =	sne.s32 s0, $0x0;
	s0 =	rddreg [dreg:$0x2]  }
0x2bb: {  	s0 =	sadd.s32 @!p0 $0x100000, s0  }
0x2bc: {  	[sflag:s0] =	ssyncadd.tile.s32 @!p0 $0x1;
	_ =	shalt  }
.Lfunc_end2:
_tile_overlayer_lowered:
.L_overlay_start_2:
0x2bd: {  	(tag) =	ssettag $0x2  }
0x2be: {  	s0 =	rddreg [dreg:$0x0];
	s2 =	stileid.u32  }
0x2bf: {  	s1 =	rddreg [dreg:$0x1];
	p0 =	sne.s32 s2, $0x0  }
0x2c0: {  	s3 =	rddreg [dreg:$0x2];
	[bflag:$0x3] =	sbarrier.arrive $0xFFFF;
	s2 =	simm.s32 @!p0 $0x1C09  }
0x2c1: {  	[timem:s3], [sflag:s2] =	dma.local @!p0 [hbm:s0], s1  }
0x2c2: {  	s0 =	simm.s32 @!p0 $0x9  }
0x2c3: {  	_ =	swait.ge @!p0 [sflag:s0], s1  }
0x2c4: {  	s1 =	ssub.s32 @!p0 $0x0, s1;
	[sflag:s0] =	ssyncset.done @!p0 $0x0  }
0x2c5: {  	[sflag:s0] =	ssyncadd.s32 @!p0 s1  }
0x2c6: {  	[bflag:$0x3] =	sbarrier.arrive $0xFFFF  }
0x2c7: {  	_ =	shalt  }

</sc_bundles>
